<compile_context>
chip_gen: v7x
topology: tpu7x:2x2x1
jax: 0.10.2.dev20260603
libtpu: 0.0.44.dev20260713+nightly
codegen_flags: <defaults>
</compile_context>

<pallas_src>
import functools

import jax
import jax.numpy as jnp
from jax import lax
from jax.experimental import pallas as pl
from jax.experimental.pallas import tpu as pltpu
from jax.experimental.pallas import tpu_sc as plsc

N = 10000
E = 320000
D = 128
H = 256
DH = D // 2

NUM_TILES = 16
CHUNK = 128
NCHT = 2504
PCH = 32
NPAD = 10112
ZROWS = NPAD // 16
NBUF = 2


def _sc_body(xs_hbm, eidx_hbm, zeros_hbm, out_hbm,
             x_sh, agg_sh, send0, recv0, send1, recv1,
             rows0, rows1, sem0, sem1, isem0, isem1):
    c = lax.axis_index("c")
    s = lax.axis_index("s")
    rows = (rows0, rows1)
    sems = (sem0, sem1)
    idx = ((send0, recv0), (send1, recv1))
    isems = (isem0, isem1)
    base = jnp.minimum(s * 160, 2400)

    @pl.when(s < 15)
    def _():
        pltpu.sync_copy(xs_hbm.at[c, pl.ds(s * 632, 632)],
                        x_sh.at[pl.ds(s * 632, 632)])

    @pl.when(s == 15)
    def _():
        pltpu.sync_copy(xs_hbm.at[c, pl.ds(9480, 520)],
                        x_sh.at[pl.ds(9480, 520)])

    pltpu.sync_copy(zeros_hbm, agg_sh.at[pl.ds(s * ZROWS, ZROWS)])
    pltpu.sync_copy(eidx_hbm.at[0, pl.ds(base, PCH)], send0)
    pltpu.sync_copy(eidx_hbm.at[1, pl.ds(base, PCH)], recv0)
    plsc.subcore_barrier()

    def gather(send_v, j, b):
        return pltpu.make_async_copy(x_sh.at[send_v.at[j]], rows[b], sems[b])

    def scatter(recv_v, j, b):
        pltpu.sync_copy(rows[b], agg_sh.at[recv_v.at[j]], add=True)

    def prefetch(p, off, cnt):
        send_v, recv_v = idx[p]
        pltpu.make_async_copy(eidx_hbm.at[0, pl.ds(off, cnt)],
                              send_v.at[pl.ds(0, cnt)], isems[p]).start()
        pltpu.make_async_copy(eidx_hbm.at[1, pl.ds(off, cnt)],
                              recv_v.at[pl.ds(0, cnt)], isems[p]).start()

    def wait_prefetch(p, off, cnt):
        send_v, recv_v = idx[p]
        pltpu.make_async_copy(eidx_hbm.at[0, pl.ds(off, cnt)],
                              send_v.at[pl.ds(0, cnt)], isems[p]).wait()
        pltpu.make_async_copy(eidx_hbm.at[1, pl.ds(off, cnt)],
                              recv_v.at[pl.ds(0, cnt)], isems[p]).wait()

    def run_phases(plan):
        for ph, (off, cnt) in enumerate(plan):
            send_v, recv_v = idx[ph % 2]
            if ph > 0:
                wait_prefetch(ph % 2, off, cnt)
            if ph + 1 < len(plan):
                prefetch((ph + 1) % 2, plan[ph + 1][0], plan[ph + 1][1])
            for b in range(NBUF):
                gather(send_v, b, b).start()

            def window(w, carry, send_v=send_v, recv_v=recv_v):
                i0 = w * NBUF
                for b in range(NBUF):
                    j = i0 + b
                    gather(send_v, j, b).wait()
                    scatter(recv_v, j, b)
                    gather(send_v, j + NBUF, b).start()
                return carry

            lax.fori_loop(0, cnt // NBUF - 1, window, 0)
            for b in range(NBUF):
                j = cnt - NBUF + b
                gather(send_v, j, b).wait()
                scatter(recv_v, j, b)

    @pl.when(s < 15)
    def _():
        run_phases([(base + h * PCH, PCH) for h in range(5)])

    @pl.when(s == 15)
    def _():
        run_phases([(base, PCH), (base + PCH, PCH),
                    (base + 2 * PCH, PCH), (base + 3 * PCH, 8)])

    plsc.subcore_barrier()

    r0 = s * ZROWS
    pltpu.sync_copy(agg_sh.at[pl.ds(r0, ZROWS)],
                    out_hbm.at[c, pl.ds(r0, ZROWS)])


_sc_aggregate = functools.partial(
    pl.kernel,
    out_type=jax.ShapeDtypeStruct((2, NPAD, DH), jnp.float32),
    mesh=plsc.VectorSubcoreMesh(core_axis_name="c", subcore_axis_name="s"),
    scratch_types=[
        pltpu.VMEM_SHARED((N, DH), jnp.float32),
        pltpu.VMEM_SHARED((NPAD, DH), jnp.float32),
    ]
    + [pltpu.VMEM((PCH, CHUNK), jnp.int32)] * 4
    + [pltpu.VMEM((CHUNK, DH), jnp.float32)] * NBUF
    + [pltpu.SemaphoreType.DMA] * (NBUF + 2),
)(_sc_body)


def _mlp_body(x_ref, p_ref, w1_ref, b1_ref, w2_ref, b2_ref, o_ref):
    h = (
        jnp.dot(x_ref[...], w1_ref[:D, :], preferred_element_type=jnp.float32)
        + jnp.dot(p_ref[0], w1_ref[D:D + DH, :],
                  preferred_element_type=jnp.float32)
        + jnp.dot(p_ref[1], w1_ref[D + DH:, :],
                  preferred_element_type=jnp.float32)
        + b1_ref[...]
    )
    h = jnp.maximum(h, 0.0)
    o_ref[...] = (
        jnp.dot(h, w2_ref[...], preferred_element_type=jnp.float32)
        + b2_ref[...]
    )


def _mlp(x, partials, W1, b1, W2, b2):
    blk = 2000
    grid = (N // blk,)
    return pl.pallas_call(
        _mlp_body,
        grid=grid,
        in_specs=[
            pl.BlockSpec((blk, D), lambda i: (i, 0)),
            pl.BlockSpec((2, blk, DH), lambda i: (0, i, 0)),
            pl.BlockSpec((2 * D, H), lambda i: (0, 0)),
            pl.BlockSpec((1, H), lambda i: (0, 0)),
            pl.BlockSpec((H, D), lambda i: (0, 0)),
            pl.BlockSpec((1, D), lambda i: (0, 0)),
        ],
        out_specs=pl.BlockSpec((blk, D), lambda i: (i, 0)),
        out_shape=jax.ShapeDtypeStruct((N, D), jnp.float32),
    )(x, partials, W1, b1, W2, b2)


def kernel(x, edge_index, W1, b1, W2, b2):
    padblk = jnp.concatenate([
        jnp.zeros((1, 512), jnp.int32),
        jnp.full((1, 512), N, jnp.int32),
    ])
    eidx = jnp.concatenate([edge_index, padblk], axis=1).reshape(
        2, NCHT, CHUNK)
    zeros = jnp.zeros((ZROWS, DH), dtype=jnp.float32)
    xs = jnp.stack([x[:, :DH], x[:, DH:]])
    partials = _sc_aggregate(xs, eidx, zeros)
    return _mlp(x, partials, W1, b1.reshape(1, H), W2, b2.reshape(1, D))

# --- scband reference (transcript-rebuilt; emitter-appended) ---
"""Pipeline reference for scband-node-processor-module-87608742903952 (READ-ONLY COPY).

The authoritative reference and input builder live on the scoring server;
editing this copy changes nothing except your own understanding.
"""

import jax, jax.numpy as jnp
import numpy as np

N = 10000
E = 320000
D = 128
H = 256


def setup_inputs(seed: int = 0) -> dict:
    key = jax.random.key(seed)
    k1, k2, k3, k4, k5, k6 = jax.random.split(key, 6)
    x = jax.random.normal(k1, (N, D), dtype=jnp.float32)
    edge_index = jax.random.randint(k2, (2, E), 0, N, dtype=jnp.int32)
    # MLP parameters: input dim = 2*D (concat of node_attr and aggregated messages)
    W1 = jax.random.normal(k3, (2 * D, H), dtype=jnp.float32) * (1.0 / np.sqrt(2 * D))
    b1 = jnp.zeros((H,), dtype=jnp.float32)
    W2 = jax.random.normal(k4, (H, D), dtype=jnp.float32) * (1.0 / np.sqrt(H))
    b2 = jnp.zeros((D,), dtype=jnp.float32)
    return {"x": x, "edge_index": edge_index, "W1": W1, "b1": b1, "W2": W2, "b2": b2}


def reference(x, edge_index, W1, b1, W2, b2):
    # decompose_graph: node_attr = x, edge_index
    senders_idx = edge_index[0]
    receivers_idx = edge_index[1]
    # message_to_send = node_attr[senders_idx]  (gather)
    message_to_send = jnp.take(x, senders_idx, axis=0)
    # SumAggregation over receivers (scatter-add / segment_sum), dim_size = num_nodes
    agg_message_received_nodes = jax.ops.segment_sum(
        message_to_send, receivers_idx, num_segments=N
    )
    # collected_nodes = cat([node_attr, agg], dim=-1)
    collected_nodes = jnp.concatenate([x, agg_message_received_nodes], axis=-1)
    # MLP update: Linear(2D->H) + ReLU + Linear(H->D)
    h = jnp.dot(collected_nodes, W1) + b1
    h = jax.nn.relu(h)
    new_node_attr = jnp.dot(h, W2) + b2
    return new_node_attr

if __name__ == "__main__":
    import jax
    _d = setup_inputs()
    print(jax.jit(kernel)(*tuple(_d.values())))

</pallas_src>

<mosaic_0001>
#map = affine_map<(d0, d1) -> (0, 0, 0)>
#map1 = affine_map<(d0, d1) -> (0, 0)>
module attributes {stable_mosaic.version = 14 : i64} {
  func.func @_sc_body(%arg0: i32, %arg1: i32, %arg2: memref<2x10000x64xf32, #tpu.memory_space<hbm>>, %arg3: memref<2x2504x128xi32, #tpu.memory_space<hbm>>, %arg4: memref<632x64xf32, #tpu.memory_space<hbm>>, %arg5: memref<2x10112x64xf32, #tpu.memory_space<hbm>>, %arg6: memref<10000x64xf32, #tpu.memory_space<vmem_shared>>, %arg7: memref<10112x64xf32, #tpu.memory_space<vmem_shared>>, %arg8: memref<32x128xi32, #tpu.memory_space<vmem>>, %arg9: memref<32x128xi32, #tpu.memory_space<vmem>>, %arg10: memref<32x128xi32, #tpu.memory_space<vmem>>, %arg11: memref<32x128xi32, #tpu.memory_space<vmem>>, %arg12: memref<128x64xf32, #tpu.memory_space<vmem>>, %arg13: memref<128x64xf32, #tpu.memory_space<vmem>>, %arg14: memref<!tpu.dma_semaphore, #tpu.memory_space<semaphore_mem>>, %arg15: memref<!tpu.dma_semaphore, #tpu.memory_space<semaphore_mem>>, %arg16: memref<!tpu.dma_semaphore, #tpu.memory_space<semaphore_mem>>, %arg17: memref<!tpu.dma_semaphore, #tpu.memory_space<semaphore_mem>>) attributes {dimension_semantics = [#tpu.dimension_semantics<core_parallel>, #tpu.dimension_semantics<subcore_parallel>], iteration_bounds = array<i64: 2, 16>, scalar_prefetch = 0 : i64, scratch_operands = 12 : i64, tpu.core_type = #tpu.core_type<sc_vector_subcore>, window_params = [{transform_indices = #map}, {transform_indices = #map}, {transform_indices = #map1}, {transform_indices = #map}]} {
    %mul3A = arith.constant 160 : i32
    %mul3A_0 = arith.muli %arg1, %mul3A : i32
    %min3A = arith.constant 2400 : i32
    %min3A_1 = arith.minsi %mul3A_0, %min3A : i32
    %lt3A = arith.constant 15 : i32
    %lt3A_2 = arith.cmpi slt, %arg1, %lt3A : i32
    %convert_element_type3A = arith.extui %lt3A_2 : i1 to i32
    %cond3A = arith.constant 0 : i32
    %cond3A_3 = arith.cmpi ne, %convert_element_type3A, %cond3A : i32
    scf.if %cond3A_3 {
      %mul3A_24 = arith.constant 632 : i32
      %mul3A_25 = arith.muli %arg1, %mul3A_24 : i32
      %mul3A_26 = arith.constant 632 : i32
      %mul3A_27 = arith.muli %arg1, %mul3A_26 : i32
      "tpu.region"() ({
        %run_scoped3A_28 = tpu.sem_alloc : memref<!tpu.dma_semaphore, #tpu.memory_space<semaphore_mem>>
        %dma_start3A = arith.constant 0 : i32
        %dma_start3A_29 = tpu.memref_slice %arg6[%mul3A_27, %dma_start3A] : memref<10000x64xf32, #tpu.memory_space<vmem_shared>> -> memref<632x64xf32, #tpu.memory_space<vmem_shared>>
        %dma_start3A_30 = arith.constant 0 : i32
        %dma_start3A_31 = tpu.memref_slice %arg2[%arg0, %mul3A_25, %dma_start3A_30] : memref<2x10000x64xf32, #tpu.memory_space<hbm>> -> memref<1x632x64xf32, #tpu.memory_space<hbm>>
        %dma_start3A_32 = tpu.memref_squeeze %dma_start3A_31 : memref<1x632x64xf32, #tpu.memory_space<hbm>> -> memref<632x64xf32, #tpu.memory_space<hbm>>
        tpu.enqueue_dma source(%dma_start3A_32 : memref<632x64xf32, #tpu.memory_space<hbm>>) target(%dma_start3A_29 : memref<632x64xf32, #tpu.memory_space<vmem_shared>>) target_semaphore(%run_scoped3A_28 : memref<!tpu.dma_semaphore, #tpu.memory_space<semaphore_mem>>)
        %dma_wait3A = arith.constant 0 : i32
        %dma_wait3A_33 = tpu.memref_slice %arg6[%mul3A_27, %dma_wait3A] : memref<10000x64xf32, #tpu.memory_space<vmem_shared>> -> memref<632x64xf32, #tpu.memory_space<vmem_shared>>
        %dma_wait3A_34 = arith.constant 0 : i32
        %dma_wait3A_35 = tpu.memref_slice %arg2[%arg0, %mul3A_25, %dma_wait3A_34] : memref<2x10000x64xf32, #tpu.memory_space<hbm>> -> memref<1x632x64xf32, #tpu.memory_space<hbm>>
        %dma_wait3A_36 = tpu.memref_squeeze %dma_wait3A_35 : memref<1x632x64xf32, #tpu.memory_space<hbm>> -> memref<632x64xf32, #tpu.memory_space<hbm>>
        tpu.wait_dma2 semaphore(%run_scoped3A_28 : memref<!tpu.dma_semaphore, #tpu.memory_space<semaphore_mem>>) src(%dma_wait3A_36 : memref<632x64xf32, #tpu.memory_space<hbm>>) dst(%dma_wait3A_33 : memref<632x64xf32, #tpu.memory_space<vmem_shared>>)
        tpu.yield
      }) : () -> ()
    } else {
    }
    %eq3A = arith.constant 15 : i32
    %eq3A_4 = arith.cmpi eq, %arg1, %eq3A : i32
    %convert_element_type3A_5 = arith.extui %eq3A_4 : i1 to i32
    %cond3A_6 = arith.constant 0 : i32
    %cond3A_7 = arith.cmpi ne, %convert_element_type3A_5, %cond3A_6 : i32
    scf.if %cond3A_7 {
      "tpu.region"() ({
        %run_scoped3A_24 = tpu.sem_alloc : memref<!tpu.dma_semaphore, #tpu.memory_space<semaphore_mem>>
        %dma_start3A = arith.constant 9480 : i32
        %dma_start3A_25 = arith.constant 0 : i32
        %dma_start3A_26 = tpu.memref_slice %arg6[%dma_start3A, %dma_start3A_25] : memref<10000x64xf32, #tpu.memory_space<vmem_shared>> -> memref<520x64xf32, #tpu.memory_space<vmem_shared>>
        %dma_start3A_27 = arith.constant 9480 : i32
        %dma_start3A_28 = arith.constant 0 : i32
        %dma_start3A_29 = tpu.memref_slice %arg2[%arg0, %dma_start3A_27, %dma_start3A_28] : memref<2x10000x64xf32, #tpu.memory_space<hbm>> -> memref<1x520x64xf32, #tpu.memory_space<hbm>>
        %dma_start3A_30 = tpu.memref_squeeze %dma_start3A_29 : memref<1x520x64xf32, #tpu.memory_space<hbm>> -> memref<520x64xf32, #tpu.memory_space<hbm>>
        tpu.enqueue_dma source(%dma_start3A_30 : memref<520x64xf32, #tpu.memory_space<hbm>>) target(%dma_start3A_26 : memref<520x64xf32, #tpu.memory_space<vmem_shared>>) target_semaphore(%run_scoped3A_24 : memref<!tpu.dma_semaphore, #tpu.memory_space<semaphore_mem>>)
        %dma_wait3A = arith.constant 9480 : i32
        %dma_wait3A_31 = arith.constant 0 : i32
        %dma_wait3A_32 = tpu.memref_slice %arg6[%dma_wait3A, %dma_wait3A_31] : memref<10000x64xf32, #tpu.memory_space<vmem_shared>> -> memref<520x64xf32, #tpu.memory_space<vmem_shared>>
        %dma_wait3A_33 = arith.constant 9480 : i32
        %dma_wait3A_34 = arith.constant 0 : i32
        %dma_wait3A_35 = tpu.memref_slice %arg2[%arg0, %dma_wait3A_33, %dma_wait3A_34] : memref<2x10000x64xf32, #tpu.memory_space<hbm>> -> memref<1x520x64xf32, #tpu.memory_space<hbm>>
        %dma_wait3A_36 = tpu.memref_squeeze %dma_wait3A_35 : memref<1x520x64xf32, #tpu.memory_space<hbm>> -> memref<520x64xf32, #tpu.memory_space<hbm>>
        tpu.wait_dma2 semaphore(%run_scoped3A_24 : memref<!tpu.dma_semaphore, #tpu.memory_space<semaphore_mem>>) src(%dma_wait3A_36 : memref<520x64xf32, #tpu.memory_space<hbm>>) dst(%dma_wait3A_32 : memref<520x64xf32, #tpu.memory_space<vmem_shared>>)
        tpu.yield
      }) : () -> ()
    } else {
    }
    %mul3A_8 = arith.constant 632 : i32
    %mul3A_9 = arith.muli %arg1, %mul3A_8 : i32
    "tpu.region"() ({
      %run_scoped3A_24 = tpu.sem_alloc : memref<!tpu.dma_semaphore, #tpu.memory_space<semaphore_mem>>
      %dma_start3A = arith.constant 0 : i32
      %dma_start3A_25 = tpu.memref_slice %arg7[%mul3A_9, %dma_start3A] : memref<10112x64xf32, #tpu.memory_space<vmem_shared>> -> memref<632x64xf32, #tpu.memory_space<vmem_shared>>
      tpu.enqueue_dma source(%arg4 : memref<632x64xf32, #tpu.memory_space<hbm>>) target(%dma_start3A_25 : memref<632x64xf32, #tpu.memory_space<vmem_shared>>) target_semaphore(%run_scoped3A_24 : memref<!tpu.dma_semaphore, #tpu.memory_space<semaphore_mem>>)
      %dma_wait3A = arith.constant 0 : i32
      %dma_wait3A_26 = tpu.memref_slice %arg7[%mul3A_9, %dma_wait3A] : memref<10112x64xf32, #tpu.memory_space<vmem_shared>> -> memref<632x64xf32, #tpu.memory_space<vmem_shared>>
      tpu.wait_dma2 semaphore(%run_scoped3A_24 : memref<!tpu.dma_semaphore, #tpu.memory_space<semaphore_mem>>) src(%arg4 : memref<632x64xf32, #tpu.memory_space<hbm>>) dst(%dma_wait3A_26 : memref<632x64xf32, #tpu.memory_space<vmem_shared>>)
      tpu.yield
    }) : () -> ()
    %run_scoped3A = arith.constant 0 : i32
    "tpu.region"() ({
      %run_scoped3A_24 = tpu.sem_alloc : memref<!tpu.dma_semaphore, #tpu.memory_space<semaphore_mem>>
      %dma_start3A = arith.constant 0 : i32
      %dma_start3A_25 = tpu.memref_slice %arg3[%run_scoped3A, %min3A_1, %dma_start3A] : memref<2x2504x128xi32, #tpu.memory_space<hbm>> -> memref<1x32x128xi32, #tpu.memory_space<hbm>>
      %dma_start3A_26 = tpu.memref_squeeze %dma_start3A_25 : memref<1x32x128xi32, #tpu.memory_space<hbm>> -> memref<32x128xi32, #tpu.memory_space<hbm>>
      %dma_start3A_27 = arith.constant 0 : i32
      %dma_start3A_28 = tpu.memref_slice %arg3[%run_scoped3A, %min3A_1, %dma_start3A_27] : memref<2x2504x128xi32, #tpu.memory_space<hbm>> -> memref<1x32x128xi32, #tpu.memory_space<hbm>>
      %dma_start3A_29 = tpu.memref_squeeze %dma_start3A_28 : memref<1x32x128xi32, #tpu.memory_space<hbm>> -> memref<32x128xi32, #tpu.memory_space<hbm>>
      tpu.enqueue_dma source(%dma_start3A_29 : memref<32x128xi32, #tpu.memory_space<hbm>>) target(%arg8 : memref<32x128xi32, #tpu.memory_space<vmem>>) target_semaphore(%run_scoped3A_24 : memref<!tpu.dma_semaphore, #tpu.memory_space<semaphore_mem>>)
      %dma_wait3A = arith.constant 0 : i32
      %dma_wait3A_30 = tpu.memref_slice %arg3[%run_scoped3A, %min3A_1, %dma_wait3A] : memref<2x2504x128xi32, #tpu.memory_space<hbm>> -> memref<1x32x128xi32, #tpu.memory_space<hbm>>
      %dma_wait3A_31 = tpu.memref_squeeze %dma_wait3A_30 : memref<1x32x128xi32, #tpu.memory_space<hbm>> -> memref<32x128xi32, #tpu.memory_space<hbm>>
      %dma_wait3A_32 = arith.constant 0 : i32
      %dma_wait3A_33 = tpu.memref_slice %arg3[%run_scoped3A, %min3A_1, %dma_wait3A_32] : memref<2x2504x128xi32, #tpu.memory_space<hbm>> -> memref<1x32x128xi32, #tpu.memory_space<hbm>>
      %dma_wait3A_34 = tpu.memref_squeeze %dma_wait3A_33 : memref<1x32x128xi32, #tpu.memory_space<hbm>> -> memref<32x128xi32, #tpu.memory_space<hbm>>
      tpu.wait_dma2 semaphore(%run_scoped3A_24 : memref<!tpu.dma_semaphore, #tpu.memory_space<semaphore_mem>>) src(%dma_wait3A_34 : memref<32x128xi32, #tpu.memory_space<hbm>>) dst(%arg8 : memref<32x128xi32, #tpu.memory_space<vmem>>)
      tpu.yield
    }) : () -> ()
    %run_scoped3A_10 = arith.constant 1 : i32
    "tpu.region"() ({
      %run_scoped3A_24 = tpu.sem_alloc : memref<!tpu.dma_semaphore, #tpu.memory_space<semaphore_mem>>
      %dma_start3A = arith.constant 0 : i32
      %dma_start3A_25 = tpu.memref_slice %arg3[%run_scoped3A_10, %min3A_1, %dma_start3A] : memref<2x2504x128xi32, #tpu.memory_space<hbm>> -> memref<1x32x128xi32, #tpu.memory_space<hbm>>
      %dma_start3A_26 = tpu.memref_squeeze %dma_start3A_25 : memref<1x32x128xi32, #tpu.memory_space<hbm>> -> memref<32x128xi32, #tpu.memory_space<hbm>>
      %dma_start3A_27 = arith.constant 0 : i32
      %dma_start3A_28 = tpu.memref_slice %arg3[%run_scoped3A_10, %min3A_1, %dma_start3A_27] : memref<2x2504x128xi32, #tpu.memory_space<hbm>> -> memref<1x32x128xi32, #tpu.memory_space<hbm>>
      %dma_start3A_29 = tpu.memref_squeeze %dma_start3A_28 : memref<1x32x128xi32, #tpu.memory_space<hbm>> -> memref<32x128xi32, #tpu.memory_space<hbm>>
      tpu.enqueue_dma source(%dma_start3A_29 : memref<32x128xi32, #tpu.memory_space<hbm>>) target(%arg9 : memref<32x128xi32, #tpu.memory_space<vmem>>) target_semaphore(%run_scoped3A_24 : memref<!tpu.dma_semaphore, #tpu.memory_space<semaphore_mem>>)
      %dma_wait3A = arith.constant 0 : i32
      %dma_wait3A_30 = tpu.memref_slice %arg3[%run_scoped3A_10, %min3A_1, %dma_wait3A] : memref<2x2504x128xi32, #tpu.memory_space<hbm>> -> memref<1x32x128xi32, #tpu.memory_space<hbm>>
      %dma_wait3A_31 = tpu.memref_squeeze %dma_wait3A_30 : memref<1x32x128xi32, #tpu.memory_space<hbm>> -> memref<32x128xi32, #tpu.memory_space<hbm>>
      %dma_wait3A_32 = arith.constant 0 : i32
      %dma_wait3A_33 = tpu.memref_slice %arg3[%run_scoped3A_10, %min3A_1, %dma_wait3A_32] : memref<2x2504x128xi32, #tpu.memory_space<hbm>> -> memref<1x32x128xi32, #tpu.memory_space<hbm>>
      %dma_wait3A_34 = tpu.memref_squeeze %dma_wait3A_33 : memref<1x32x128xi32, #tpu.memory_space<hbm>> -> memref<32x128xi32, #tpu.memory_space<hbm>>
      tpu.wait_dma2 semaphore(%run_scoped3A_24 : memref<!tpu.dma_semaphore, #tpu.memory_space<semaphore_mem>>) src(%dma_wait3A_34 : memref<32x128xi32, #tpu.memory_space<hbm>>) dst(%arg9 : memref<32x128xi32, #tpu.memory_space<vmem>>)
      tpu.yield
    }) : () -> ()
    %barrier3A = arith.constant 0 : index
    tpu.barrier barrier_id(%barrier3A)
    %lt3A_11 = arith.constant 15 : i32
    %lt3A_12 = arith.cmpi slt, %arg1, %lt3A_11 : i32
    %convert_element_type3A_13 = arith.extui %lt3A_12 : i1 to i32
    %cond3A_14 = arith.constant 0 : i32
    %cond3A_15 = arith.cmpi ne, %convert_element_type3A_13, %cond3A_14 : i32
    scf.if %cond3A_15 {
      %add3A = arith.constant 0 : i32
      %add3A_24 = arith.addi %min3A_1, %add3A : i32
      %add3A_25 = arith.constant 32 : i32
      %add3A_26 = arith.addi %min3A_1, %add3A_25 : i32
      %add3A_27 = arith.constant 64 : i32
      %add3A_28 = arith.addi %min3A_1, %add3A_27 : i32
      %add3A_29 = arith.constant 96 : i32
      %add3A_30 = arith.addi %min3A_1, %add3A_29 : i32
      %add3A_31 = arith.constant 128 : i32
      %add3A_32 = arith.addi %min3A_1, %add3A_31 : i32
      %dma_start3A = arith.constant 0 : i32
      %dma_start3A_33 = arith.constant 0 : i32
      %dma_start3A_34 = arith.constant 0 : i32
      %dma_start3A_35 = tpu.memref_slice %arg10[%dma_start3A_33, %dma_start3A_34] : memref<32x128xi32, #tpu.memory_space<vmem>> -> memref<32x128xi32, #tpu.memory_space<vmem>>
      %dma_start3A_36 = arith.constant 0 : i32
      %dma_start3A_37 = tpu.memref_slice %arg3[%dma_start3A, %add3A_26, %dma_start3A_36] : memref<2x2504x128xi32, #tpu.memory_space<hbm>> -> memref<1x32x128xi32, #tpu.memory_space<hbm>>
      %dma_start3A_38 = tpu.memref_squeeze %dma_start3A_37 : memref<1x32x128xi32, #tpu.memory_space<hbm>> -> memref<32x128xi32, #tpu.memory_space<hbm>>
      %dma_start3A_39 = arith.constant 0 : i32
      %dma_start3A_40 = arith.constant 0 : i32
      %dma_start3A_41 = tpu.memref_slice %arg10[%dma_start3A_39, %dma_start3A_40] : memref<32x128xi32, #tpu.memory_space<vmem>> -> memref<32x128xi32, #tpu.memory_space<vmem>>
      %dma_start3A_42 = arith.constant 0 : i32
      %dma_start3A_43 = tpu.memref_slice %arg3[%dma_start3A, %add3A_26, %dma_start3A_42] : memref<2x2504x128xi32, #tpu.memory_space<hbm>> -> memref<1x32x128xi32, #tpu.memory_space<hbm>>
      %dma_start3A_44 = tpu.memref_squeeze %dma_start3A_43 : memref<1x32x128xi32, #tpu.memory_space<hbm>> -> memref<32x128xi32, #tpu.memory_space<hbm>>
      tpu.enqueue_dma source(%dma_start3A_44 : memref<32x128xi32, #tpu.memory_space<hbm>>) target(%dma_start3A_41 : memref<32x128xi32, #tpu.memory_space<vmem>>) target_semaphore(%arg17 : memref<!tpu.dma_semaphore, #tpu.memory_space<semaphore_mem>>)
      %dma_start3A_45 = arith.constant 1 : i32
      %dma_start3A_46 = arith.constant 0 : i32
      %dma_start3A_47 = arith.constant 0 : i32
      %dma_start3A_48 = tpu.memref_slice %arg11[%dma_start3A_46, %dma_start3A_47] : memref<32x128xi32, #tpu.memory_space<vmem>> -> memref<32x128xi32, #tpu.memory_space<vmem>>
      %dma_start3A_49 = arith.constant 0 : i32
      %dma_start3A_50 = tpu.memref_slice %arg3[%dma_start3A_45, %add3A_26, %dma_start3A_49] : memref<2x2504x128xi32, #tpu.memory_space<hbm>> -> memref<1x32x128xi32, #tpu.memory_space<hbm>>
      %dma_start3A_51 = tpu.memref_squeeze %dma_start3A_50 : memref<1x32x128xi32, #tpu.memory_space<hbm>> -> memref<32x128xi32, #tpu.memory_space<hbm>>
      %dma_start3A_52 = arith.constant 0 : i32
      %dma_start3A_53 = arith.constant 0 : i32
      %dma_start3A_54 = tpu.memref_slice %arg11[%dma_start3A_52, %dma_start3A_53] : memref<32x128xi32, #tpu.memory_space<vmem>> -> memref<32x128xi32, #tpu.memory_space<vmem>>
      %dma_start3A_55 = arith.constant 0 : i32
      %dma_start3A_56 = tpu.memref_slice %arg3[%dma_start3A_45, %add3A_26, %dma_start3A_55] : memref<2x2504x128xi32, #tpu.memory_space<hbm>> -> memref<1x32x128xi32, #tpu.memory_space<hbm>>
      %dma_start3A_57 = tpu.memref_squeeze %dma_start3A_56 : memref<1x32x128xi32, #tpu.memory_space<hbm>> -> memref<32x128xi32, #tpu.memory_space<hbm>>
      tpu.enqueue_dma source(%dma_start3A_57 : memref<32x128xi32, #tpu.memory_space<hbm>>) target(%dma_start3A_54 : memref<32x128xi32, #tpu.memory_space<vmem>>) target_semaphore(%arg17 : memref<!tpu.dma_semaphore, #tpu.memory_space<semaphore_mem>>)
      %dma_start3A_58 = arith.constant 0 : i32
      %dma_start3A_59 = arith.constant 0 : i32
      %dma_start3A_60 = tpu.memref_slice %arg8[%dma_start3A_58, %dma_start3A_59] : memref<32x128xi32, #tpu.memory_space<vmem>> -> memref<1x128xi32, #tpu.memory_space<vmem>>
      %dma_start3A_61 = tpu.memref_squeeze %dma_start3A_60 : memref<1x128xi32, #tpu.memory_space<vmem>> -> memref<128xi32, #tpu.memory_space<vmem>>
      %dma_start3A_62 = arith.constant 0 : i32
      %dma_start3A_63 = arith.constant 0 : i32
      %dma_start3A_64 = tpu.memref_slice %arg6[%dma_start3A_62, %dma_start3A_63] : memref<10000x64xf32, #tpu.memory_space<vmem_shared>> -> memref<10000x64xf32, #tpu.memory_space<vmem_shared>>
      tpu.enqueue_indirect_dma source(%dma_start3A_64 : memref<10000x64xf32, #tpu.memory_space<vmem_shared>>) target(%arg12 : memref<128x64xf32, #tpu.memory_space<vmem>>) offsets(%dma_start3A_61 : memref<128xi32, #tpu.memory_space<vmem>>) semaphore(%arg14 : memref<!tpu.dma_semaphore, #tpu.memory_space<semaphore_mem>>)
      %dma_start3A_65 = arith.constant 1 : i32
      %dma_start3A_66 = arith.constant 0 : i32
      %dma_start3A_67 = tpu.memref_slice %arg8[%dma_start3A_65, %dma_start3A_66] : memref<32x128xi32, #tpu.memory_space<vmem>> -> memref<1x128xi32, #tpu.memory_space<vmem>>
      %dma_start3A_68 = tpu.memref_squeeze %dma_start3A_67 : memref<1x128xi32, #tpu.memory_space<vmem>> -> memref<128xi32, #tpu.memory_space<vmem>>
      %dma_start3A_69 = arith.constant 0 : i32
      %dma_start3A_70 = arith.constant 0 : i32
      %dma_start3A_71 = tpu.memref_slice %arg6[%dma_start3A_69, %dma_start3A_70] : memref<10000x64xf32, #tpu.memory_space<vmem_shared>> -> memref<10000x64xf32, #tpu.memory_space<vmem_shared>>
      tpu.enqueue_indirect_dma source(%dma_start3A_71 : memref<10000x64xf32, #tpu.memory_space<vmem_shared>>) target(%arg13 : memref<128x64xf32, #tpu.memory_space<vmem>>) offsets(%dma_start3A_68 : memref<128xi32, #tpu.memory_space<vmem>>) semaphore(%arg15 : memref<!tpu.dma_semaphore, #tpu.memory_space<semaphore_mem>>)
      %scan3A = arith.constant 0 : i32
      %scan3A_72 = arith.constant 0 : i32
      %scan3A_73 = arith.constant 15 : i32
      %scan3A_74 = arith.addi %scan3A_72, %scan3A_73 : i32
      %scan3A_75 = arith.constant 1 : i32
      scf.for %scan3A_418 = %scan3A_72 to %scan3A_74 step %scan3A_75  : i32 {
        %mul3A_419 = arith.constant 2 : i32
        %mul3A_420 = arith.muli %scan3A_418, %mul3A_419 : i32
        %add3A_421 = arith.constant 0 : i32
        %add3A_422 = arith.addi %mul3A_420, %add3A_421 : i32
        %dma_wait3A_423 = arith.constant 0 : i32
        %dma_wait3A_424 = tpu.memref_slice %arg8[%add3A_422, %dma_wait3A_423] : memref<32x128xi32, #tpu.memory_space<vmem>> -> memref<1x128xi32, #tpu.memory_space<vmem>>
        %dma_wait3A_425 = tpu.memref_squeeze %dma_wait3A_424 : memref<1x128xi32, #tpu.memory_space<vmem>> -> memref<128xi32, #tpu.memory_space<vmem>>
        %dma_wait3A_426 = arith.constant 0 : i32
        %dma_wait3A_427 = arith.constant 0 : i32
        %dma_wait3A_428 = tpu.memref_slice %arg6[%dma_wait3A_426, %dma_wait3A_427] : memref<10000x64xf32, #tpu.memory_space<vmem_shared>> -> memref<10000x64xf32, #tpu.memory_space<vmem_shared>>
        tpu.wait_indirect_dma semaphore(%arg14 : memref<!tpu.dma_semaphore, #tpu.memory_space<semaphore_mem>>) src(%dma_wait3A_428 : memref<10000x64xf32, #tpu.memory_space<vmem_shared>>) dst(%arg12 : memref<128x64xf32, #tpu.memory_space<vmem>>)
        "tpu.region"() ({
          %run_scoped3A_453 = tpu.sem_alloc : memref<!tpu.dma_semaphore, #tpu.memory_space<semaphore_mem>>
          %dma_start3A_454 = arith.constant 0 : i32
          %dma_start3A_455 = tpu.memref_slice %arg9[%add3A_422, %dma_start3A_454] : memref<32x128xi32, #tpu.memory_space<vmem>> -> memref<1x128xi32, #tpu.memory_space<vmem>>
          %dma_start3A_456 = tpu.memref_squeeze %dma_start3A_455 : memref<1x128xi32, #tpu.memory_space<vmem>> -> memref<128xi32, #tpu.memory_space<vmem>>
          %dma_start3A_457 = arith.constant 0 : i32
          %dma_start3A_458 = arith.constant 0 : i32
          %dma_start3A_459 = tpu.memref_slice %arg7[%dma_start3A_457, %dma_start3A_458] : memref<10112x64xf32, #tpu.memory_space<vmem_shared>> -> memref<10112x64xf32, #tpu.memory_space<vmem_shared>>
          tpu.enqueue_indirect_dma source(%arg12 : memref<128x64xf32, #tpu.memory_space<vmem>>) target(%dma_start3A_459 : memref<10112x64xf32, #tpu.memory_space<vmem_shared>>) offsets(%dma_start3A_456 : memref<128xi32, #tpu.memory_space<vmem>>) semaphore(%run_scoped3A_453 : memref<!tpu.dma_semaphore, #tpu.memory_space<semaphore_mem>>) {add = true}
          %dma_wait3A_460 = arith.constant 0 : i32
          %dma_wait3A_461 = tpu.memref_slice %arg9[%add3A_422, %dma_wait3A_460] : memref<32x128xi32, #tpu.memory_space<vmem>> -> memref<1x128xi32, #tpu.memory_space<vmem>>
          %dma_wait3A_462 = tpu.memref_squeeze %dma_wait3A_461 : memref<1x128xi32, #tpu.memory_space<vmem>> -> memref<128xi32, #tpu.memory_space<vmem>>
          %dma_wait3A_463 = arith.constant 0 : i32
          %dma_wait3A_464 = arith.constant 0 : i32
          %dma_wait3A_465 = tpu.memref_slice %arg7[%dma_wait3A_463, %dma_wait3A_464] : memref<10112x64xf32, #tpu.memory_space<vmem_shared>> -> memref<10112x64xf32, #tpu.memory_space<vmem_shared>>
          tpu.wait_indirect_dma semaphore(%run_scoped3A_453 : memref<!tpu.dma_semaphore, #tpu.memory_space<semaphore_mem>>) src(%arg12 : memref<128x64xf32, #tpu.memory_space<vmem>>) dst(%dma_wait3A_465 : memref<10112x64xf32, #tpu.memory_space<vmem_shared>>)
          tpu.yield
        }) : () -> ()
        %add3A_429 = arith.constant 2 : i32
        %add3A_430 = arith.addi %add3A_422, %add3A_429 : i32
        %dma_start3A_431 = arith.constant 0 : i32
        %dma_start3A_432 = tpu.memref_slice %arg8[%add3A_430, %dma_start3A_431] : memref<32x128xi32, #tpu.memory_space<vmem>> -> memref<1x128xi32, #tpu.memory_space<vmem>>
        %dma_start3A_433 = tpu.memref_squeeze %dma_start3A_432 : memref<1x128xi32, #tpu.memory_space<vmem>> -> memref<128xi32, #tpu.memory_space<vmem>>
        %dma_start3A_434 = arith.constant 0 : i32
        %dma_start3A_435 = arith.constant 0 : i32
        %dma_start3A_436 = tpu.memref_slice %arg6[%dma_start3A_434, %dma_start3A_435] : memref<10000x64xf32, #tpu.memory_space<vmem_shared>> -> memref<10000x64xf32, #tpu.memory_space<vmem_shared>>
        tpu.enqueue_indirect_dma source(%dma_start3A_436 : memref<10000x64xf32, #tpu.memory_space<vmem_shared>>) target(%arg12 : memref<128x64xf32, #tpu.memory_space<vmem>>) offsets(%dma_start3A_433 : memref<128xi32, #tpu.memory_space<vmem>>) semaphore(%arg14 : memref<!tpu.dma_semaphore, #tpu.memory_space<semaphore_mem>>)
        %add3A_437 = arith.constant 1 : i32
        %add3A_438 = arith.addi %mul3A_420, %add3A_437 : i32
        %dma_wait3A_439 = arith.constant 0 : i32
        %dma_wait3A_440 = tpu.memref_slice %arg8[%add3A_438, %dma_wait3A_439] : memref<32x128xi32, #tpu.memory_space<vmem>> -> memref<1x128xi32, #tpu.memory_space<vmem>>
        %dma_wait3A_441 = tpu.memref_squeeze %dma_wait3A_440 : memref<1x128xi32, #tpu.memory_space<vmem>> -> memref<128xi32, #tpu.memory_space<vmem>>
        %dma_wait3A_442 = arith.constant 0 : i32
        %dma_wait3A_443 = arith.constant 0 : i32
        %dma_wait3A_444 = tpu.memref_slice %arg6[%dma_wait3A_442, %dma_wait3A_443] : memref<10000x64xf32, #tpu.memory_space<vmem_shared>> -> memref<10000x64xf32, #tpu.memory_space<vmem_shared>>
        tpu.wait_indirect_dma semaphore(%arg15 : memref<!tpu.dma_semaphore, #tpu.memory_space<semaphore_mem>>) src(%dma_wait3A_444 : memref<10000x64xf32, #tpu.memory_space<vmem_shared>>) dst(%arg13 : memref<128x64xf32, #tpu.memory_space<vmem>>)
        "tpu.region"() ({
          %run_scoped3A_453 = tpu.sem_alloc : memref<!tpu.dma_semaphore, #tpu.memory_space<semaphore_mem>>
          %dma_start3A_454 = arith.constant 0 : i32
          %dma_start3A_455 = tpu.memref_slice %arg9[%add3A_438, %dma_start3A_454] : memref<32x128xi32, #tpu.memory_space<vmem>> -> memref<1x128xi32, #tpu.memory_space<vmem>>
          %dma_start3A_456 = tpu.memref_squeeze %dma_start3A_455 : memref<1x128xi32, #tpu.memory_space<vmem>> -> memref<128xi32, #tpu.memory_space<vmem>>
          %dma_start3A_457 = arith.constant 0 : i32
          %dma_start3A_458 = arith.constant 0 : i32
          %dma_start3A_459 = tpu.memref_slice %arg7[%dma_start3A_457, %dma_start3A_458] : memref<10112x64xf32, #tpu.memory_space<vmem_shared>> -> memref<10112x64xf32, #tpu.memory_space<vmem_shared>>
          tpu.enqueue_indirect_dma source(%arg13 : memref<128x64xf32, #tpu.memory_space<vmem>>) target(%dma_start3A_459 : memref<10112x64xf32, #tpu.memory_space<vmem_shared>>) offsets(%dma_start3A_456 : memref<128xi32, #tpu.memory_space<vmem>>) semaphore(%run_scoped3A_453 : memref<!tpu.dma_semaphore, #tpu.memory_space<semaphore_mem>>) {add = true}
          %dma_wait3A_460 = arith.constant 0 : i32
          %dma_wait3A_461 = tpu.memref_slice %arg9[%add3A_438, %dma_wait3A_460] : memref<32x128xi32, #tpu.memory_space<vmem>> -> memref<1x128xi32, #tpu.memory_space<vmem>>
          %dma_wait3A_462 = tpu.memref_squeeze %dma_wait3A_461 : memref<1x128xi32, #tpu.memory_space<vmem>> -> memref<128xi32, #tpu.memory_space<vmem>>
          %dma_wait3A_463 = arith.constant 0 : i32
          %dma_wait3A_464 = arith.constant 0 : i32
          %dma_wait3A_465 = tpu.memref_slice %arg7[%dma_wait3A_463, %dma_wait3A_464] : memref<10112x64xf32, #tpu.memory_space<vmem_shared>> -> memref<10112x64xf32, #tpu.memory_space<vmem_shared>>
          tpu.wait_indirect_dma semaphore(%run_scoped3A_453 : memref<!tpu.dma_semaphore, #tpu.memory_space<semaphore_mem>>) src(%arg13 : memref<128x64xf32, #tpu.memory_space<vmem>>) dst(%dma_wait3A_465 : memref<10112x64xf32, #tpu.memory_space<vmem_shared>>)
          tpu.yield
        }) : () -> ()
        %add3A_445 = arith.constant 2 : i32
        %add3A_446 = arith.addi %add3A_438, %add3A_445 : i32
        %dma_start3A_447 = arith.constant 0 : i32
        %dma_start3A_448 = tpu.memref_slice %arg8[%add3A_446, %dma_start3A_447] : memref<32x128xi32, #tpu.memory_space<vmem>> -> memref<1x128xi32, #tpu.memory_space<vmem>>
        %dma_start3A_449 = tpu.memref_squeeze %dma_start3A_448 : memref<1x128xi32, #tpu.memory_space<vmem>> -> memref<128xi32, #tpu.memory_space<vmem>>
        %dma_start3A_450 = arith.constant 0 : i32
        %dma_start3A_451 = arith.constant 0 : i32
        %dma_start3A_452 = tpu.memref_slice %arg6[%dma_start3A_450, %dma_start3A_451] : memref<10000x64xf32, #tpu.memory_space<vmem_shared>> -> memref<10000x64xf32, #tpu.memory_space<vmem_shared>>
        tpu.enqueue_indirect_dma source(%dma_start3A_452 : memref<10000x64xf32, #tpu.memory_space<vmem_shared>>) target(%arg13 : memref<128x64xf32, #tpu.memory_space<vmem>>) offsets(%dma_start3A_449 : memref<128xi32, #tpu.memory_space<vmem>>) semaphore(%arg15 : memref<!tpu.dma_semaphore, #tpu.memory_space<semaphore_mem>>)
      }
      %scan3A_76 = arith.constant 15 : i32
      %dma_wait3A = arith.constant 30 : i32
      %dma_wait3A_77 = arith.constant 0 : i32
      %dma_wait3A_78 = tpu.memref_slice %arg8[%dma_wait3A, %dma_wait3A_77] : memref<32x128xi32, #tpu.memory_space<vmem>> -> memref<1x128xi32, #tpu.memory_space<vmem>>
      %dma_wait3A_79 = tpu.memref_squeeze %dma_wait3A_78 : memref<1x128xi32, #tpu.memory_space<vmem>> -> memref<128xi32, #tpu.memory_space<vmem>>
      %dma_wait3A_80 = arith.constant 0 : i32
      %dma_wait3A_81 = arith.constant 0 : i32
      %dma_wait3A_82 = tpu.memref_slice %arg6[%dma_wait3A_80, %dma_wait3A_81] : memref<10000x64xf32, #tpu.memory_space<vmem_shared>> -> memref<10000x64xf32, #tpu.memory_space<vmem_shared>>
      tpu.wait_indirect_dma semaphore(%arg14 : memref<!tpu.dma_semaphore, #tpu.memory_space<semaphore_mem>>) src(%dma_wait3A_82 : memref<10000x64xf32, #tpu.memory_space<vmem_shared>>) dst(%arg12 : memref<128x64xf32, #tpu.memory_space<vmem>>)
      %run_scoped3A_83 = arith.constant 30 : i32
      "tpu.region"() ({
        %run_scoped3A_418 = tpu.sem_alloc : memref<!tpu.dma_semaphore, #tpu.memory_space<semaphore_mem>>
        %dma_start3A_419 = arith.constant 0 : i32
        %dma_start3A_420 = tpu.memref_slice %arg9[%run_scoped3A_83, %dma_start3A_419] : memref<32x128xi32, #tpu.memory_space<vmem>> -> memref<1x128xi32, #tpu.memory_space<vmem>>
        %dma_start3A_421 = tpu.memref_squeeze %dma_start3A_420 : memref<1x128xi32, #tpu.memory_space<vmem>> -> memref<128xi32, #tpu.memory_space<vmem>>
        %dma_start3A_422 = arith.constant 0 : i32
        %dma_start3A_423 = arith.constant 0 : i32
        %dma_start3A_424 = tpu.memref_slice %arg7[%dma_start3A_422, %dma_start3A_423] : memref<10112x64xf32, #tpu.memory_space<vmem_shared>> -> memref<10112x64xf32, #tpu.memory_space<vmem_shared>>
        tpu.enqueue_indirect_dma source(%arg12 : memref<128x64xf32, #tpu.memory_space<vmem>>) target(%dma_start3A_424 : memref<10112x64xf32, #tpu.memory_space<vmem_shared>>) offsets(%dma_start3A_421 : memref<128xi32, #tpu.memory_space<vmem>>) semaphore(%run_scoped3A_418 : memref<!tpu.dma_semaphore, #tpu.memory_space<semaphore_mem>>) {add = true}
        %dma_wait3A_425 = arith.constant 0 : i32
        %dma_wait3A_426 = tpu.memref_slice %arg9[%run_scoped3A_83, %dma_wait3A_425] : memref<32x128xi32, #tpu.memory_space<vmem>> -> memref<1x128xi32, #tpu.memory_space<vmem>>
        %dma_wait3A_427 = tpu.memref_squeeze %dma_wait3A_426 : memref<1x128xi32, #tpu.memory_space<vmem>> -> memref<128xi32, #tpu.memory_space<vmem>>
        %dma_wait3A_428 = arith.constant 0 : i32
        %dma_wait3A_429 = arith.constant 0 : i32
        %dma_wait3A_430 = tpu.memref_slice %arg7[%dma_wait3A_428, %dma_wait3A_429] : memref<10112x64xf32, #tpu.memory_space<vmem_shared>> -> memref<10112x64xf32, #tpu.memory_space<vmem_shared>>
        tpu.wait_indirect_dma semaphore(%run_scoped3A_418 : memref<!tpu.dma_semaphore, #tpu.memory_space<semaphore_mem>>) src(%arg12 : memref<128x64xf32, #tpu.memory_space<vmem>>) dst(%dma_wait3A_430 : memref<10112x64xf32, #tpu.memory_space<vmem_shared>>)
        tpu.yield
      }) : () -> ()
      %dma_wait3A_84 = arith.constant 31 : i32
      %dma_wait3A_85 = arith.constant 0 : i32
      %dma_wait3A_86 = tpu.memref_slice %arg8[%dma_wait3A_84, %dma_wait3A_85] : memref<32x128xi32, #tpu.memory_space<vmem>> -> memref<1x128xi32, #tpu.memory_space<vmem>>
      %dma_wait3A_87 = tpu.memref_squeeze %dma_wait3A_86 : memref<1x128xi32, #tpu.memory_space<vmem>> -> memref<128xi32, #tpu.memory_space<vmem>>
      %dma_wait3A_88 = arith.constant 0 : i32
      %dma_wait3A_89 = arith.constant 0 : i32
      %dma_wait3A_90 = tpu.memref_slice %arg6[%dma_wait3A_88, %dma_wait3A_89] : memref<10000x64xf32, #tpu.memory_space<vmem_shared>> -> memref<10000x64xf32, #tpu.memory_space<vmem_shared>>
      tpu.wait_indirect_dma semaphore(%arg15 : memref<!tpu.dma_semaphore, #tpu.memory_space<semaphore_mem>>) src(%dma_wait3A_90 : memref<10000x64xf32, #tpu.memory_space<vmem_shared>>) dst(%arg13 : memref<128x64xf32, #tpu.memory_space<vmem>>)
      %run_scoped3A_91 = arith.constant 31 : i32
      "tpu.region"() ({
        %run_scoped3A_418 = tpu.sem_alloc : memref<!tpu.dma_semaphore, #tpu.memory_space<semaphore_mem>>
        %dma_start3A_419 = arith.constant 0 : i32
        %dma_start3A_420 = tpu.memref_slice %arg9[%run_scoped3A_91, %dma_start3A_419] : memref<32x128xi32, #tpu.memory_space<vmem>> -> memref<1x128xi32, #tpu.memory_space<vmem>>
        %dma_start3A_421 = tpu.memref_squeeze %dma_start3A_420 : memref<1x128xi32, #tpu.memory_space<vmem>> -> memref<128xi32, #tpu.memory_space<vmem>>
        %dma_start3A_422 = arith.constant 0 : i32
        %dma_start3A_423 = arith.constant 0 : i32
        %dma_start3A_424 = tpu.memref_slice %arg7[%dma_start3A_422, %dma_start3A_423] : memref<10112x64xf32, #tpu.memory_space<vmem_shared>> -> memref<10112x64xf32, #tpu.memory_space<vmem_shared>>
        tpu.enqueue_indirect_dma source(%arg13 : memref<128x64xf32, #tpu.memory_space<vmem>>) target(%dma_start3A_424 : memref<10112x64xf32, #tpu.memory_space<vmem_shared>>) offsets(%dma_start3A_421 : memref<128xi32, #tpu.memory_space<vmem>>) semaphore(%run_scoped3A_418 : memref<!tpu.dma_semaphore, #tpu.memory_space<semaphore_mem>>) {add = true}
        %dma_wait3A_425 = arith.constant 0 : i32
        %dma_wait3A_426 = tpu.memref_slice %arg9[%run_scoped3A_91, %dma_wait3A_425] : memref<32x128xi32, #tpu.memory_space<vmem>> -> memref<1x128xi32, #tpu.memory_space<vmem>>
        %dma_wait3A_427 = tpu.memref_squeeze %dma_wait3A_426 : memref<1x128xi32, #tpu.memory_space<vmem>> -> memref<128xi32, #tpu.memory_space<vmem>>
        %dma_wait3A_428 = arith.constant 0 : i32
        %dma_wait3A_429 = arith.constant 0 : i32
        %dma_wait3A_430 = tpu.memref_slice %arg7[%dma_wait3A_428, %dma_wait3A_429] : memref<10112x64xf32, #tpu.memory_space<vmem_shared>> -> memref<10112x64xf32, #tpu.memory_space<vmem_shared>>
        tpu.wait_indirect_dma semaphore(%run_scoped3A_418 : memref<!tpu.dma_semaphore, #tpu.memory_space<semaphore_mem>>) src(%arg13 : memref<128x64xf32, #tpu.memory_space<vmem>>) dst(%dma_wait3A_430 : memref<10112x64xf32, #tpu.memory_space<vmem_shared>>)
        tpu.yield
      }) : () -> ()
      %dma_wait3A_92 = arith.constant 0 : i32
      %dma_wait3A_93 = arith.constant 0 : i32
      %dma_wait3A_94 = arith.constant 0 : i32
      %dma_wait3A_95 = tpu.memref_slice %arg10[%dma_wait3A_93, %dma_wait3A_94] : memref<32x128xi32, #tpu.memory_space<vmem>> -> memref<32x128xi32, #tpu.memory_space<vmem>>
      %dma_wait3A_96 = arith.constant 0 : i32
      %dma_wait3A_97 = tpu.memref_slice %arg3[%dma_wait3A_92, %add3A_26, %dma_wait3A_96] : memref<2x2504x128xi32, #tpu.memory_space<hbm>> -> memref<1x32x128xi32, #tpu.memory_space<hbm>>
      %dma_wait3A_98 = tpu.memref_squeeze %dma_wait3A_97 : memref<1x32x128xi32, #tpu.memory_space<hbm>> -> memref<32x128xi32, #tpu.memory_space<hbm>>
      %dma_wait3A_99 = arith.constant 0 : i32
      %dma_wait3A_100 = arith.constant 0 : i32
      %dma_wait3A_101 = tpu.memref_slice %arg10[%dma_wait3A_99, %dma_wait3A_100] : memref<32x128xi32, #tpu.memory_space<vmem>> -> memref<32x128xi32, #tpu.memory_space<vmem>>
      %dma_wait3A_102 = arith.constant 0 : i32
      %dma_wait3A_103 = tpu.memref_slice %arg3[%dma_wait3A_92, %add3A_26, %dma_wait3A_102] : memref<2x2504x128xi32, #tpu.memory_space<hbm>> -> memref<1x32x128xi32, #tpu.memory_space<hbm>>
      %dma_wait3A_104 = tpu.memref_squeeze %dma_wait3A_103 : memref<1x32x128xi32, #tpu.memory_space<hbm>> -> memref<32x128xi32, #tpu.memory_space<hbm>>
      tpu.wait_dma2 semaphore(%arg17 : memref<!tpu.dma_semaphore, #tpu.memory_space<semaphore_mem>>) src(%dma_wait3A_104 : memref<32x128xi32, #tpu.memory_space<hbm>>) dst(%dma_wait3A_101 : memref<32x128xi32, #tpu.memory_space<vmem>>)
      %dma_wait3A_105 = arith.constant 1 : i32
      %dma_wait3A_106 = arith.constant 0 : i32
      %dma_wait3A_107 = arith.constant 0 : i32
      %dma_wait3A_108 = tpu.memref_slice %arg11[%dma_wait3A_106, %dma_wait3A_107] : memref<32x128xi32, #tpu.memory_space<vmem>> -> memref<32x128xi32, #tpu.memory_space<vmem>>
      %dma_wait3A_109 = arith.constant 0 : i32
      %dma_wait3A_110 = tpu.memref_slice %arg3[%dma_wait3A_105, %add3A_26, %dma_wait3A_109] : memref<2x2504x128xi32, #tpu.memory_space<hbm>> -> memref<1x32x128xi32, #tpu.memory_space<hbm>>
      %dma_wait3A_111 = tpu.memref_squeeze %dma_wait3A_110 : memref<1x32x128xi32, #tpu.memory_space<hbm>> -> memref<32x128xi32, #tpu.memory_space<hbm>>
      %dma_wait3A_112 = arith.constant 0 : i32
      %dma_wait3A_113 = arith.constant 0 : i32
      %dma_wait3A_114 = tpu.memref_slice %arg11[%dma_wait3A_112, %dma_wait3A_113] : memref<32x128xi32, #tpu.memory_space<vmem>> -> memref<32x128xi32, #tpu.memory_space<vmem>>
      %dma_wait3A_115 = arith.constant 0 : i32
      %dma_wait3A_116 = tpu.memref_slice %arg3[%dma_wait3A_105, %add3A_26, %dma_wait3A_115] : memref<2x2504x128xi32, #tpu.memory_space<hbm>> -> memref<1x32x128xi32, #tpu.memory_space<hbm>>
      %dma_wait3A_117 = tpu.memref_squeeze %dma_wait3A_116 : memref<1x32x128xi32, #tpu.memory_space<hbm>> -> memref<32x128xi32, #tpu.memory_space<hbm>>
      tpu.wait_dma2 semaphore(%arg17 : memref<!tpu.dma_semaphore, #tpu.memory_space<semaphore_mem>>) src(%dma_wait3A_117 : memref<32x128xi32, #tpu.memory_space<hbm>>) dst(%dma_wait3A_114 : memref<32x128xi32, #tpu.memory_space<vmem>>)
      %dma_start3A_118 = arith.constant 0 : i32
      %dma_start3A_119 = arith.constant 0 : i32
      %dma_start3A_120 = arith.constant 0 : i32
      %dma_start3A_121 = tpu.memref_slice %arg8[%dma_start3A_119, %dma_start3A_120] : memref<32x128xi32, #tpu.memory_space<vmem>> -> memref<32x128xi32, #tpu.memory_space<vmem>>
      %dma_start3A_122 = arith.constant 0 : i32
      %dma_start3A_123 = tpu.memref_slice %arg3[%dma_start3A_118, %add3A_28, %dma_start3A_122] : memref<2x2504x128xi32, #tpu.memory_space<hbm>> -> memref<1x32x128xi32, #tpu.memory_space<hbm>>
      %dma_start3A_124 = tpu.memref_squeeze %dma_start3A_123 : memref<1x32x128xi32, #tpu.memory_space<hbm>> -> memref<32x128xi32, #tpu.memory_space<hbm>>
      %dma_start3A_125 = arith.constant 0 : i32
      %dma_start3A_126 = arith.constant 0 : i32
      %dma_start3A_127 = tpu.memref_slice %arg8[%dma_start3A_125, %dma_start3A_126] : memref<32x128xi32, #tpu.memory_space<vmem>> -> memref<32x128xi32, #tpu.memory_space<vmem>>
      %dma_start3A_128 = arith.constant 0 : i32
      %dma_start3A_129 = tpu.memref_slice %arg3[%dma_start3A_118, %add3A_28, %dma_start3A_128] : memref<2x2504x128xi32, #tpu.memory_space<hbm>> -> memref<1x32x128xi32, #tpu.memory_space<hbm>>
      %dma_start3A_130 = tpu.memref_squeeze %dma_start3A_129 : memref<1x32x128xi32, #tpu.memory_space<hbm>> -> memref<32x128xi32, #tpu.memory_space<hbm>>
      tpu.enqueue_dma source(%dma_start3A_130 : memref<32x128xi32, #tpu.memory_space<hbm>>) target(%dma_start3A_127 : memref<32x128xi32, #tpu.memory_space<vmem>>) target_semaphore(%arg16 : memref<!tpu.dma_semaphore, #tpu.memory_space<semaphore_mem>>)
      %dma_start3A_131 = arith.constant 1 : i32
      %dma_start3A_132 = arith.constant 0 : i32
      %dma_start3A_133 = arith.constant 0 : i32
      %dma_start3A_134 = tpu.memref_slice %arg9[%dma_start3A_132, %dma_start3A_133] : memref<32x128xi32, #tpu.memory_space<vmem>> -> memref<32x128xi32, #tpu.memory_space<vmem>>
      %dma_start3A_135 = arith.constant 0 : i32
      %dma_start3A_136 = tpu.memref_slice %arg3[%dma_start3A_131, %add3A_28, %dma_start3A_135] : memref<2x2504x128xi32, #tpu.memory_space<hbm>> -> memref<1x32x128xi32, #tpu.memory_space<hbm>>
      %dma_start3A_137 = tpu.memref_squeeze %dma_start3A_136 : memref<1x32x128xi32, #tpu.memory_space<hbm>> -> memref<32x128xi32, #tpu.memory_space<hbm>>
      %dma_start3A_138 = arith.constant 0 : i32
      %dma_start3A_139 = arith.constant 0 : i32
      %dma_start3A_140 = tpu.memref_slice %arg9[%dma_start3A_138, %dma_start3A_139] : memref<32x128xi32, #tpu.memory_space<vmem>> -> memref<32x128xi32, #tpu.memory_space<vmem>>
      %dma_start3A_141 = arith.constant 0 : i32
      %dma_start3A_142 = tpu.memref_slice %arg3[%dma_start3A_131, %add3A_28, %dma_start3A_141] : memref<2x2504x128xi32, #tpu.memory_space<hbm>> -> memref<1x32x128xi32, #tpu.memory_space<hbm>>
      %dma_start3A_143 = tpu.memref_squeeze %dma_start3A_142 : memref<1x32x128xi32, #tpu.memory_space<hbm>> -> memref<32x128xi32, #tpu.memory_space<hbm>>
      tpu.enqueue_dma source(%dma_start3A_143 : memref<32x128xi32, #tpu.memory_space<hbm>>) target(%dma_start3A_140 : memref<32x128xi32, #tpu.memory_space<vmem>>) target_semaphore(%arg16 : memref<!tpu.dma_semaphore, #tpu.memory_space<semaphore_mem>>)
      %dma_start3A_144 = arith.constant 0 : i32
      %dma_start3A_145 = arith.constant 0 : i32
      %dma_start3A_146 = tpu.memref_slice %arg10[%dma_start3A_144, %dma_start3A_145] : memref<32x128xi32, #tpu.memory_space<vmem>> -> memref<1x128xi32, #tpu.memory_space<vmem>>
      %dma_start3A_147 = tpu.memref_squeeze %dma_start3A_146 : memref<1x128xi32, #tpu.memory_space<vmem>> -> memref<128xi32, #tpu.memory_space<vmem>>
      %dma_start3A_148 = arith.constant 0 : i32
      %dma_start3A_149 = arith.constant 0 : i32
      %dma_start3A_150 = tpu.memref_slice %arg6[%dma_start3A_148, %dma_start3A_149] : memref<10000x64xf32, #tpu.memory_space<vmem_shared>> -> memref<10000x64xf32, #tpu.memory_space<vmem_shared>>
      tpu.enqueue_indirect_dma source(%dma_start3A_150 : memref<10000x64xf32, #tpu.memory_space<vmem_shared>>) target(%arg12 : memref<128x64xf32, #tpu.memory_space<vmem>>) offsets(%dma_start3A_147 : memref<128xi32, #tpu.memory_space<vmem>>) semaphore(%arg14 : memref<!tpu.dma_semaphore, #tpu.memory_space<semaphore_mem>>)
      %dma_start3A_151 = arith.constant 1 : i32
      %dma_start3A_152 = arith.constant 0 : i32
      %dma_start3A_153 = tpu.memref_slice %arg10[%dma_start3A_151, %dma_start3A_152] : memref<32x128xi32, #tpu.memory_space<vmem>> -> memref<1x128xi32, #tpu.memory_space<vmem>>
      %dma_start3A_154 = tpu.memref_squeeze %dma_start3A_153 : memref<1x128xi32, #tpu.memory_space<vmem>> -> memref<128xi32, #tpu.memory_space<vmem>>
      %dma_start3A_155 = arith.constant 0 : i32
      %dma_start3A_156 = arith.constant 0 : i32
      %dma_start3A_157 = tpu.memref_slice %arg6[%dma_start3A_155, %dma_start3A_156] : memref<10000x64xf32, #tpu.memory_space<vmem_shared>> -> memref<10000x64xf32, #tpu.memory_space<vmem_shared>>
      tpu.enqueue_indirect_dma source(%dma_start3A_157 : memref<10000x64xf32, #tpu.memory_space<vmem_shared>>) target(%arg13 : memref<128x64xf32, #tpu.memory_space<vmem>>) offsets(%dma_start3A_154 : memref<128xi32, #tpu.memory_space<vmem>>) semaphore(%arg15 : memref<!tpu.dma_semaphore, #tpu.memory_space<semaphore_mem>>)
      %scan3A_158 = arith.constant 0 : i32
      %scan3A_159 = arith.constant 0 : i32
      %scan3A_160 = arith.constant 15 : i32
      %scan3A_161 = arith.addi %scan3A_159, %scan3A_160 : i32
      %scan3A_162 = arith.constant 1 : i32
      scf.for %scan3A_418 = %scan3A_159 to %scan3A_161 step %scan3A_162  : i32 {
        %mul3A_419 = arith.constant 2 : i32
        %mul3A_420 = arith.muli %scan3A_418, %mul3A_419 : i32
        %add3A_421 = arith.constant 0 : i32
        %add3A_422 = arith.addi %mul3A_420, %add3A_421 : i32
        %dma_wait3A_423 = arith.constant 0 : i32
        %dma_wait3A_424 = tpu.memref_slice %arg10[%add3A_422, %dma_wait3A_423] : memref<32x128xi32, #tpu.memory_space<vmem>> -> memref<1x128xi32, #tpu.memory_space<vmem>>
        %dma_wait3A_425 = tpu.memref_squeeze %dma_wait3A_424 : memref<1x128xi32, #tpu.memory_space<vmem>> -> memref<128xi32, #tpu.memory_space<vmem>>
        %dma_wait3A_426 = arith.constant 0 : i32
        %dma_wait3A_427 = arith.constant 0 : i32
        %dma_wait3A_428 = tpu.memref_slice %arg6[%dma_wait3A_426, %dma_wait3A_427] : memref<10000x64xf32, #tpu.memory_space<vmem_shared>> -> memref<10000x64xf32, #tpu.memory_space<vmem_shared>>
        tpu.wait_indirect_dma semaphore(%arg14 : memref<!tpu.dma_semaphore, #tpu.memory_space<semaphore_mem>>) src(%dma_wait3A_428 : memref<10000x64xf32, #tpu.memory_space<vmem_shared>>) dst(%arg12 : memref<128x64xf32, #tpu.memory_space<vmem>>)
        "tpu.region"() ({
          %run_scoped3A_453 = tpu.sem_alloc : memref<!tpu.dma_semaphore, #tpu.memory_space<semaphore_mem>>
          %dma_start3A_454 = arith.constant 0 : i32
          %dma_start3A_455 = tpu.memref_slice %arg11[%add3A_422, %dma_start3A_454] : memref<32x128xi32, #tpu.memory_space<vmem>> -> memref<1x128xi32, #tpu.memory_space<vmem>>
          %dma_start3A_456 = tpu.memref_squeeze %dma_start3A_455 : memref<1x128xi32, #tpu.memory_space<vmem>> -> memref<128xi32, #tpu.memory_space<vmem>>
          %dma_start3A_457 = arith.constant 0 : i32
          %dma_start3A_458 = arith.constant 0 : i32
          %dma_start3A_459 = tpu.memref_slice %arg7[%dma_start3A_457, %dma_start3A_458] : memref<10112x64xf32, #tpu.memory_space<vmem_shared>> -> memref<10112x64xf32, #tpu.memory_space<vmem_shared>>
          tpu.enqueue_indirect_dma source(%arg12 : memref<128x64xf32, #tpu.memory_space<vmem>>) target(%dma_start3A_459 : memref<10112x64xf32, #tpu.memory_space<vmem_shared>>) offsets(%dma_start3A_456 : memref<128xi32, #tpu.memory_space<vmem>>) semaphore(%run_scoped3A_453 : memref<!tpu.dma_semaphore, #tpu.memory_space<semaphore_mem>>) {add = true}
          %dma_wait3A_460 = arith.constant 0 : i32
          %dma_wait3A_461 = tpu.memref_slice %arg11[%add3A_422, %dma_wait3A_460] : memref<32x128xi32, #tpu.memory_space<vmem>> -> memref<1x128xi32, #tpu.memory_space<vmem>>
          %dma_wait3A_462 = tpu.memref_squeeze %dma_wait3A_461 : memref<1x128xi32, #tpu.memory_space<vmem>> -> memref<128xi32, #tpu.memory_space<vmem>>
          %dma_wait3A_463 = arith.constant 0 : i32
          %dma_wait3A_464 = arith.constant 0 : i32
          %dma_wait3A_465 = tpu.memref_slice %arg7[%dma_wait3A_463, %dma_wait3A_464] : memref<10112x64xf32, #tpu.memory_space<vmem_shared>> -> memref<10112x64xf32, #tpu.memory_space<vmem_shared>>
          tpu.wait_indirect_dma semaphore(%run_scoped3A_453 : memref<!tpu.dma_semaphore, #tpu.memory_space<semaphore_mem>>) src(%arg12 : memref<128x64xf32, #tpu.memory_space<vmem>>) dst(%dma_wait3A_465 : memref<10112x64xf32, #tpu.memory_space<vmem_shared>>)
          tpu.yield
        }) : () -> ()
        %add3A_429 = arith.constant 2 : i32
        %add3A_430 = arith.addi %add3A_422, %add3A_429 : i32
        %dma_start3A_431 = arith.constant 0 : i32
        %dma_start3A_432 = tpu.memref_slice %arg10[%add3A_430, %dma_start3A_431] : memref<32x128xi32, #tpu.memory_space<vmem>> -> memref<1x128xi32, #tpu.memory_space<vmem>>
        %dma_start3A_433 = tpu.memref_squeeze %dma_start3A_432 : memref<1x128xi32, #tpu.memory_space<vmem>> -> memref<128xi32, #tpu.memory_space<vmem>>
        %dma_start3A_434 = arith.constant 0 : i32
        %dma_start3A_435 = arith.constant 0 : i32
        %dma_start3A_436 = tpu.memref_slice %arg6[%dma_start3A_434, %dma_start3A_435] : memref<10000x64xf32, #tpu.memory_space<vmem_shared>> -> memref<10000x64xf32, #tpu.memory_space<vmem_shared>>
        tpu.enqueue_indirect_dma source(%dma_start3A_436 : memref<10000x64xf32, #tpu.memory_space<vmem_shared>>) target(%arg12 : memref<128x64xf32, #tpu.memory_space<vmem>>) offsets(%dma_start3A_433 : memref<128xi32, #tpu.memory_space<vmem>>) semaphore(%arg14 : memref<!tpu.dma_semaphore, #tpu.memory_space<semaphore_mem>>)
        %add3A_437 = arith.constant 1 : i32
        %add3A_438 = arith.addi %mul3A_420, %add3A_437 : i32
        %dma_wait3A_439 = arith.constant 0 : i32
        %dma_wait3A_440 = tpu.memref_slice %arg10[%add3A_438, %dma_wait3A_439] : memref<32x128xi32, #tpu.memory_space<vmem>> -> memref<1x128xi32, #tpu.memory_space<vmem>>
        %dma_wait3A_441 = tpu.memref_squeeze %dma_wait3A_440 : memref<1x128xi32, #tpu.memory_space<vmem>> -> memref<128xi32, #tpu.memory_space<vmem>>
        %dma_wait3A_442 = arith.constant 0 : i32
        %dma_wait3A_443 = arith.constant 0 : i32
        %dma_wait3A_444 = tpu.memref_slice %arg6[%dma_wait3A_442, %dma_wait3A_443] : memref<10000x64xf32, #tpu.memory_space<vmem_shared>> -> memref<10000x64xf32, #tpu.memory_space<vmem_shared>>
        tpu.wait_indirect_dma semaphore(%arg15 : memref<!tpu.dma_semaphore, #tpu.memory_space<semaphore_mem>>) src(%dma_wait3A_444 : memref<10000x64xf32, #tpu.memory_space<vmem_shared>>) dst(%arg13 : memref<128x64xf32, #tpu.memory_space<vmem>>)
        "tpu.region"() ({
          %run_scoped3A_453 = tpu.sem_alloc : memref<!tpu.dma_semaphore, #tpu.memory_space<semaphore_mem>>
          %dma_start3A_454 = arith.constant 0 : i32
          %dma_start3A_455 = tpu.memref_slice %arg11[%add3A_438, %dma_start3A_454] : memref<32x128xi32, #tpu.memory_space<vmem>> -> memref<1x128xi32, #tpu.memory_space<vmem>>
          %dma_start3A_456 = tpu.memref_squeeze %dma_start3A_455 : memref<1x128xi32, #tpu.memory_space<vmem>> -> memref<128xi32, #tpu.memory_space<vmem>>
          %dma_start3A_457 = arith.constant 0 : i32
          %dma_start3A_458 = arith.constant 0 : i32
          %dma_start3A_459 = tpu.memref_slice %arg7[%dma_start3A_457, %dma_start3A_458] : memref<10112x64xf32, #tpu.memory_space<vmem_shared>> -> memref<10112x64xf32, #tpu.memory_space<vmem_shared>>
          tpu.enqueue_indirect_dma source(%arg13 : memref<128x64xf32, #tpu.memory_space<vmem>>) target(%dma_start3A_459 : memref<10112x64xf32, #tpu.memory_space<vmem_shared>>) offsets(%dma_start3A_456 : memref<128xi32, #tpu.memory_space<vmem>>) semaphore(%run_scoped3A_453 : memref<!tpu.dma_semaphore, #tpu.memory_space<semaphore_mem>>) {add = true}
          %dma_wait3A_460 = arith.constant 0 : i32
          %dma_wait3A_461 = tpu.memref_slice %arg11[%add3A_438, %dma_wait3A_460] : memref<32x128xi32, #tpu.memory_space<vmem>> -> memref<1x128xi32, #tpu.memory_space<vmem>>
          %dma_wait3A_462 = tpu.memref_squeeze %dma_wait3A_461 : memref<1x128xi32, #tpu.memory_space<vmem>> -> memref<128xi32, #tpu.memory_space<vmem>>
          %dma_wait3A_463 = arith.constant 0 : i32
          %dma_wait3A_464 = arith.constant 0 : i32
          %dma_wait3A_465 = tpu.memref_slice %arg7[%dma_wait3A_463, %dma_wait3A_464] : memref<10112x64xf32, #tpu.memory_space<vmem_shared>> -> memref<10112x64xf32, #tpu.memory_space<vmem_shared>>
          tpu.wait_indirect_dma semaphore(%run_scoped3A_453 : memref<!tpu.dma_semaphore, #tpu.memory_space<semaphore_mem>>) src(%arg13 : memref<128x64xf32, #tpu.memory_space<vmem>>) dst(%dma_wait3A_465 : memref<10112x64xf32, #tpu.memory_space<vmem_shared>>)
          tpu.yield
        }) : () -> ()
        %add3A_445 = arith.constant 2 : i32
        %add3A_446 = arith.addi %add3A_438, %add3A_445 : i32
        %dma_start3A_447 = arith.constant 0 : i32
        %dma_start3A_448 = tpu.memref_slice %arg10[%add3A_446, %dma_start3A_447] : memref<32x128xi32, #tpu.memory_space<vmem>> -> memref<1x128xi32, #tpu.memory_space<vmem>>
        %dma_start3A_449 = tpu.memref_squeeze %dma_start3A_448 : memref<1x128xi32, #tpu.memory_space<vmem>> -> memref<128xi32, #tpu.memory_space<vmem>>
        %dma_start3A_450 = arith.constant 0 : i32
        %dma_start3A_451 = arith.constant 0 : i32
        %dma_start3A_452 = tpu.memref_slice %arg6[%dma_start3A_450, %dma_start3A_451] : memref<10000x64xf32, #tpu.memory_space<vmem_shared>> -> memref<10000x64xf32, #tpu.memory_space<vmem_shared>>
        tpu.enqueue_indirect_dma source(%dma_start3A_452 : memref<10000x64xf32, #tpu.memory_space<vmem_shared>>) target(%arg13 : memref<128x64xf32, #tpu.memory_space<vmem>>) offsets(%dma_start3A_449 : memref<128xi32, #tpu.memory_space<vmem>>) semaphore(%arg15 : memref<!tpu.dma_semaphore, #tpu.memory_space<semaphore_mem>>)
      }
      %scan3A_163 = arith.constant 15 : i32
      %dma_wait3A_164 = arith.constant 30 : i32
      %dma_wait3A_165 = arith.constant 0 : i32
      %dma_wait3A_166 = tpu.memref_slice %arg10[%dma_wait3A_164, %dma_wait3A_165] : memref<32x128xi32, #tpu.memory_space<vmem>> -> memref<1x128xi32, #tpu.memory_space<vmem>>
      %dma_wait3A_167 = tpu.memref_squeeze %dma_wait3A_166 : memref<1x128xi32, #tpu.memory_space<vmem>> -> memref<128xi32, #tpu.memory_space<vmem>>
      %dma_wait3A_168 = arith.constant 0 : i32
      %dma_wait3A_169 = arith.constant 0 : i32
      %dma_wait3A_170 = tpu.memref_slice %arg6[%dma_wait3A_168, %dma_wait3A_169] : memref<10000x64xf32, #tpu.memory_space<vmem_shared>> -> memref<10000x64xf32, #tpu.memory_space<vmem_shared>>
      tpu.wait_indirect_dma semaphore(%arg14 : memref<!tpu.dma_semaphore, #tpu.memory_space<semaphore_mem>>) src(%dma_wait3A_170 : memref<10000x64xf32, #tpu.memory_space<vmem_shared>>) dst(%arg12 : memref<128x64xf32, #tpu.memory_space<vmem>>)
      %run_scoped3A_171 = arith.constant 30 : i32
      "tpu.region"() ({
        %run_scoped3A_418 = tpu.sem_alloc : memref<!tpu.dma_semaphore, #tpu.memory_space<semaphore_mem>>
        %dma_start3A_419 = arith.constant 0 : i32
        %dma_start3A_420 = tpu.memref_slice %arg11[%run_scoped3A_171, %dma_start3A_419] : memref<32x128xi32, #tpu.memory_space<vmem>> -> memref<1x128xi32, #tpu.memory_space<vmem>>
        %dma_start3A_421 = tpu.memref_squeeze %dma_start3A_420 : memref<1x128xi32, #tpu.memory_space<vmem>> -> memref<128xi32, #tpu.memory_space<vmem>>
        %dma_start3A_422 = arith.constant 0 : i32
        %dma_start3A_423 = arith.constant 0 : i32
        %dma_start3A_424 = tpu.memref_slice %arg7[%dma_start3A_422, %dma_start3A_423] : memref<10112x64xf32, #tpu.memory_space<vmem_shared>> -> memref<10112x64xf32, #tpu.memory_space<vmem_shared>>
        tpu.enqueue_indirect_dma source(%arg12 : memref<128x64xf32, #tpu.memory_space<vmem>>) target(%dma_start3A_424 : memref<10112x64xf32, #tpu.memory_space<vmem_shared>>) offsets(%dma_start3A_421 : memref<128xi32, #tpu.memory_space<vmem>>) semaphore(%run_scoped3A_418 : memref<!tpu.dma_semaphore, #tpu.memory_space<semaphore_mem>>) {add = true}
        %dma_wait3A_425 = arith.constant 0 : i32
        %dma_wait3A_426 = tpu.memref_slice %arg11[%run_scoped3A_171, %dma_wait3A_425] : memref<32x128xi32, #tpu.memory_space<vmem>> -> memref<1x128xi32, #tpu.memory_space<vmem>>
        %dma_wait3A_427 = tpu.memref_squeeze %dma_wait3A_426 : memref<1x128xi32, #tpu.memory_space<vmem>> -> memref<128xi32, #tpu.memory_space<vmem>>
        %dma_wait3A_428 = arith.constant 0 : i32
        %dma_wait3A_429 = arith.constant 0 : i32
        %dma_wait3A_430 = tpu.memref_slice %arg7[%dma_wait3A_428, %dma_wait3A_429] : memref<10112x64xf32, #tpu.memory_space<vmem_shared>> -> memref<10112x64xf32, #tpu.memory_space<vmem_shared>>
        tpu.wait_indirect_dma semaphore(%run_scoped3A_418 : memref<!tpu.dma_semaphore, #tpu.memory_space<semaphore_mem>>) src(%arg12 : memref<128x64xf32, #tpu.memory_space<vmem>>) dst(%dma_wait3A_430 : memref<10112x64xf32, #tpu.memory_space<vmem_shared>>)
        tpu.yield
      }) : () -> ()
      %dma_wait3A_172 = arith.constant 31 : i32
      %dma_wait3A_173 = arith.constant 0 : i32
      %dma_wait3A_174 = tpu.memref_slice %arg10[%dma_wait3A_172, %dma_wait3A_173] : memref<32x128xi32, #tpu.memory_space<vmem>> -> memref<1x128xi32, #tpu.memory_space<vmem>>
      %dma_wait3A_175 = tpu.memref_squeeze %dma_wait3A_174 : memref<1x128xi32, #tpu.memory_space<vmem>> -> memref<128xi32, #tpu.memory_space<vmem>>
      %dma_wait3A_176 = arith.constant 0 : i32
      %dma_wait3A_177 = arith.constant 0 : i32
      %dma_wait3A_178 = tpu.memref_slice %arg6[%dma_wait3A_176, %dma_wait3A_177] : memref<10000x64xf32, #tpu.memory_space<vmem_shared>> -> memref<10000x64xf32, #tpu.memory_space<vmem_shared>>
      tpu.wait_indirect_dma semaphore(%arg15 : memref<!tpu.dma_semaphore, #tpu.memory_space<semaphore_mem>>) src(%dma_wait3A_178 : memref<10000x64xf32, #tpu.memory_space<vmem_shared>>) dst(%arg13 : memref<128x64xf32, #tpu.memory_space<vmem>>)
      %run_scoped3A_179 = arith.constant 31 : i32
      "tpu.region"() ({
        %run_scoped3A_418 = tpu.sem_alloc : memref<!tpu.dma_semaphore, #tpu.memory_space<semaphore_mem>>
        %dma_start3A_419 = arith.constant 0 : i32
        %dma_start3A_420 = tpu.memref_slice %arg11[%run_scoped3A_179, %dma_start3A_419] : memref<32x128xi32, #tpu.memory_space<vmem>> -> memref<1x128xi32, #tpu.memory_space<vmem>>
        %dma_start3A_421 = tpu.memref_squeeze %dma_start3A_420 : memref<1x128xi32, #tpu.memory_space<vmem>> -> memref<128xi32, #tpu.memory_space<vmem>>
        %dma_start3A_422 = arith.constant 0 : i32
        %dma_start3A_423 = arith.constant 0 : i32
        %dma_start3A_424 = tpu.memref_slice %arg7[%dma_start3A_422, %dma_start3A_423] : memref<10112x64xf32, #tpu.memory_space<vmem_shared>> -> memref<10112x64xf32, #tpu.memory_space<vmem_shared>>
        tpu.enqueue_indirect_dma source(%arg13 : memref<128x64xf32, #tpu.memory_space<vmem>>) target(%dma_start3A_424 : memref<10112x64xf32, #tpu.memory_space<vmem_shared>>) offsets(%dma_start3A_421 : memref<128xi32, #tpu.memory_space<vmem>>) semaphore(%run_scoped3A_418 : memref<!tpu.dma_semaphore, #tpu.memory_space<semaphore_mem>>) {add = true}
        %dma_wait3A_425 = arith.constant 0 : i32
        %dma_wait3A_426 = tpu.memref_slice %arg11[%run_scoped3A_179, %dma_wait3A_425] : memref<32x128xi32, #tpu.memory_space<vmem>> -> memref<1x128xi32, #tpu.memory_space<vmem>>
        %dma_wait3A_427 = tpu.memref_squeeze %dma_wait3A_426 : memref<1x128xi32, #tpu.memory_space<vmem>> -> memref<128xi32, #tpu.memory_space<vmem>>
        %dma_wait3A_428 = arith.constant 0 : i32
        %dma_wait3A_429 = arith.constant 0 : i32
        %dma_wait3A_430 = tpu.memref_slice %arg7[%dma_wait3A_428, %dma_wait3A_429] : memref<10112x64xf32, #tpu.memory_space<vmem_shared>> -> memref<10112x64xf32, #tpu.memory_space<vmem_shared>>
        tpu.wait_indirect_dma semaphore(%run_scoped3A_418 : memref<!tpu.dma_semaphore, #tpu.memory_space<semaphore_mem>>) src(%arg13 : memref<128x64xf32, #tpu.memory_space<vmem>>) dst(%dma_wait3A_430 : memref<10112x64xf32, #tpu.memory_space<vmem_shared>>)
        tpu.yield
      }) : () -> ()
      %dma_wait3A_180 = arith.constant 0 : i32
      %dma_wait3A_181 = arith.constant 0 : i32
      %dma_wait3A_182 = arith.constant 0 : i32
      %dma_wait3A_183 = tpu.memref_slice %arg8[%dma_wait3A_181, %dma_wait3A_182] : memref<32x128xi32, #tpu.memory_space<vmem>> -> memref<32x128xi32, #tpu.memory_space<vmem>>
      %dma_wait3A_184 = arith.constant 0 : i32
      %dma_wait3A_185 = tpu.memref_slice %arg3[%dma_wait3A_180, %add3A_28, %dma_wait3A_184] : memref<2x2504x128xi32, #tpu.memory_space<hbm>> -> memref<1x32x128xi32, #tpu.memory_space<hbm>>
      %dma_wait3A_186 = tpu.memref_squeeze %dma_wait3A_185 : memref<1x32x128xi32, #tpu.memory_space<hbm>> -> memref<32x128xi32, #tpu.memory_space<hbm>>
      %dma_wait3A_187 = arith.constant 0 : i32
      %dma_wait3A_188 = arith.constant 0 : i32
      %dma_wait3A_189 = tpu.memref_slice %arg8[%dma_wait3A_187, %dma_wait3A_188] : memref<32x128xi32, #tpu.memory_space<vmem>> -> memref<32x128xi32, #tpu.memory_space<vmem>>
      %dma_wait3A_190 = arith.constant 0 : i32
      %dma_wait3A_191 = tpu.memref_slice %arg3[%dma_wait3A_180, %add3A_28, %dma_wait3A_190] : memref<2x2504x128xi32, #tpu.memory_space<hbm>> -> memref<1x32x128xi32, #tpu.memory_space<hbm>>
      %dma_wait3A_192 = tpu.memref_squeeze %dma_wait3A_191 : memref<1x32x128xi32, #tpu.memory_space<hbm>> -> memref<32x128xi32, #tpu.memory_space<hbm>>
      tpu.wait_dma2 semaphore(%arg16 : memref<!tpu.dma_semaphore, #tpu.memory_space<semaphore_mem>>) src(%dma_wait3A_192 : memref<32x128xi32, #tpu.memory_space<hbm>>) dst(%dma_wait3A_189 : memref<32x128xi32, #tpu.memory_space<vmem>>)
      %dma_wait3A_193 = arith.constant 1 : i32
      %dma_wait3A_194 = arith.constant 0 : i32
      %dma_wait3A_195 = arith.constant 0 : i32
      %dma_wait3A_196 = tpu.memref_slice %arg9[%dma_wait3A_194, %dma_wait3A_195] : memref<32x128xi32, #tpu.memory_space<vmem>> -> memref<32x128xi32, #tpu.memory_space<vmem>>
      %dma_wait3A_197 = arith.constant 0 : i32
      %dma_wait3A_198 = tpu.memref_slice %arg3[%dma_wait3A_193, %add3A_28, %dma_wait3A_197] : memref<2x2504x128xi32, #tpu.memory_space<hbm>> -> memref<1x32x128xi32, #tpu.memory_space<hbm>>
      %dma_wait3A_199 = tpu.memref_squeeze %dma_wait3A_198 : memref<1x32x128xi32, #tpu.memory_space<hbm>> -> memref<32x128xi32, #tpu.memory_space<hbm>>
      %dma_wait3A_200 = arith.constant 0 : i32
      %dma_wait3A_201 = arith.constant 0 : i32
      %dma_wait3A_202 = tpu.memref_slice %arg9[%dma_wait3A_200, %dma_wait3A_201] : memref<32x128xi32, #tpu.memory_space<vmem>> -> memref<32x128xi32, #tpu.memory_space<vmem>>
      %dma_wait3A_203 = arith.constant 0 : i32
      %dma_wait3A_204 = tpu.memref_slice %arg3[%dma_wait3A_193, %add3A_28, %dma_wait3A_203] : memref<2x2504x128xi32, #tpu.memory_space<hbm>> -> memref<1x32x128xi32, #tpu.memory_space<hbm>>
      %dma_wait3A_205 = tpu.memref_squeeze %dma_wait3A_204 : memref<1x32x128xi32, #tpu.memory_space<hbm>> -> memref<32x128xi32, #tpu.memory_space<hbm>>
      tpu.wait_dma2 semaphore(%arg16 : memref<!tpu.dma_semaphore, #tpu.memory_space<semaphore_mem>>) src(%dma_wait3A_205 : memref<32x128xi32, #tpu.memory_space<hbm>>) dst(%dma_wait3A_202 : memref<32x128xi32, #tpu.memory_space<vmem>>)
      %dma_start3A_206 = arith.constant 0 : i32
      %dma_start3A_207 = arith.constant 0 : i32
      %dma_start3A_208 = arith.constant 0 : i32
      %dma_start3A_209 = tpu.memref_slice %arg10[%dma_start3A_207, %dma_start3A_208] : memref<32x128xi32, #tpu.memory_space<vmem>> -> memref<32x128xi32, #tpu.memory_space<vmem>>
      %dma_start3A_210 = arith.constant 0 : i32
      %dma_start3A_211 = tpu.memref_slice %arg3[%dma_start3A_206, %add3A_30, %dma_start3A_210] : memref<2x2504x128xi32, #tpu.memory_space<hbm>> -> memref<1x32x128xi32, #tpu.memory_space<hbm>>
      %dma_start3A_212 = tpu.memref_squeeze %dma_start3A_211 : memref<1x32x128xi32, #tpu.memory_space<hbm>> -> memref<32x128xi32, #tpu.memory_space<hbm>>
      %dma_start3A_213 = arith.constant 0 : i32
      %dma_start3A_214 = arith.constant 0 : i32
      %dma_start3A_215 = tpu.memref_slice %arg10[%dma_start3A_213, %dma_start3A_214] : memref<32x128xi32, #tpu.memory_space<vmem>> -> memref<32x128xi32, #tpu.memory_space<vmem>>
      %dma_start3A_216 = arith.constant 0 : i32
      %dma_start3A_217 = tpu.memref_slice %arg3[%dma_start3A_206, %add3A_30, %dma_start3A_216] : memref<2x2504x128xi32, #tpu.memory_space<hbm>> -> memref<1x32x128xi32, #tpu.memory_space<hbm>>
      %dma_start3A_218 = tpu.memref_squeeze %dma_start3A_217 : memref<1x32x128xi32, #tpu.memory_space<hbm>> -> memref<32x128xi32, #tpu.memory_space<hbm>>
      tpu.enqueue_dma source(%dma_start3A_218 : memref<32x128xi32, #tpu.memory_space<hbm>>) target(%dma_start3A_215 : memref<32x128xi32, #tpu.memory_space<vmem>>) target_semaphore(%arg17 : memref<!tpu.dma_semaphore, #tpu.memory_space<semaphore_mem>>)
      %dma_start3A_219 = arith.constant 1 : i32
      %dma_start3A_220 = arith.constant 0 : i32
      %dma_start3A_221 = arith.constant 0 : i32
      %dma_start3A_222 = tpu.memref_slice %arg11[%dma_start3A_220, %dma_start3A_221] : memref<32x128xi32, #tpu.memory_space<vmem>> -> memref<32x128xi32, #tpu.memory_space<vmem>>
      %dma_start3A_223 = arith.constant 0 : i32
      %dma_start3A_224 = tpu.memref_slice %arg3[%dma_start3A_219, %add3A_30, %dma_start3A_223] : memref<2x2504x128xi32, #tpu.memory_space<hbm>> -> memref<1x32x128xi32, #tpu.memory_space<hbm>>
      %dma_start3A_225 = tpu.memref_squeeze %dma_start3A_224 : memref<1x32x128xi32, #tpu.memory_space<hbm>> -> memref<32x128xi32, #tpu.memory_space<hbm>>
      %dma_start3A_226 = arith.constant 0 : i32
      %dma_start3A_227 = arith.constant 0 : i32
      %dma_start3A_228 = tpu.memref_slice %arg11[%dma_start3A_226, %dma_start3A_227] : memref<32x128xi32, #tpu.memory_space<vmem>> -> memref<32x128xi32, #tpu.memory_space<vmem>>
      %dma_start3A_229 = arith.constant 0 : i32
      %dma_start3A_230 = tpu.memref_slice %arg3[%dma_start3A_219, %add3A_30, %dma_start3A_229] : memref<2x2504x128xi32, #tpu.memory_space<hbm>> -> memref<1x32x128xi32, #tpu.memory_space<hbm>>
      %dma_start3A_231 = tpu.memref_squeeze %dma_start3A_230 : memref<1x32x128xi32, #tpu.memory_space<hbm>> -> memref<32x128xi32, #tpu.memory_space<hbm>>
      tpu.enqueue_dma source(%dma_start3A_231 : memref<32x128xi32, #tpu.memory_space<hbm>>) target(%dma_start3A_228 : memref<32x128xi32, #tpu.memory_space<vmem>>) target_semaphore(%arg17 : memref<!tpu.dma_semaphore, #tpu.memory_space<semaphore_mem>>)
      %dma_start3A_232 = arith.constant 0 : i32
      %dma_start3A_233 = arith.constant 0 : i32
      %dma_start3A_234 = tpu.memref_slice %arg8[%dma_start3A_232, %dma_start3A_233] : memref<32x128xi32, #tpu.memory_space<vmem>> -> memref<1x128xi32, #tpu.memory_space<vmem>>
      %dma_start3A_235 = tpu.memref_squeeze %dma_start3A_234 : memref<1x128xi32, #tpu.memory_space<vmem>> -> memref<128xi32, #tpu.memory_space<vmem>>
      %dma_start3A_236 = arith.constant 0 : i32
      %dma_start3A_237 = arith.constant 0 : i32
      %dma_start3A_238 = tpu.memref_slice %arg6[%dma_start3A_236, %dma_start3A_237] : memref<10000x64xf32, #tpu.memory_space<vmem_shared>> -> memref<10000x64xf32, #tpu.memory_space<vmem_shared>>
      tpu.enqueue_indirect_dma source(%dma_start3A_238 : memref<10000x64xf32, #tpu.memory_space<vmem_shared>>) target(%arg12 : memref<128x64xf32, #tpu.memory_space<vmem>>) offsets(%dma_start3A_235 : memref<128xi32, #tpu.memory_space<vmem>>) semaphore(%arg14 : memref<!tpu.dma_semaphore, #tpu.memory_space<semaphore_mem>>)
      %dma_start3A_239 = arith.constant 1 : i32
      %dma_start3A_240 = arith.constant 0 : i32
      %dma_start3A_241 = tpu.memref_slice %arg8[%dma_start3A_239, %dma_start3A_240] : memref<32x128xi32, #tpu.memory_space<vmem>> -> memref<1x128xi32, #tpu.memory_space<vmem>>
      %dma_start3A_242 = tpu.memref_squeeze %dma_start3A_241 : memref<1x128xi32, #tpu.memory_space<vmem>> -> memref<128xi32, #tpu.memory_space<vmem>>
      %dma_start3A_243 = arith.constant 0 : i32
      %dma_start3A_244 = arith.constant 0 : i32
      %dma_start3A_245 = tpu.memref_slice %arg6[%dma_start3A_243, %dma_start3A_244] : memref<10000x64xf32, #tpu.memory_space<vmem_shared>> -> memref<10000x64xf32, #tpu.memory_space<vmem_shared>>
      tpu.enqueue_indirect_dma source(%dma_start3A_245 : memref<10000x64xf32, #tpu.memory_space<vmem_shared>>) target(%arg13 : memref<128x64xf32, #tpu.memory_space<vmem>>) offsets(%dma_start3A_242 : memref<128xi32, #tpu.memory_space<vmem>>) semaphore(%arg15 : memref<!tpu.dma_semaphore, #tpu.memory_space<semaphore_mem>>)
      %scan3A_246 = arith.constant 0 : i32
      %scan3A_247 = arith.constant 0 : i32
      %scan3A_248 = arith.constant 15 : i32
      %scan3A_249 = arith.addi %scan3A_247, %scan3A_248 : i32
      %scan3A_250 = arith.constant 1 : i32
      scf.for %scan3A_418 = %scan3A_247 to %scan3A_249 step %scan3A_250  : i32 {
        %mul3A_419 = arith.constant 2 : i32
        %mul3A_420 = arith.muli %scan3A_418, %mul3A_419 : i32
        %add3A_421 = arith.constant 0 : i32
        %add3A_422 = arith.addi %mul3A_420, %add3A_421 : i32
        %dma_wait3A_423 = arith.constant 0 : i32
        %dma_wait3A_424 = tpu.memref_slice %arg8[%add3A_422, %dma_wait3A_423] : memref<32x128xi32, #tpu.memory_space<vmem>> -> memref<1x128xi32, #tpu.memory_space<vmem>>
        %dma_wait3A_425 = tpu.memref_squeeze %dma_wait3A_424 : memref<1x128xi32, #tpu.memory_space<vmem>> -> memref<128xi32, #tpu.memory_space<vmem>>
        %dma_wait3A_426 = arith.constant 0 : i32
        %dma_wait3A_427 = arith.constant 0 : i32
        %dma_wait3A_428 = tpu.memref_slice %arg6[%dma_wait3A_426, %dma_wait3A_427] : memref<10000x64xf32, #tpu.memory_space<vmem_shared>> -> memref<10000x64xf32, #tpu.memory_space<vmem_shared>>
        tpu.wait_indirect_dma semaphore(%arg14 : memref<!tpu.dma_semaphore, #tpu.memory_space<semaphore_mem>>) src(%dma_wait3A_428 : memref<10000x64xf32, #tpu.memory_space<vmem_shared>>) dst(%arg12 : memref<128x64xf32, #tpu.memory_space<vmem>>)
        "tpu.region"() ({
          %run_scoped3A_453 = tpu.sem_alloc : memref<!tpu.dma_semaphore, #tpu.memory_space<semaphore_mem>>
          %dma_start3A_454 = arith.constant 0 : i32
          %dma_start3A_455 = tpu.memref_slice %arg9[%add3A_422, %dma_start3A_454] : memref<32x128xi32, #tpu.memory_space<vmem>> -> memref<1x128xi32, #tpu.memory_space<vmem>>
          %dma_start3A_456 = tpu.memref_squeeze %dma_start3A_455 : memref<1x128xi32, #tpu.memory_space<vmem>> -> memref<128xi32, #tpu.memory_space<vmem>>
          %dma_start3A_457 = arith.constant 0 : i32
          %dma_start3A_458 = arith.constant 0 : i32
          %dma_start3A_459 = tpu.memref_slice %arg7[%dma_start3A_457, %dma_start3A_458] : memref<10112x64xf32, #tpu.memory_space<vmem_shared>> -> memref<10112x64xf32, #tpu.memory_space<vmem_shared>>
          tpu.enqueue_indirect_dma source(%arg12 : memref<128x64xf32, #tpu.memory_space<vmem>>) target(%dma_start3A_459 : memref<10112x64xf32, #tpu.memory_space<vmem_shared>>) offsets(%dma_start3A_456 : memref<128xi32, #tpu.memory_space<vmem>>) semaphore(%run_scoped3A_453 : memref<!tpu.dma_semaphore, #tpu.memory_space<semaphore_mem>>) {add = true}
          %dma_wait3A_460 = arith.constant 0 : i32
          %dma_wait3A_461 = tpu.memref_slice %arg9[%add3A_422, %dma_wait3A_460] : memref<32x128xi32, #tpu.memory_space<vmem>> -> memref<1x128xi32, #tpu.memory_space<vmem>>
          %dma_wait3A_462 = tpu.memref_squeeze %dma_wait3A_461 : memref<1x128xi32, #tpu.memory_space<vmem>> -> memref<128xi32, #tpu.memory_space<vmem>>
          %dma_wait3A_463 = arith.constant 0 : i32
          %dma_wait3A_464 = arith.constant 0 : i32
          %dma_wait3A_465 = tpu.memref_slice %arg7[%dma_wait3A_463, %dma_wait3A_464] : memref<10112x64xf32, #tpu.memory_space<vmem_shared>> -> memref<10112x64xf32, #tpu.memory_space<vmem_shared>>
          tpu.wait_indirect_dma semaphore(%run_scoped3A_453 : memref<!tpu.dma_semaphore, #tpu.memory_space<semaphore_mem>>) src(%arg12 : memref<128x64xf32, #tpu.memory_space<vmem>>) dst(%dma_wait3A_465 : memref<10112x64xf32, #tpu.memory_space<vmem_shared>>)
          tpu.yield
        }) : () -> ()
        %add3A_429 = arith.constant 2 : i32
        %add3A_430 = arith.addi %add3A_422, %add3A_429 : i32
        %dma_start3A_431 = arith.constant 0 : i32
        %dma_start3A_432 = tpu.memref_slice %arg8[%add3A_430, %dma_start3A_431] : memref<32x128xi32, #tpu.memory_space<vmem>> -> memref<1x128xi32, #tpu.memory_space<vmem>>
        %dma_start3A_433 = tpu.memref_squeeze %dma_start3A_432 : memref<1x128xi32, #tpu.memory_space<vmem>> -> memref<128xi32, #tpu.memory_space<vmem>>
        %dma_start3A_434 = arith.constant 0 : i32
        %dma_start3A_435 = arith.constant 0 : i32
        %dma_start3A_436 = tpu.memref_slice %arg6[%dma_start3A_434, %dma_start3A_435] : memref<10000x64xf32, #tpu.memory_space<vmem_shared>> -> memref<10000x64xf32, #tpu.memory_space<vmem_shared>>
        tpu.enqueue_indirect_dma source(%dma_start3A_436 : memref<10000x64xf32, #tpu.memory_space<vmem_shared>>) target(%arg12 : memref<128x64xf32, #tpu.memory_space<vmem>>) offsets(%dma_start3A_433 : memref<128xi32, #tpu.memory_space<vmem>>) semaphore(%arg14 : memref<!tpu.dma_semaphore, #tpu.memory_space<semaphore_mem>>)
        %add3A_437 = arith.constant 1 : i32
        %add3A_438 = arith.addi %mul3A_420, %add3A_437 : i32
        %dma_wait3A_439 = arith.constant 0 : i32
        %dma_wait3A_440 = tpu.memref_slice %arg8[%add3A_438, %dma_wait3A_439] : memref<32x128xi32, #tpu.memory_space<vmem>> -> memref<1x128xi32, #tpu.memory_space<vmem>>
        %dma_wait3A_441 = tpu.memref_squeeze %dma_wait3A_440 : memref<1x128xi32, #tpu.memory_space<vmem>> -> memref<128xi32, #tpu.memory_space<vmem>>
        %dma_wait3A_442 = arith.constant 0 : i32
        %dma_wait3A_443 = arith.constant 0 : i32
        %dma_wait3A_444 = tpu.memref_slice %arg6[%dma_wait3A_442, %dma_wait3A_443] : memref<10000x64xf32, #tpu.memory_space<vmem_shared>> -> memref<10000x64xf32, #tpu.memory_space<vmem_shared>>
        tpu.wait_indirect_dma semaphore(%arg15 : memref<!tpu.dma_semaphore, #tpu.memory_space<semaphore_mem>>) src(%dma_wait3A_444 : memref<10000x64xf32, #tpu.memory_space<vmem_shared>>) dst(%arg13 : memref<128x64xf32, #tpu.memory_space<vmem>>)
        "tpu.region"() ({
          %run_scoped3A_453 = tpu.sem_alloc : memref<!tpu.dma_semaphore, #tpu.memory_space<semaphore_mem>>
          %dma_start3A_454 = arith.constant 0 : i32
          %dma_start3A_455 = tpu.memref_slice %arg9[%add3A_438, %dma_start3A_454] : memref<32x128xi32, #tpu.memory_space<vmem>> -> memref<1x128xi32, #tpu.memory_space<vmem>>
          %dma_start3A_456 = tpu.memref_squeeze %dma_start3A_455 : memref<1x128xi32, #tpu.memory_space<vmem>> -> memref<128xi32, #tpu.memory_space<vmem>>
          %dma_start3A_457 = arith.constant 0 : i32
          %dma_start3A_458 = arith.constant 0 : i32
          %dma_start3A_459 = tpu.memref_slice %arg7[%dma_start3A_457, %dma_start3A_458] : memref<10112x64xf32, #tpu.memory_space<vmem_shared>> -> memref<10112x64xf32, #tpu.memory_space<vmem_shared>>
          tpu.enqueue_indirect_dma source(%arg13 : memref<128x64xf32, #tpu.memory_space<vmem>>) target(%dma_start3A_459 : memref<10112x64xf32, #tpu.memory_space<vmem_shared>>) offsets(%dma_start3A_456 : memref<128xi32, #tpu.memory_space<vmem>>) semaphore(%run_scoped3A_453 : memref<!tpu.dma_semaphore, #tpu.memory_space<semaphore_mem>>) {add = true}
          %dma_wait3A_460 = arith.constant 0 : i32
          %dma_wait3A_461 = tpu.memref_slice %arg9[%add3A_438, %dma_wait3A_460] : memref<32x128xi32, #tpu.memory_space<vmem>> -> memref<1x128xi32, #tpu.memory_space<vmem>>
          %dma_wait3A_462 = tpu.memref_squeeze %dma_wait3A_461 : memref<1x128xi32, #tpu.memory_space<vmem>> -> memref<128xi32, #tpu.memory_space<vmem>>
          %dma_wait3A_463 = arith.constant 0 : i32
          %dma_wait3A_464 = arith.constant 0 : i32
          %dma_wait3A_465 = tpu.memref_slice %arg7[%dma_wait3A_463, %dma_wait3A_464] : memref<10112x64xf32, #tpu.memory_space<vmem_shared>> -> memref<10112x64xf32, #tpu.memory_space<vmem_shared>>
          tpu.wait_indirect_dma semaphore(%run_scoped3A_453 : memref<!tpu.dma_semaphore, #tpu.memory_space<semaphore_mem>>) src(%arg13 : memref<128x64xf32, #tpu.memory_space<vmem>>) dst(%dma_wait3A_465 : memref<10112x64xf32, #tpu.memory_space<vmem_shared>>)
          tpu.yield
        }) : () -> ()
        %add3A_445 = arith.constant 2 : i32
        %add3A_446 = arith.addi %add3A_438, %add3A_445 : i32
        %dma_start3A_447 = arith.constant 0 : i32
        %dma_start3A_448 = tpu.memref_slice %arg8[%add3A_446, %dma_start3A_447] : memref<32x128xi32, #tpu.memory_space<vmem>> -> memref<1x128xi32, #tpu.memory_space<vmem>>
        %dma_start3A_449 = tpu.memref_squeeze %dma_start3A_448 : memref<1x128xi32, #tpu.memory_space<vmem>> -> memref<128xi32, #tpu.memory_space<vmem>>
        %dma_start3A_450 = arith.constant 0 : i32
        %dma_start3A_451 = arith.constant 0 : i32
        %dma_start3A_452 = tpu.memref_slice %arg6[%dma_start3A_450, %dma_start3A_451] : memref<10000x64xf32, #tpu.memory_space<vmem_shared>> -> memref<10000x64xf32, #tpu.memory_space<vmem_shared>>
        tpu.enqueue_indirect_dma source(%dma_start3A_452 : memref<10000x64xf32, #tpu.memory_space<vmem_shared>>) target(%arg13 : memref<128x64xf32, #tpu.memory_space<vmem>>) offsets(%dma_start3A_449 : memref<128xi32, #tpu.memory_space<vmem>>) semaphore(%arg15 : memref<!tpu.dma_semaphore, #tpu.memory_space<semaphore_mem>>)
      }
      %scan3A_251 = arith.constant 15 : i32
      %dma_wait3A_252 = arith.constant 30 : i32
      %dma_wait3A_253 = arith.constant 0 : i32
      %dma_wait3A_254 = tpu.memref_slice %arg8[%dma_wait3A_252, %dma_wait3A_253] : memref<32x128xi32, #tpu.memory_space<vmem>> -> memref<1x128xi32, #tpu.memory_space<vmem>>
      %dma_wait3A_255 = tpu.memref_squeeze %dma_wait3A_254 : memref<1x128xi32, #tpu.memory_space<vmem>> -> memref<128xi32, #tpu.memory_space<vmem>>
      %dma_wait3A_256 = arith.constant 0 : i32
      %dma_wait3A_257 = arith.constant 0 : i32
      %dma_wait3A_258 = tpu.memref_slice %arg6[%dma_wait3A_256, %dma_wait3A_257] : memref<10000x64xf32, #tpu.memory_space<vmem_shared>> -> memref<10000x64xf32, #tpu.memory_space<vmem_shared>>
      tpu.wait_indirect_dma semaphore(%arg14 : memref<!tpu.dma_semaphore, #tpu.memory_space<semaphore_mem>>) src(%dma_wait3A_258 : memref<10000x64xf32, #tpu.memory_space<vmem_shared>>) dst(%arg12 : memref<128x64xf32, #tpu.memory_space<vmem>>)
      %run_scoped3A_259 = arith.constant 30 : i32
      "tpu.region"() ({
        %run_scoped3A_418 = tpu.sem_alloc : memref<!tpu.dma_semaphore, #tpu.memory_space<semaphore_mem>>
        %dma_start3A_419 = arith.constant 0 : i32
        %dma_start3A_420 = tpu.memref_slice %arg9[%run_scoped3A_259, %dma_start3A_419] : memref<32x128xi32, #tpu.memory_space<vmem>> -> memref<1x128xi32, #tpu.memory_space<vmem>>
        %dma_start3A_421 = tpu.memref_squeeze %dma_start3A_420 : memref<1x128xi32, #tpu.memory_space<vmem>> -> memref<128xi32, #tpu.memory_space<vmem>>
        %dma_start3A_422 = arith.constant 0 : i32
        %dma_start3A_423 = arith.constant 0 : i32
        %dma_start3A_424 = tpu.memref_slice %arg7[%dma_start3A_422, %dma_start3A_423] : memref<10112x64xf32, #tpu.memory_space<vmem_shared>> -> memref<10112x64xf32, #tpu.memory_space<vmem_shared>>
        tpu.enqueue_indirect_dma source(%arg12 : memref<128x64xf32, #tpu.memory_space<vmem>>) target(%dma_start3A_424 : memref<10112x64xf32, #tpu.memory_space<vmem_shared>>) offsets(%dma_start3A_421 : memref<128xi32, #tpu.memory_space<vmem>>) semaphore(%run_scoped3A_418 : memref<!tpu.dma_semaphore, #tpu.memory_space<semaphore_mem>>) {add = true}
        %dma_wait3A_425 = arith.constant 0 : i32
        %dma_wait3A_426 = tpu.memref_slice %arg9[%run_scoped3A_259, %dma_wait3A_425] : memref<32x128xi32, #tpu.memory_space<vmem>> -> memref<1x128xi32, #tpu.memory_space<vmem>>
        %dma_wait3A_427 = tpu.memref_squeeze %dma_wait3A_426 : memref<1x128xi32, #tpu.memory_space<vmem>> -> memref<128xi32, #tpu.memory_space<vmem>>
        %dma_wait3A_428 = arith.constant 0 : i32
        %dma_wait3A_429 = arith.constant 0 : i32
        %dma_wait3A_430 = tpu.memref_slice %arg7[%dma_wait3A_428, %dma_wait3A_429] : memref<10112x64xf32, #tpu.memory_space<vmem_shared>> -> memref<10112x64xf32, #tpu.memory_space<vmem_shared>>
        tpu.wait_indirect_dma semaphore(%run_scoped3A_418 : memref<!tpu.dma_semaphore, #tpu.memory_space<semaphore_mem>>) src(%arg12 : memref<128x64xf32, #tpu.memory_space<vmem>>) dst(%dma_wait3A_430 : memref<10112x64xf32, #tpu.memory_space<vmem_shared>>)
        tpu.yield
      }) : () -> ()
      %dma_wait3A_260 = arith.constant 31 : i32
      %dma_wait3A_261 = arith.constant 0 : i32
      %dma_wait3A_262 = tpu.memref_slice %arg8[%dma_wait3A_260, %dma_wait3A_261] : memref<32x128xi32, #tpu.memory_space<vmem>> -> memref<1x128xi32, #tpu.memory_space<vmem>>
      %dma_wait3A_263 = tpu.memref_squeeze %dma_wait3A_262 : memref<1x128xi32, #tpu.memory_space<vmem>> -> memref<128xi32, #tpu.memory_space<vmem>>
      %dma_wait3A_264 = arith.constant 0 : i32
      %dma_wait3A_265 = arith.constant 0 : i32
      %dma_wait3A_266 = tpu.memref_slice %arg6[%dma_wait3A_264, %dma_wait3A_265] : memref<10000x64xf32, #tpu.memory_space<vmem_shared>> -> memref<10000x64xf32, #tpu.memory_space<vmem_shared>>
      tpu.wait_indirect_dma semaphore(%arg15 : memref<!tpu.dma_semaphore, #tpu.memory_space<semaphore_mem>>) src(%dma_wait3A_266 : memref<10000x64xf32, #tpu.memory_space<vmem_shared>>) dst(%arg13 : memref<128x64xf32, #tpu.memory_space<vmem>>)
      %run_scoped3A_267 = arith.constant 31 : i32
      "tpu.region"() ({
        %run_scoped3A_418 = tpu.sem_alloc : memref<!tpu.dma_semaphore, #tpu.memory_space<semaphore_mem>>
        %dma_start3A_419 = arith.constant 0 : i32
        %dma_start3A_420 = tpu.memref_slice %arg9[%run_scoped3A_267, %dma_start3A_419] : memref<32x128xi32, #tpu.memory_space<vmem>> -> memref<1x128xi32, #tpu.memory_space<vmem>>
        %dma_start3A_421 = tpu.memref_squeeze %dma_start3A_420 : memref<1x128xi32, #tpu.memory_space<vmem>> -> memref<128xi32, #tpu.memory_space<vmem>>
        %dma_start3A_422 = arith.constant 0 : i32
        %dma_start3A_423 = arith.constant 0 : i32
        %dma_start3A_424 = tpu.memref_slice %arg7[%dma_start3A_422, %dma_start3A_423] : memref<10112x64xf32, #tpu.memory_space<vmem_shared>> -> memref<10112x64xf32, #tpu.memory_space<vmem_shared>>
        tpu.enqueue_indirect_dma source(%arg13 : memref<128x64xf32, #tpu.memory_space<vmem>>) target(%dma_start3A_424 : memref<10112x64xf32, #tpu.memory_space<vmem_shared>>) offsets(%dma_start3A_421 : memref<128xi32, #tpu.memory_space<vmem>>) semaphore(%run_scoped3A_418 : memref<!tpu.dma_semaphore, #tpu.memory_space<semaphore_mem>>) {add = true}
        %dma_wait3A_425 = arith.constant 0 : i32
        %dma_wait3A_426 = tpu.memref_slice %arg9[%run_scoped3A_267, %dma_wait3A_425] : memref<32x128xi32, #tpu.memory_space<vmem>> -> memref<1x128xi32, #tpu.memory_space<vmem>>
        %dma_wait3A_427 = tpu.memref_squeeze %dma_wait3A_426 : memref<1x128xi32, #tpu.memory_space<vmem>> -> memref<128xi32, #tpu.memory_space<vmem>>
        %dma_wait3A_428 = arith.constant 0 : i32
        %dma_wait3A_429 = arith.constant 0 : i32
        %dma_wait3A_430 = tpu.memref_slice %arg7[%dma_wait3A_428, %dma_wait3A_429] : memref<10112x64xf32, #tpu.memory_space<vmem_shared>> -> memref<10112x64xf32, #tpu.memory_space<vmem_shared>>
        tpu.wait_indirect_dma semaphore(%run_scoped3A_418 : memref<!tpu.dma_semaphore, #tpu.memory_space<semaphore_mem>>) src(%arg13 : memref<128x64xf32, #tpu.memory_space<vmem>>) dst(%dma_wait3A_430 : memref<10112x64xf32, #tpu.memory_space<vmem_shared>>)
        tpu.yield
      }) : () -> ()
      %dma_wait3A_268 = arith.constant 0 : i32
      %dma_wait3A_269 = arith.constant 0 : i32
      %dma_wait3A_270 = arith.constant 0 : i32
      %dma_wait3A_271 = tpu.memref_slice %arg10[%dma_wait3A_269, %dma_wait3A_270] : memref<32x128xi32, #tpu.memory_space<vmem>> -> memref<32x128xi32, #tpu.memory_space<vmem>>
      %dma_wait3A_272 = arith.constant 0 : i32
      %dma_wait3A_273 = tpu.memref_slice %arg3[%dma_wait3A_268, %add3A_30, %dma_wait3A_272] : memref<2x2504x128xi32, #tpu.memory_space<hbm>> -> memref<1x32x128xi32, #tpu.memory_space<hbm>>
      %dma_wait3A_274 = tpu.memref_squeeze %dma_wait3A_273 : memref<1x32x128xi32, #tpu.memory_space<hbm>> -> memref<32x128xi32, #tpu.memory_space<hbm>>
      %dma_wait3A_275 = arith.constant 0 : i32
      %dma_wait3A_276 = arith.constant 0 : i32
      %dma_wait3A_277 = tpu.memref_slice %arg10[%dma_wait3A_275, %dma_wait3A_276] : memref<32x128xi32, #tpu.memory_space<vmem>> -> memref<32x128xi32, #tpu.memory_space<vmem>>
      %dma_wait3A_278 = arith.constant 0 : i32
      %dma_wait3A_279 = tpu.memref_slice %arg3[%dma_wait3A_268, %add3A_30, %dma_wait3A_278] : memref<2x2504x128xi32, #tpu.memory_space<hbm>> -> memref<1x32x128xi32, #tpu.memory_space<hbm>>
      %dma_wait3A_280 = tpu.memref_squeeze %dma_wait3A_279 : memref<1x32x128xi32, #tpu.memory_space<hbm>> -> memref<32x128xi32, #tpu.memory_space<hbm>>
      tpu.wait_dma2 semaphore(%arg17 : memref<!tpu.dma_semaphore, #tpu.memory_space<semaphore_mem>>) src(%dma_wait3A_280 : memref<32x128xi32, #tpu.memory_space<hbm>>) dst(%dma_wait3A_277 : memref<32x128xi32, #tpu.memory_space<vmem>>)
      %dma_wait3A_281 = arith.constant 1 : i32
      %dma_wait3A_282 = arith.constant 0 : i32
      %dma_wait3A_283 = arith.constant 0 : i32
      %dma_wait3A_284 = tpu.memref_slice %arg11[%dma_wait3A_282, %dma_wait3A_283] : memref<32x128xi32, #tpu.memory_space<vmem>> -> memref<32x128xi32, #tpu.memory_space<vmem>>
      %dma_wait3A_285 = arith.constant 0 : i32
      %dma_wait3A_286 = tpu.memref_slice %arg3[%dma_wait3A_281, %add3A_30, %dma_wait3A_285] : memref<2x2504x128xi32, #tpu.memory_space<hbm>> -> memref<1x32x128xi32, #tpu.memory_space<hbm>>
      %dma_wait3A_287 = tpu.memref_squeeze %dma_wait3A_286 : memref<1x32x128xi32, #tpu.memory_space<hbm>> -> memref<32x128xi32, #tpu.memory_space<hbm>>
      %dma_wait3A_288 = arith.constant 0 : i32
      %dma_wait3A_289 = arith.constant 0 : i32
      %dma_wait3A_290 = tpu.memref_slice %arg11[%dma_wait3A_288, %dma_wait3A_289] : memref<32x128xi32, #tpu.memory_space<vmem>> -> memref<32x128xi32, #tpu.memory_space<vmem>>
      %dma_wait3A_291 = arith.constant 0 : i32
      %dma_wait3A_292 = tpu.memref_slice %arg3[%dma_wait3A_281, %add3A_30, %dma_wait3A_291] : memref<2x2504x128xi32, #tpu.memory_space<hbm>> -> memref<1x32x128xi32, #tpu.memory_space<hbm>>
      %dma_wait3A_293 = tpu.memref_squeeze %dma_wait3A_292 : memref<1x32x128xi32, #tpu.memory_space<hbm>> -> memref<32x128xi32, #tpu.memory_space<hbm>>
      tpu.wait_dma2 semaphore(%arg17 : memref<!tpu.dma_semaphore, #tpu.memory_space<semaphore_mem>>) src(%dma_wait3A_293 : memref<32x128xi32, #tpu.memory_space<hbm>>) dst(%dma_wait3A_290 : memref<32x128xi32, #tpu.memory_space<vmem>>)
      %dma_start3A_294 = arith.constant 0 : i32
      %dma_start3A_295 = arith.constant 0 : i32
      %dma_start3A_296 = arith.constant 0 : i32
      %dma_start3A_297 = tpu.memref_slice %arg8[%dma_start3A_295, %dma_start3A_296] : memref<32x128xi32, #tpu.memory_space<vmem>> -> memref<32x128xi32, #tpu.memory_space<vmem>>
      %dma_start3A_298 = arith.constant 0 : i32
      %dma_start3A_299 = tpu.memref_slice %arg3[%dma_start3A_294, %add3A_32, %dma_start3A_298] : memref<2x2504x128xi32, #tpu.memory_space<hbm>> -> memref<1x32x128xi32, #tpu.memory_space<hbm>>
      %dma_start3A_300 = tpu.memref_squeeze %dma_start3A_299 : memref<1x32x128xi32, #tpu.memory_space<hbm>> -> memref<32x128xi32, #tpu.memory_space<hbm>>
      %dma_start3A_301 = arith.constant 0 : i32
      %dma_start3A_302 = arith.constant 0 : i32
      %dma_start3A_303 = tpu.memref_slice %arg8[%dma_start3A_301, %dma_start3A_302] : memref<32x128xi32, #tpu.memory_space<vmem>> -> memref<32x128xi32, #tpu.memory_space<vmem>>
      %dma_start3A_304 = arith.constant 0 : i32
      %dma_start3A_305 = tpu.memref_slice %arg3[%dma_start3A_294, %add3A_32, %dma_start3A_304] : memref<2x2504x128xi32, #tpu.memory_space<hbm>> -> memref<1x32x128xi32, #tpu.memory_space<hbm>>
      %dma_start3A_306 = tpu.memref_squeeze %dma_start3A_305 : memref<1x32x128xi32, #tpu.memory_space<hbm>> -> memref<32x128xi32, #tpu.memory_space<hbm>>
      tpu.enqueue_dma source(%dma_start3A_306 : memref<32x128xi32, #tpu.memory_space<hbm>>) target(%dma_start3A_303 : memref<32x128xi32, #tpu.memory_space<vmem>>) target_semaphore(%arg16 : memref<!tpu.dma_semaphore, #tpu.memory_space<semaphore_mem>>)
      %dma_start3A_307 = arith.constant 1 : i32
      %dma_start3A_308 = arith.constant 0 : i32
      %dma_start3A_309 = arith.constant 0 : i32
      %dma_start3A_310 = tpu.memref_slice %arg9[%dma_start3A_308, %dma_start3A_309] : memref<32x128xi32, #tpu.memory_space<vmem>> -> memref<32x128xi32, #tpu.memory_space<vmem>>
      %dma_start3A_311 = arith.constant 0 : i32
      %dma_start3A_312 = tpu.memref_slice %arg3[%dma_start3A_307, %add3A_32, %dma_start3A_311] : memref<2x2504x128xi32, #tpu.memory_space<hbm>> -> memref<1x32x128xi32, #tpu.memory_space<hbm>>
      %dma_start3A_313 = tpu.memref_squeeze %dma_start3A_312 : memref<1x32x128xi32, #tpu.memory_space<hbm>> -> memref<32x128xi32, #tpu.memory_space<hbm>>
      %dma_start3A_314 = arith.constant 0 : i32
      %dma_start3A_315 = arith.constant 0 : i32
      %dma_start3A_316 = tpu.memref_slice %arg9[%dma_start3A_314, %dma_start3A_315] : memref<32x128xi32, #tpu.memory_space<vmem>> -> memref<32x128xi32, #tpu.memory_space<vmem>>
      %dma_start3A_317 = arith.constant 0 : i32
      %dma_start3A_318 = tpu.memref_slice %arg3[%dma_start3A_307, %add3A_32, %dma_start3A_317] : memref<2x2504x128xi32, #tpu.memory_space<hbm>> -> memref<1x32x128xi32, #tpu.memory_space<hbm>>
      %dma_start3A_319 = tpu.memref_squeeze %dma_start3A_318 : memref<1x32x128xi32, #tpu.memory_space<hbm>> -> memref<32x128xi32, #tpu.memory_space<hbm>>
      tpu.enqueue_dma source(%dma_start3A_319 : memref<32x128xi32, #tpu.memory_space<hbm>>) target(%dma_start3A_316 : memref<32x128xi32, #tpu.memory_space<vmem>>) target_semaphore(%arg16 : memref<!tpu.dma_semaphore, #tpu.memory_space<semaphore_mem>>)
      %dma_start3A_320 = arith.constant 0 : i32
      %dma_start3A_321 = arith.constant 0 : i32
      %dma_start3A_322 = tpu.memref_slice %arg10[%dma_start3A_320, %dma_start3A_321] : memref<32x128xi32, #tpu.memory_space<vmem>> -> memref<1x128xi32, #tpu.memory_space<vmem>>
      %dma_start3A_323 = tpu.memref_squeeze %dma_start3A_322 : memref<1x128xi32, #tpu.memory_space<vmem>> -> memref<128xi32, #tpu.memory_space<vmem>>
      %dma_start3A_324 = arith.constant 0 : i32
      %dma_start3A_325 = arith.constant 0 : i32
      %dma_start3A_326 = tpu.memref_slice %arg6[%dma_start3A_324, %dma_start3A_325] : memref<10000x64xf32, #tpu.memory_space<vmem_shared>> -> memref<10000x64xf32, #tpu.memory_space<vmem_shared>>
      tpu.enqueue_indirect_dma source(%dma_start3A_326 : memref<10000x64xf32, #tpu.memory_space<vmem_shared>>) target(%arg12 : memref<128x64xf32, #tpu.memory_space<vmem>>) offsets(%dma_start3A_323 : memref<128xi32, #tpu.memory_space<vmem>>) semaphore(%arg14 : memref<!tpu.dma_semaphore, #tpu.memory_space<semaphore_mem>>)
      %dma_start3A_327 = arith.constant 1 : i32
      %dma_start3A_328 = arith.constant 0 : i32
      %dma_start3A_329 = tpu.memref_slice %arg10[%dma_start3A_327, %dma_start3A_328] : memref<32x128xi32, #tpu.memory_space<vmem>> -> memref<1x128xi32, #tpu.memory_space<vmem>>
      %dma_start3A_330 = tpu.memref_squeeze %dma_start3A_329 : memref<1x128xi32, #tpu.memory_space<vmem>> -> memref<128xi32, #tpu.memory_space<vmem>>
      %dma_start3A_331 = arith.constant 0 : i32
      %dma_start3A_332 = arith.constant 0 : i32
      %dma_start3A_333 = tpu.memref_slice %arg6[%dma_start3A_331, %dma_start3A_332] : memref<10000x64xf32, #tpu.memory_space<vmem_shared>> -> memref<10000x64xf32, #tpu.memory_space<vmem_shared>>
      tpu.enqueue_indirect_dma source(%dma_start3A_333 : memref<10000x64xf32, #tpu.memory_space<vmem_shared>>) target(%arg13 : memref<128x64xf32, #tpu.memory_space<vmem>>) offsets(%dma_start3A_330 : memref<128xi32, #tpu.memory_space<vmem>>) semaphore(%arg15 : memref<!tpu.dma_semaphore, #tpu.memory_space<semaphore_mem>>)
      %scan3A_334 = arith.constant 0 : i32
      %scan3A_335 = arith.constant 0 : i32
      %scan3A_336 = arith.constant 15 : i32
      %scan3A_337 = arith.addi %scan3A_335, %scan3A_336 : i32
      %scan3A_338 = arith.constant 1 : i32
      scf.for %scan3A_418 = %scan3A_335 to %scan3A_337 step %scan3A_338  : i32 {
        %mul3A_419 = arith.constant 2 : i32
        %mul3A_420 = arith.muli %scan3A_418, %mul3A_419 : i32
        %add3A_421 = arith.constant 0 : i32
        %add3A_422 = arith.addi %mul3A_420, %add3A_421 : i32
        %dma_wait3A_423 = arith.constant 0 : i32
        %dma_wait3A_424 = tpu.memref_slice %arg10[%add3A_422, %dma_wait3A_423] : memref<32x128xi32, #tpu.memory_space<vmem>> -> memref<1x128xi32, #tpu.memory_space<vmem>>
        %dma_wait3A_425 = tpu.memref_squeeze %dma_wait3A_424 : memref<1x128xi32, #tpu.memory_space<vmem>> -> memref<128xi32, #tpu.memory_space<vmem>>
        %dma_wait3A_426 = arith.constant 0 : i32
        %dma_wait3A_427 = arith.constant 0 : i32
        %dma_wait3A_428 = tpu.memref_slice %arg6[%dma_wait3A_426, %dma_wait3A_427] : memref<10000x64xf32, #tpu.memory_space<vmem_shared>> -> memref<10000x64xf32, #tpu.memory_space<vmem_shared>>
        tpu.wait_indirect_dma semaphore(%arg14 : memref<!tpu.dma_semaphore, #tpu.memory_space<semaphore_mem>>) src(%dma_wait3A_428 : memref<10000x64xf32, #tpu.memory_space<vmem_shared>>) dst(%arg12 : memref<128x64xf32, #tpu.memory_space<vmem>>)
        "tpu.region"() ({
          %run_scoped3A_453 = tpu.sem_alloc : memref<!tpu.dma_semaphore, #tpu.memory_space<semaphore_mem>>
          %dma_start3A_454 = arith.constant 0 : i32
          %dma_start3A_455 = tpu.memref_slice %arg11[%add3A_422, %dma_start3A_454] : memref<32x128xi32, #tpu.memory_space<vmem>> -> memref<1x128xi32, #tpu.memory_space<vmem>>
          %dma_start3A_456 = tpu.memref_squeeze %dma_start3A_455 : memref<1x128xi32, #tpu.memory_space<vmem>> -> memref<128xi32, #tpu.memory_space<vmem>>
          %dma_start3A_457 = arith.constant 0 : i32
          %dma_start3A_458 = arith.constant 0 : i32
          %dma_start3A_459 = tpu.memref_slice %arg7[%dma_start3A_457, %dma_start3A_458] : memref<10112x64xf32, #tpu.memory_space<vmem_shared>> -> memref<10112x64xf32, #tpu.memory_space<vmem_shared>>
          tpu.enqueue_indirect_dma source(%arg12 : memref<128x64xf32, #tpu.memory_space<vmem>>) target(%dma_start3A_459 : memref<10112x64xf32, #tpu.memory_space<vmem_shared>>) offsets(%dma_start3A_456 : memref<128xi32, #tpu.memory_space<vmem>>) semaphore(%run_scoped3A_453 : memref<!tpu.dma_semaphore, #tpu.memory_space<semaphore_mem>>) {add = true}
          %dma_wait3A_460 = arith.constant 0 : i32
          %dma_wait3A_461 = tpu.memref_slice %arg11[%add3A_422, %dma_wait3A_460] : memref<32x128xi32, #tpu.memory_space<vmem>> -> memref<1x128xi32, #tpu.memory_space<vmem>>
          %dma_wait3A_462 = tpu.memref_squeeze %dma_wait3A_461 : memref<1x128xi32, #tpu.memory_space<vmem>> -> memref<128xi32, #tpu.memory_space<vmem>>
          %dma_wait3A_463 = arith.constant 0 : i32
          %dma_wait3A_464 = arith.constant 0 : i32
          %dma_wait3A_465 = tpu.memref_slice %arg7[%dma_wait3A_463, %dma_wait3A_464] : memref<10112x64xf32, #tpu.memory_space<vmem_shared>> -> memref<10112x64xf32, #tpu.memory_space<vmem_shared>>
          tpu.wait_indirect_dma semaphore(%run_scoped3A_453 : memref<!tpu.dma_semaphore, #tpu.memory_space<semaphore_mem>>) src(%arg12 : memref<128x64xf32, #tpu.memory_space<vmem>>) dst(%dma_wait3A_465 : memref<10112x64xf32, #tpu.memory_space<vmem_shared>>)
          tpu.yield
        }) : () -> ()
        %add3A_429 = arith.constant 2 : i32
        %add3A_430 = arith.addi %add3A_422, %add3A_429 : i32
        %dma_start3A_431 = arith.constant 0 : i32
        %dma_start3A_432 = tpu.memref_slice %arg10[%add3A_430, %dma_start3A_431] : memref<32x128xi32, #tpu.memory_space<vmem>> -> memref<1x128xi32, #tpu.memory_space<vmem>>
        %dma_start3A_433 = tpu.memref_squeeze %dma_start3A_432 : memref<1x128xi32, #tpu.memory_space<vmem>> -> memref<128xi32, #tpu.memory_space<vmem>>
        %dma_start3A_434 = arith.constant 0 : i32
        %dma_start3A_435 = arith.constant 0 : i32
        %dma_start3A_436 = tpu.memref_slice %arg6[%dma_start3A_434, %dma_start3A_435] : memref<10000x64xf32, #tpu.memory_space<vmem_shared>> -> memref<10000x64xf32, #tpu.memory_space<vmem_shared>>
        tpu.enqueue_indirect_dma source(%dma_start3A_436 : memref<10000x64xf32, #tpu.memory_space<vmem_shared>>) target(%arg12 : memref<128x64xf32, #tpu.memory_space<vmem>>) offsets(%dma_start3A_433 : memref<128xi32, #tpu.memory_space<vmem>>) semaphore(%arg14 : memref<!tpu.dma_semaphore, #tpu.memory_space<semaphore_mem>>)
        %add3A_437 = arith.constant 1 : i32
        %add3A_438 = arith.addi %mul3A_420, %add3A_437 : i32
        %dma_wait3A_439 = arith.constant 0 : i32
        %dma_wait3A_440 = tpu.memref_slice %arg10[%add3A_438, %dma_wait3A_439] : memref<32x128xi32, #tpu.memory_space<vmem>> -> memref<1x128xi32, #tpu.memory_space<vmem>>
        %dma_wait3A_441 = tpu.memref_squeeze %dma_wait3A_440 : memref<1x128xi32, #tpu.memory_space<vmem>> -> memref<128xi32, #tpu.memory_space<vmem>>
        %dma_wait3A_442 = arith.constant 0 : i32
        %dma_wait3A_443 = arith.constant 0 : i32
        %dma_wait3A_444 = tpu.memref_slice %arg6[%dma_wait3A_442, %dma_wait3A_443] : memref<10000x64xf32, #tpu.memory_space<vmem_shared>> -> memref<10000x64xf32, #tpu.memory_space<vmem_shared>>
        tpu.wait_indirect_dma semaphore(%arg15 : memref<!tpu.dma_semaphore, #tpu.memory_space<semaphore_mem>>) src(%dma_wait3A_444 : memref<10000x64xf32, #tpu.memory_space<vmem_shared>>) dst(%arg13 : memref<128x64xf32, #tpu.memory_space<vmem>>)
        "tpu.region"() ({
          %run_scoped3A_453 = tpu.sem_alloc : memref<!tpu.dma_semaphore, #tpu.memory_space<semaphore_mem>>
          %dma_start3A_454 = arith.constant 0 : i32
          %dma_start3A_455 = tpu.memref_slice %arg11[%add3A_438, %dma_start3A_454] : memref<32x128xi32, #tpu.memory_space<vmem>> -> memref<1x128xi32, #tpu.memory_space<vmem>>
          %dma_start3A_456 = tpu.memref_squeeze %dma_start3A_455 : memref<1x128xi32, #tpu.memory_space<vmem>> -> memref<128xi32, #tpu.memory_space<vmem>>
          %dma_start3A_457 = arith.constant 0 : i32
          %dma_start3A_458 = arith.constant 0 : i32
          %dma_start3A_459 = tpu.memref_slice %arg7[%dma_start3A_457, %dma_start3A_458] : memref<10112x64xf32, #tpu.memory_space<vmem_shared>> -> memref<10112x64xf32, #tpu.memory_space<vmem_shared>>
          tpu.enqueue_indirect_dma source(%arg13 : memref<128x64xf32, #tpu.memory_space<vmem>>) target(%dma_start3A_459 : memref<10112x64xf32, #tpu.memory_space<vmem_shared>>) offsets(%dma_start3A_456 : memref<128xi32, #tpu.memory_space<vmem>>) semaphore(%run_scoped3A_453 : memref<!tpu.dma_semaphore, #tpu.memory_space<semaphore_mem>>) {add = true}
          %dma_wait3A_460 = arith.constant 0 : i32
          %dma_wait3A_461 = tpu.memref_slice %arg11[%add3A_438, %dma_wait3A_460] : memref<32x128xi32, #tpu.memory_space<vmem>> -> memref<1x128xi32, #tpu.memory_space<vmem>>
          %dma_wait3A_462 = tpu.memref_squeeze %dma_wait3A_461 : memref<1x128xi32, #tpu.memory_space<vmem>> -> memref<128xi32, #tpu.memory_space<vmem>>
          %dma_wait3A_463 = arith.constant 0 : i32
          %dma_wait3A_464 = arith.constant 0 : i32
          %dma_wait3A_465 = tpu.memref_slice %arg7[%dma_wait3A_463, %dma_wait3A_464] : memref<10112x64xf32, #tpu.memory_space<vmem_shared>> -> memref<10112x64xf32, #tpu.memory_space<vmem_shared>>
          tpu.wait_indirect_dma semaphore(%run_scoped3A_453 : memref<!tpu.dma_semaphore, #tpu.memory_space<semaphore_mem>>) src(%arg13 : memref<128x64xf32, #tpu.memory_space<vmem>>) dst(%dma_wait3A_465 : memref<10112x64xf32, #tpu.memory_space<vmem_shared>>)
          tpu.yield
        }) : () -> ()
        %add3A_445 = arith.constant 2 : i32
        %add3A_446 = arith.addi %add3A_438, %add3A_445 : i32
        %dma_start3A_447 = arith.constant 0 : i32
        %dma_start3A_448 = tpu.memref_slice %arg10[%add3A_446, %dma_start3A_447] : memref<32x128xi32, #tpu.memory_space<vmem>> -> memref<1x128xi32, #tpu.memory_space<vmem>>
        %dma_start3A_449 = tpu.memref_squeeze %dma_start3A_448 : memref<1x128xi32, #tpu.memory_space<vmem>> -> memref<128xi32, #tpu.memory_space<vmem>>
        %dma_start3A_450 = arith.constant 0 : i32
        %dma_start3A_451 = arith.constant 0 : i32
        %dma_start3A_452 = tpu.memref_slice %arg6[%dma_start3A_450, %dma_start3A_451] : memref<10000x64xf32, #tpu.memory_space<vmem_shared>> -> memref<10000x64xf32, #tpu.memory_space<vmem_shared>>
        tpu.enqueue_indirect_dma source(%dma_start3A_452 : memref<10000x64xf32, #tpu.memory_space<vmem_shared>>) target(%arg13 : memref<128x64xf32, #tpu.memory_space<vmem>>) offsets(%dma_start3A_449 : memref<128xi32, #tpu.memory_space<vmem>>) semaphore(%arg15 : memref<!tpu.dma_semaphore, #tpu.memory_space<semaphore_mem>>)
      }
      %scan3A_339 = arith.constant 15 : i32
      %dma_wait3A_340 = arith.constant 30 : i32
      %dma_wait3A_341 = arith.constant 0 : i32
      %dma_wait3A_342 = tpu.memref_slice %arg10[%dma_wait3A_340, %dma_wait3A_341] : memref<32x128xi32, #tpu.memory_space<vmem>> -> memref<1x128xi32, #tpu.memory_space<vmem>>
      %dma_wait3A_343 = tpu.memref_squeeze %dma_wait3A_342 : memref<1x128xi32, #tpu.memory_space<vmem>> -> memref<128xi32, #tpu.memory_space<vmem>>
      %dma_wait3A_344 = arith.constant 0 : i32
      %dma_wait3A_345 = arith.constant 0 : i32
      %dma_wait3A_346 = tpu.memref_slice %arg6[%dma_wait3A_344, %dma_wait3A_345] : memref<10000x64xf32, #tpu.memory_space<vmem_shared>> -> memref<10000x64xf32, #tpu.memory_space<vmem_shared>>
      tpu.wait_indirect_dma semaphore(%arg14 : memref<!tpu.dma_semaphore, #tpu.memory_space<semaphore_mem>>) src(%dma_wait3A_346 : memref<10000x64xf32, #tpu.memory_space<vmem_shared>>) dst(%arg12 : memref<128x64xf32, #tpu.memory_space<vmem>>)
      %run_scoped3A_347 = arith.constant 30 : i32
      "tpu.region"() ({
        %run_scoped3A_418 = tpu.sem_alloc : memref<!tpu.dma_semaphore, #tpu.memory_space<semaphore_mem>>
        %dma_start3A_419 = arith.constant 0 : i32
        %dma_start3A_420 = tpu.memref_slice %arg11[%run_scoped3A_347, %dma_start3A_419] : memref<32x128xi32, #tpu.memory_space<vmem>> -> memref<1x128xi32, #tpu.memory_space<vmem>>
        %dma_start3A_421 = tpu.memref_squeeze %dma_start3A_420 : memref<1x128xi32, #tpu.memory_space<vmem>> -> memref<128xi32, #tpu.memory_space<vmem>>
        %dma_start3A_422 = arith.constant 0 : i32
        %dma_start3A_423 = arith.constant 0 : i32
        %dma_start3A_424 = tpu.memref_slice %arg7[%dma_start3A_422, %dma_start3A_423] : memref<10112x64xf32, #tpu.memory_space<vmem_shared>> -> memref<10112x64xf32, #tpu.memory_space<vmem_shared>>
        tpu.enqueue_indirect_dma source(%arg12 : memref<128x64xf32, #tpu.memory_space<vmem>>) target(%dma_start3A_424 : memref<10112x64xf32, #tpu.memory_space<vmem_shared>>) offsets(%dma_start3A_421 : memref<128xi32, #tpu.memory_space<vmem>>) semaphore(%run_scoped3A_418 : memref<!tpu.dma_semaphore, #tpu.memory_space<semaphore_mem>>) {add = true}
        %dma_wait3A_425 = arith.constant 0 : i32
        %dma_wait3A_426 = tpu.memref_slice %arg11[%run_scoped3A_347, %dma_wait3A_425] : memref<32x128xi32, #tpu.memory_space<vmem>> -> memref<1x128xi32, #tpu.memory_space<vmem>>
        %dma_wait3A_427 = tpu.memref_squeeze %dma_wait3A_426 : memref<1x128xi32, #tpu.memory_space<vmem>> -> memref<128xi32, #tpu.memory_space<vmem>>
        %dma_wait3A_428 = arith.constant 0 : i32
        %dma_wait3A_429 = arith.constant 0 : i32
        %dma_wait3A_430 = tpu.memref_slice %arg7[%dma_wait3A_428, %dma_wait3A_429] : memref<10112x64xf32, #tpu.memory_space<vmem_shared>> -> memref<10112x64xf32, #tpu.memory_space<vmem_shared>>
        tpu.wait_indirect_dma semaphore(%run_scoped3A_418 : memref<!tpu.dma_semaphore, #tpu.memory_space<semaphore_mem>>) src(%arg12 : memref<128x64xf32, #tpu.memory_space<vmem>>) dst(%dma_wait3A_430 : memref<10112x64xf32, #tpu.memory_space<vmem_shared>>)
        tpu.yield
      }) : () -> ()
      %dma_wait3A_348 = arith.constant 31 : i32
      %dma_wait3A_349 = arith.constant 0 : i32
      %dma_wait3A_350 = tpu.memref_slice %arg10[%dma_wait3A_348, %dma_wait3A_349] : memref<32x128xi32, #tpu.memory_space<vmem>> -> memref<1x128xi32, #tpu.memory_space<vmem>>
      %dma_wait3A_351 = tpu.memref_squeeze %dma_wait3A_350 : memref<1x128xi32, #tpu.memory_space<vmem>> -> memref<128xi32, #tpu.memory_space<vmem>>
      %dma_wait3A_352 = arith.constant 0 : i32
      %dma_wait3A_353 = arith.constant 0 : i32
      %dma_wait3A_354 = tpu.memref_slice %arg6[%dma_wait3A_352, %dma_wait3A_353] : memref<10000x64xf32, #tpu.memory_space<vmem_shared>> -> memref<10000x64xf32, #tpu.memory_space<vmem_shared>>
      tpu.wait_indirect_dma semaphore(%arg15 : memref<!tpu.dma_semaphore, #tpu.memory_space<semaphore_mem>>) src(%dma_wait3A_354 : memref<10000x64xf32, #tpu.memory_space<vmem_shared>>) dst(%arg13 : memref<128x64xf32, #tpu.memory_space<vmem>>)
      %run_scoped3A_355 = arith.constant 31 : i32
      "tpu.region"() ({
        %run_scoped3A_418 = tpu.sem_alloc : memref<!tpu.dma_semaphore, #tpu.memory_space<semaphore_mem>>
        %dma_start3A_419 = arith.constant 0 : i32
        %dma_start3A_420 = tpu.memref_slice %arg11[%run_scoped3A_355, %dma_start3A_419] : memref<32x128xi32, #tpu.memory_space<vmem>> -> memref<1x128xi32, #tpu.memory_space<vmem>>
        %dma_start3A_421 = tpu.memref_squeeze %dma_start3A_420 : memref<1x128xi32, #tpu.memory_space<vmem>> -> memref<128xi32, #tpu.memory_space<vmem>>
        %dma_start3A_422 = arith.constant 0 : i32
        %dma_start3A_423 = arith.constant 0 : i32
        %dma_start3A_424 = tpu.memref_slice %arg7[%dma_start3A_422, %dma_start3A_423] : memref<10112x64xf32, #tpu.memory_space<vmem_shared>> -> memref<10112x64xf32, #tpu.memory_space<vmem_shared>>
        tpu.enqueue_indirect_dma source(%arg13 : memref<128x64xf32, #tpu.memory_space<vmem>>) target(%dma_start3A_424 : memref<10112x64xf32, #tpu.memory_space<vmem_shared>>) offsets(%dma_start3A_421 : memref<128xi32, #tpu.memory_space<vmem>>) semaphore(%run_scoped3A_418 : memref<!tpu.dma_semaphore, #tpu.memory_space<semaphore_mem>>) {add = true}
        %dma_wait3A_425 = arith.constant 0 : i32
        %dma_wait3A_426 = tpu.memref_slice %arg11[%run_scoped3A_355, %dma_wait3A_425] : memref<32x128xi32, #tpu.memory_space<vmem>> -> memref<1x128xi32, #tpu.memory_space<vmem>>
        %dma_wait3A_427 = tpu.memref_squeeze %dma_wait3A_426 : memref<1x128xi32, #tpu.memory_space<vmem>> -> memref<128xi32, #tpu.memory_space<vmem>>
        %dma_wait3A_428 = arith.constant 0 : i32
        %dma_wait3A_429 = arith.constant 0 : i32
        %dma_wait3A_430 = tpu.memref_slice %arg7[%dma_wait3A_428, %dma_wait3A_429] : memref<10112x64xf32, #tpu.memory_space<vmem_shared>> -> memref<10112x64xf32, #tpu.memory_space<vmem_shared>>
        tpu.wait_indirect_dma semaphore(%run_scoped3A_418 : memref<!tpu.dma_semaphore, #tpu.memory_space<semaphore_mem>>) src(%arg13 : memref<128x64xf32, #tpu.memory_space<vmem>>) dst(%dma_wait3A_430 : memref<10112x64xf32, #tpu.memory_space<vmem_shared>>)
        tpu.yield
      }) : () -> ()
      %dma_wait3A_356 = arith.constant 0 : i32
      %dma_wait3A_357 = arith.constant 0 : i32
      %dma_wait3A_358 = arith.constant 0 : i32
      %dma_wait3A_359 = tpu.memref_slice %arg8[%dma_wait3A_357, %dma_wait3A_358] : memref<32x128xi32, #tpu.memory_space<vmem>> -> memref<32x128xi32, #tpu.memory_space<vmem>>
      %dma_wait3A_360 = arith.constant 0 : i32
      %dma_wait3A_361 = tpu.memref_slice %arg3[%dma_wait3A_356, %add3A_32, %dma_wait3A_360] : memref<2x2504x128xi32, #tpu.memory_space<hbm>> -> memref<1x32x128xi32, #tpu.memory_space<hbm>>
      %dma_wait3A_362 = tpu.memref_squeeze %dma_wait3A_361 : memref<1x32x128xi32, #tpu.memory_space<hbm>> -> memref<32x128xi32, #tpu.memory_space<hbm>>
      %dma_wait3A_363 = arith.constant 0 : i32
      %dma_wait3A_364 = arith.constant 0 : i32
      %dma_wait3A_365 = tpu.memref_slice %arg8[%dma_wait3A_363, %dma_wait3A_364] : memref<32x128xi32, #tpu.memory_space<vmem>> -> memref<32x128xi32, #tpu.memory_space<vmem>>
      %dma_wait3A_366 = arith.constant 0 : i32
      %dma_wait3A_367 = tpu.memref_slice %arg3[%dma_wait3A_356, %add3A_32, %dma_wait3A_366] : memref<2x2504x128xi32, #tpu.memory_space<hbm>> -> memref<1x32x128xi32, #tpu.memory_space<hbm>>
      %dma_wait3A_368 = tpu.memref_squeeze %dma_wait3A_367 : memref<1x32x128xi32, #tpu.memory_space<hbm>> -> memref<32x128xi32, #tpu.memory_space<hbm>>
      tpu.wait_dma2 semaphore(%arg16 : memref<!tpu.dma_semaphore, #tpu.memory_space<semaphore_mem>>) src(%dma_wait3A_368 : memref<32x128xi32, #tpu.memory_space<hbm>>) dst(%dma_wait3A_365 : memref<32x128xi32, #tpu.memory_space<vmem>>)
      %dma_wait3A_369 = arith.constant 1 : i32
      %dma_wait3A_370 = arith.constant 0 : i32
      %dma_wait3A_371 = arith.constant 0 : i32
      %dma_wait3A_372 = tpu.memref_slice %arg9[%dma_wait3A_370, %dma_wait3A_371] : memref<32x128xi32, #tpu.memory_space<vmem>> -> memref<32x128xi32, #tpu.memory_space<vmem>>
      %dma_wait3A_373 = arith.constant 0 : i32
      %dma_wait3A_374 = tpu.memref_slice %arg3[%dma_wait3A_369, %add3A_32, %dma_wait3A_373] : memref<2x2504x128xi32, #tpu.memory_space<hbm>> -> memref<1x32x128xi32, #tpu.memory_space<hbm>>
      %dma_wait3A_375 = tpu.memref_squeeze %dma_wait3A_374 : memref<1x32x128xi32, #tpu.memory_space<hbm>> -> memref<32x128xi32, #tpu.memory_space<hbm>>
      %dma_wait3A_376 = arith.constant 0 : i32
      %dma_wait3A_377 = arith.constant 0 : i32
      %dma_wait3A_378 = tpu.memref_slice %arg9[%dma_wait3A_376, %dma_wait3A_377] : memref<32x128xi32, #tpu.memory_space<vmem>> -> memref<32x128xi32, #tpu.memory_space<vmem>>
      %dma_wait3A_379 = arith.constant 0 : i32
      %dma_wait3A_380 = tpu.memref_slice %arg3[%dma_wait3A_369, %add3A_32, %dma_wait3A_379] : memref<2x2504x128xi32, #tpu.memory_space<hbm>> -> memref<1x32x128xi32, #tpu.memory_space<hbm>>
      %dma_wait3A_381 = tpu.memref_squeeze %dma_wait3A_380 : memref<1x32x128xi32, #tpu.memory_space<hbm>> -> memref<32x128xi32, #tpu.memory_space<hbm>>
      tpu.wait_dma2 semaphore(%arg16 : memref<!tpu.dma_semaphore, #tpu.memory_space<semaphore_mem>>) src(%dma_wait3A_381 : memref<32x128xi32, #tpu.memory_space<hbm>>) dst(%dma_wait3A_378 : memref<32x128xi32, #tpu.memory_space<vmem>>)
      %dma_start3A_382 = arith.constant 0 : i32
      %dma_start3A_383 = arith.constant 0 : i32
      %dma_start3A_384 = tpu.memref_slice %arg8[%dma_start3A_382, %dma_start3A_383] : memref<32x128xi32, #tpu.memory_space<vmem>> -> memref<1x128xi32, #tpu.memory_space<vmem>>
      %dma_start3A_385 = tpu.memref_squeeze %dma_start3A_384 : memref<1x128xi32, #tpu.memory_space<vmem>> -> memref<128xi32, #tpu.memory_space<vmem>>
      %dma_start3A_386 = arith.constant 0 : i32
      %dma_start3A_387 = arith.constant 0 : i32
      %dma_start3A_388 = tpu.memref_slice %arg6[%dma_start3A_386, %dma_start3A_387] : memref<10000x64xf32, #tpu.memory_space<vmem_shared>> -> memref<10000x64xf32, #tpu.memory_space<vmem_shared>>
      tpu.enqueue_indirect_dma source(%dma_start3A_388 : memref<10000x64xf32, #tpu.memory_space<vmem_shared>>) target(%arg12 : memref<128x64xf32, #tpu.memory_space<vmem>>) offsets(%dma_start3A_385 : memref<128xi32, #tpu.memory_space<vmem>>) semaphore(%arg14 : memref<!tpu.dma_semaphore, #tpu.memory_space<semaphore_mem>>)
      %dma_start3A_389 = arith.constant 1 : i32
      %dma_start3A_390 = arith.constant 0 : i32
      %dma_start3A_391 = tpu.memref_slice %arg8[%dma_start3A_389, %dma_start3A_390] : memref<32x128xi32, #tpu.memory_space<vmem>> -> memref<1x128xi32, #tpu.memory_space<vmem>>
      %dma_start3A_392 = tpu.memref_squeeze %dma_start3A_391 : memref<1x128xi32, #tpu.memory_space<vmem>> -> memref<128xi32, #tpu.memory_space<vmem>>
      %dma_start3A_393 = arith.constant 0 : i32
      %dma_start3A_394 = arith.constant 0 : i32
      %dma_start3A_395 = tpu.memref_slice %arg6[%dma_start3A_393, %dma_start3A_394] : memref<10000x64xf32, #tpu.memory_space<vmem_shared>> -> memref<10000x64xf32, #tpu.memory_space<vmem_shared>>
      tpu.enqueue_indirect_dma source(%dma_start3A_395 : memref<10000x64xf32, #tpu.memory_space<vmem_shared>>) target(%arg13 : memref<128x64xf32, #tpu.memory_space<vmem>>) offsets(%dma_start3A_392 : memref<128xi32, #tpu.memory_space<vmem>>) semaphore(%arg15 : memref<!tpu.dma_semaphore, #tpu.memory_space<semaphore_mem>>)
      %scan3A_396 = arith.constant 0 : i32
      %scan3A_397 = arith.constant 0 : i32
      %scan3A_398 = arith.constant 15 : i32
      %scan3A_399 = arith.addi %scan3A_397, %scan3A_398 : i32
      %scan3A_400 = arith.constant 1 : i32
      scf.for %scan3A_418 = %scan3A_397 to %scan3A_399 step %scan3A_400  : i32 {
        %mul3A_419 = arith.constant 2 : i32
        %mul3A_420 = arith.muli %scan3A_418, %mul3A_419 : i32
        %add3A_421 = arith.constant 0 : i32
        %add3A_422 = arith.addi %mul3A_420, %add3A_421 : i32
        %dma_wait3A_423 = arith.constant 0 : i32
        %dma_wait3A_424 = tpu.memref_slice %arg8[%add3A_422, %dma_wait3A_423] : memref<32x128xi32, #tpu.memory_space<vmem>> -> memref<1x128xi32, #tpu.memory_space<vmem>>
        %dma_wait3A_425 = tpu.memref_squeeze %dma_wait3A_424 : memref<1x128xi32, #tpu.memory_space<vmem>> -> memref<128xi32, #tpu.memory_space<vmem>>
        %dma_wait3A_426 = arith.constant 0 : i32
        %dma_wait3A_427 = arith.constant 0 : i32
        %dma_wait3A_428 = tpu.memref_slice %arg6[%dma_wait3A_426, %dma_wait3A_427] : memref<10000x64xf32, #tpu.memory_space<vmem_shared>> -> memref<10000x64xf32, #tpu.memory_space<vmem_shared>>
        tpu.wait_indirect_dma semaphore(%arg14 : memref<!tpu.dma_semaphore, #tpu.memory_space<semaphore_mem>>) src(%dma_wait3A_428 : memref<10000x64xf32, #tpu.memory_space<vmem_shared>>) dst(%arg12 : memref<128x64xf32, #tpu.memory_space<vmem>>)
        "tpu.region"() ({
          %run_scoped3A_453 = tpu.sem_alloc : memref<!tpu.dma_semaphore, #tpu.memory_space<semaphore_mem>>
          %dma_start3A_454 = arith.constant 0 : i32
          %dma_start3A_455 = tpu.memref_slice %arg9[%add3A_422, %dma_start3A_454] : memref<32x128xi32, #tpu.memory_space<vmem>> -> memref<1x128xi32, #tpu.memory_space<vmem>>
          %dma_start3A_456 = tpu.memref_squeeze %dma_start3A_455 : memref<1x128xi32, #tpu.memory_space<vmem>> -> memref<128xi32, #tpu.memory_space<vmem>>
          %dma_start3A_457 = arith.constant 0 : i32
          %dma_start3A_458 = arith.constant 0 : i32
          %dma_start3A_459 = tpu.memref_slice %arg7[%dma_start3A_457, %dma_start3A_458] : memref<10112x64xf32, #tpu.memory_space<vmem_shared>> -> memref<10112x64xf32, #tpu.memory_space<vmem_shared>>
          tpu.enqueue_indirect_dma source(%arg12 : memref<128x64xf32, #tpu.memory_space<vmem>>) target(%dma_start3A_459 : memref<10112x64xf32, #tpu.memory_space<vmem_shared>>) offsets(%dma_start3A_456 : memref<128xi32, #tpu.memory_space<vmem>>) semaphore(%run_scoped3A_453 : memref<!tpu.dma_semaphore, #tpu.memory_space<semaphore_mem>>) {add = true}
          %dma_wait3A_460 = arith.constant 0 : i32
          %dma_wait3A_461 = tpu.memref_slice %arg9[%add3A_422, %dma_wait3A_460] : memref<32x128xi32, #tpu.memory_space<vmem>> -> memref<1x128xi32, #tpu.memory_space<vmem>>
          %dma_wait3A_462 = tpu.memref_squeeze %dma_wait3A_461 : memref<1x128xi32, #tpu.memory_space<vmem>> -> memref<128xi32, #tpu.memory_space<vmem>>
          %dma_wait3A_463 = arith.constant 0 : i32
          %dma_wait3A_464 = arith.constant 0 : i32
          %dma_wait3A_465 = tpu.memref_slice %arg7[%dma_wait3A_463, %dma_wait3A_464] : memref<10112x64xf32, #tpu.memory_space<vmem_shared>> -> memref<10112x64xf32, #tpu.memory_space<vmem_shared>>
          tpu.wait_indirect_dma semaphore(%run_scoped3A_453 : memref<!tpu.dma_semaphore, #tpu.memory_space<semaphore_mem>>) src(%arg12 : memref<128x64xf32, #tpu.memory_space<vmem>>) dst(%dma_wait3A_465 : memref<10112x64xf32, #tpu.memory_space<vmem_shared>>)
          tpu.yield
        }) : () -> ()
        %add3A_429 = arith.constant 2 : i32
        %add3A_430 = arith.addi %add3A_422, %add3A_429 : i32
        %dma_start3A_431 = arith.constant 0 : i32
        %dma_start3A_432 = tpu.memref_slice %arg8[%add3A_430, %dma_start3A_431] : memref<32x128xi32, #tpu.memory_space<vmem>> -> memref<1x128xi32, #tpu.memory_space<vmem>>
        %dma_start3A_433 = tpu.memref_squeeze %dma_start3A_432 : memref<1x128xi32, #tpu.memory_space<vmem>> -> memref<128xi32, #tpu.memory_space<vmem>>
        %dma_start3A_434 = arith.constant 0 : i32
        %dma_start3A_435 = arith.constant 0 : i32
        %dma_start3A_436 = tpu.memref_slice %arg6[%dma_start3A_434, %dma_start3A_435] : memref<10000x64xf32, #tpu.memory_space<vmem_shared>> -> memref<10000x64xf32, #tpu.memory_space<vmem_shared>>
        tpu.enqueue_indirect_dma source(%dma_start3A_436 : memref<10000x64xf32, #tpu.memory_space<vmem_shared>>) target(%arg12 : memref<128x64xf32, #tpu.memory_space<vmem>>) offsets(%dma_start3A_433 : memref<128xi32, #tpu.memory_space<vmem>>) semaphore(%arg14 : memref<!tpu.dma_semaphore, #tpu.memory_space<semaphore_mem>>)
        %add3A_437 = arith.constant 1 : i32
        %add3A_438 = arith.addi %mul3A_420, %add3A_437 : i32
        %dma_wait3A_439 = arith.constant 0 : i32
        %dma_wait3A_440 = tpu.memref_slice %arg8[%add3A_438, %dma_wait3A_439] : memref<32x128xi32, #tpu.memory_space<vmem>> -> memref<1x128xi32, #tpu.memory_space<vmem>>
        %dma_wait3A_441 = tpu.memref_squeeze %dma_wait3A_440 : memref<1x128xi32, #tpu.memory_space<vmem>> -> memref<128xi32, #tpu.memory_space<vmem>>
        %dma_wait3A_442 = arith.constant 0 : i32
        %dma_wait3A_443 = arith.constant 0 : i32
        %dma_wait3A_444 = tpu.memref_slice %arg6[%dma_wait3A_442, %dma_wait3A_443] : memref<10000x64xf32, #tpu.memory_space<vmem_shared>> -> memref<10000x64xf32, #tpu.memory_space<vmem_shared>>
        tpu.wait_indirect_dma semaphore(%arg15 : memref<!tpu.dma_semaphore, #tpu.memory_space<semaphore_mem>>) src(%dma_wait3A_444 : memref<10000x64xf32, #tpu.memory_space<vmem_shared>>) dst(%arg13 : memref<128x64xf32, #tpu.memory_space<vmem>>)
        "tpu.region"() ({
          %run_scoped3A_453 = tpu.sem_alloc : memref<!tpu.dma_semaphore, #tpu.memory_space<semaphore_mem>>
          %dma_start3A_454 = arith.constant 0 : i32
          %dma_start3A_455 = tpu.memref_slice %arg9[%add3A_438, %dma_start3A_454] : memref<32x128xi32, #tpu.memory_space<vmem>> -> memref<1x128xi32, #tpu.memory_space<vmem>>
          %dma_start3A_456 = tpu.memref_squeeze %dma_start3A_455 : memref<1x128xi32, #tpu.memory_space<vmem>> -> memref<128xi32, #tpu.memory_space<vmem>>
          %dma_start3A_457 = arith.constant 0 : i32
          %dma_start3A_458 = arith.constant 0 : i32
          %dma_start3A_459 = tpu.memref_slice %arg7[%dma_start3A_457, %dma_start3A_458] : memref<10112x64xf32, #tpu.memory_space<vmem_shared>> -> memref<10112x64xf32, #tpu.memory_space<vmem_shared>>
          tpu.enqueue_indirect_dma source(%arg13 : memref<128x64xf32, #tpu.memory_space<vmem>>) target(%dma_start3A_459 : memref<10112x64xf32, #tpu.memory_space<vmem_shared>>) offsets(%dma_start3A_456 : memref<128xi32, #tpu.memory_space<vmem>>) semaphore(%run_scoped3A_453 : memref<!tpu.dma_semaphore, #tpu.memory_space<semaphore_mem>>) {add = true}
          %dma_wait3A_460 = arith.constant 0 : i32
          %dma_wait3A_461 = tpu.memref_slice %arg9[%add3A_438, %dma_wait3A_460] : memref<32x128xi32, #tpu.memory_space<vmem>> -> memref<1x128xi32, #tpu.memory_space<vmem>>
          %dma_wait3A_462 = tpu.memref_squeeze %dma_wait3A_461 : memref<1x128xi32, #tpu.memory_space<vmem>> -> memref<128xi32, #tpu.memory_space<vmem>>
          %dma_wait3A_463 = arith.constant 0 : i32
          %dma_wait3A_464 = arith.constant 0 : i32
          %dma_wait3A_465 = tpu.memref_slice %arg7[%dma_wait3A_463, %dma_wait3A_464] : memref<10112x64xf32, #tpu.memory_space<vmem_shared>> -> memref<10112x64xf32, #tpu.memory_space<vmem_shared>>
          tpu.wait_indirect_dma semaphore(%run_scoped3A_453 : memref<!tpu.dma_semaphore, #tpu.memory_space<semaphore_mem>>) src(%arg13 : memref<128x64xf32, #tpu.memory_space<vmem>>) dst(%dma_wait3A_465 : memref<10112x64xf32, #tpu.memory_space<vmem_shared>>)
          tpu.yield
        }) : () -> ()
        %add3A_445 = arith.constant 2 : i32
        %add3A_446 = arith.addi %add3A_438, %add3A_445 : i32
        %dma_start3A_447 = arith.constant 0 : i32
        %dma_start3A_448 = tpu.memref_slice %arg8[%add3A_446, %dma_start3A_447] : memref<32x128xi32, #tpu.memory_space<vmem>> -> memref<1x128xi32, #tpu.memory_space<vmem>>
        %dma_start3A_449 = tpu.memref_squeeze %dma_start3A_448 : memref<1x128xi32, #tpu.memory_space<vmem>> -> memref<128xi32, #tpu.memory_space<vmem>>
        %dma_start3A_450 = arith.constant 0 : i32
        %dma_start3A_451 = arith.constant 0 : i32
        %dma_start3A_452 = tpu.memref_slice %arg6[%dma_start3A_450, %dma_start3A_451] : memref<10000x64xf32, #tpu.memory_space<vmem_shared>> -> memref<10000x64xf32, #tpu.memory_space<vmem_shared>>
        tpu.enqueue_indirect_dma source(%dma_start3A_452 : memref<10000x64xf32, #tpu.memory_space<vmem_shared>>) target(%arg13 : memref<128x64xf32, #tpu.memory_space<vmem>>) offsets(%dma_start3A_449 : memref<128xi32, #tpu.memory_space<vmem>>) semaphore(%arg15 : memref<!tpu.dma_semaphore, #tpu.memory_space<semaphore_mem>>)
      }
      %scan3A_401 = arith.constant 15 : i32
      %dma_wait3A_402 = arith.constant 30 : i32
      %dma_wait3A_403 = arith.constant 0 : i32
      %dma_wait3A_404 = tpu.memref_slice %arg8[%dma_wait3A_402, %dma_wait3A_403] : memref<32x128xi32, #tpu.memory_space<vmem>> -> memref<1x128xi32, #tpu.memory_space<vmem>>
      %dma_wait3A_405 = tpu.memref_squeeze %dma_wait3A_404 : memref<1x128xi32, #tpu.memory_space<vmem>> -> memref<128xi32, #tpu.memory_space<vmem>>
      %dma_wait3A_406 = arith.constant 0 : i32
      %dma_wait3A_407 = arith.constant 0 : i32
      %dma_wait3A_408 = tpu.memref_slice %arg6[%dma_wait3A_406, %dma_wait3A_407] : memref<10000x64xf32, #tpu.memory_space<vmem_shared>> -> memref<10000x64xf32, #tpu.memory_space<vmem_shared>>
      tpu.wait_indirect_dma semaphore(%arg14 : memref<!tpu.dma_semaphore, #tpu.memory_space<semaphore_mem>>) src(%dma_wait3A_408 : memref<10000x64xf32, #tpu.memory_space<vmem_shared>>) dst(%arg12 : memref<128x64xf32, #tpu.memory_space<vmem>>)
      %run_scoped3A_409 = arith.constant 30 : i32
      "tpu.region"() ({
        %run_scoped3A_418 = tpu.sem_alloc : memref<!tpu.dma_semaphore, #tpu.memory_space<semaphore_mem>>
        %dma_start3A_419 = arith.constant 0 : i32
        %dma_start3A_420 = tpu.memref_slice %arg9[%run_scoped3A_409, %dma_start3A_419] : memref<32x128xi32, #tpu.memory_space<vmem>> -> memref<1x128xi32, #tpu.memory_space<vmem>>
        %dma_start3A_421 = tpu.memref_squeeze %dma_start3A_420 : memref<1x128xi32, #tpu.memory_space<vmem>> -> memref<128xi32, #tpu.memory_space<vmem>>
        %dma_start3A_422 = arith.constant 0 : i32
        %dma_start3A_423 = arith.constant 0 : i32
        %dma_start3A_424 = tpu.memref_slice %arg7[%dma_start3A_422, %dma_start3A_423] : memref<10112x64xf32, #tpu.memory_space<vmem_shared>> -> memref<10112x64xf32, #tpu.memory_space<vmem_shared>>
        tpu.enqueue_indirect_dma source(%arg12 : memref<128x64xf32, #tpu.memory_space<vmem>>) target(%dma_start3A_424 : memref<10112x64xf32, #tpu.memory_space<vmem_shared>>) offsets(%dma_start3A_421 : memref<128xi32, #tpu.memory_space<vmem>>) semaphore(%run_scoped3A_418 : memref<!tpu.dma_semaphore, #tpu.memory_space<semaphore_mem>>) {add = true}
        %dma_wait3A_425 = arith.constant 0 : i32
        %dma_wait3A_426 = tpu.memref_slice %arg9[%run_scoped3A_409, %dma_wait3A_425] : memref<32x128xi32, #tpu.memory_space<vmem>> -> memref<1x128xi32, #tpu.memory_space<vmem>>
        %dma_wait3A_427 = tpu.memref_squeeze %dma_wait3A_426 : memref<1x128xi32, #tpu.memory_space<vmem>> -> memref<128xi32, #tpu.memory_space<vmem>>
        %dma_wait3A_428 = arith.constant 0 : i32
        %dma_wait3A_429 = arith.constant 0 : i32
        %dma_wait3A_430 = tpu.memref_slice %arg7[%dma_wait3A_428, %dma_wait3A_429] : memref<10112x64xf32, #tpu.memory_space<vmem_shared>> -> memref<10112x64xf32, #tpu.memory_space<vmem_shared>>
        tpu.wait_indirect_dma semaphore(%run_scoped3A_418 : memref<!tpu.dma_semaphore, #tpu.memory_space<semaphore_mem>>) src(%arg12 : memref<128x64xf32, #tpu.memory_space<vmem>>) dst(%dma_wait3A_430 : memref<10112x64xf32, #tpu.memory_space<vmem_shared>>)
        tpu.yield
      }) : () -> ()
      %dma_wait3A_410 = arith.constant 31 : i32
      %dma_wait3A_411 = arith.constant 0 : i32
      %dma_wait3A_412 = tpu.memref_slice %arg8[%dma_wait3A_410, %dma_wait3A_411] : memref<32x128xi32, #tpu.memory_space<vmem>> -> memref<1x128xi32, #tpu.memory_space<vmem>>
      %dma_wait3A_413 = tpu.memref_squeeze %dma_wait3A_412 : memref<1x128xi32, #tpu.memory_space<vmem>> -> memref<128xi32, #tpu.memory_space<vmem>>
      %dma_wait3A_414 = arith.constant 0 : i32
      %dma_wait3A_415 = arith.constant 0 : i32
      %dma_wait3A_416 = tpu.memref_slice %arg6[%dma_wait3A_414, %dma_wait3A_415] : memref<10000x64xf32, #tpu.memory_space<vmem_shared>> -> memref<10000x64xf32, #tpu.memory_space<vmem_shared>>
      tpu.wait_indirect_dma semaphore(%arg15 : memref<!tpu.dma_semaphore, #tpu.memory_space<semaphore_mem>>) src(%dma_wait3A_416 : memref<10000x64xf32, #tpu.memory_space<vmem_shared>>) dst(%arg13 : memref<128x64xf32, #tpu.memory_space<vmem>>)
      %run_scoped3A_417 = arith.constant 31 : i32
      "tpu.region"() ({
        %run_scoped3A_418 = tpu.sem_alloc : memref<!tpu.dma_semaphore, #tpu.memory_space<semaphore_mem>>
        %dma_start3A_419 = arith.constant 0 : i32
        %dma_start3A_420 = tpu.memref_slice %arg9[%run_scoped3A_417, %dma_start3A_419] : memref<32x128xi32, #tpu.memory_space<vmem>> -> memref<1x128xi32, #tpu.memory_space<vmem>>
        %dma_start3A_421 = tpu.memref_squeeze %dma_start3A_420 : memref<1x128xi32, #tpu.memory_space<vmem>> -> memref<128xi32, #tpu.memory_space<vmem>>
        %dma_start3A_422 = arith.constant 0 : i32
        %dma_start3A_423 = arith.constant 0 : i32
        %dma_start3A_424 = tpu.memref_slice %arg7[%dma_start3A_422, %dma_start3A_423] : memref<10112x64xf32, #tpu.memory_space<vmem_shared>> -> memref<10112x64xf32, #tpu.memory_space<vmem_shared>>
        tpu.enqueue_indirect_dma source(%arg13 : memref<128x64xf32, #tpu.memory_space<vmem>>) target(%dma_start3A_424 : memref<10112x64xf32, #tpu.memory_space<vmem_shared>>) offsets(%dma_start3A_421 : memref<128xi32, #tpu.memory_space<vmem>>) semaphore(%run_scoped3A_418 : memref<!tpu.dma_semaphore, #tpu.memory_space<semaphore_mem>>) {add = true}
        %dma_wait3A_425 = arith.constant 0 : i32
        %dma_wait3A_426 = tpu.memref_slice %arg9[%run_scoped3A_417, %dma_wait3A_425] : memref<32x128xi32, #tpu.memory_space<vmem>> -> memref<1x128xi32, #tpu.memory_space<vmem>>
        %dma_wait3A_427 = tpu.memref_squeeze %dma_wait3A_426 : memref<1x128xi32, #tpu.memory_space<vmem>> -> memref<128xi32, #tpu.memory_space<vmem>>
        %dma_wait3A_428 = arith.constant 0 : i32
        %dma_wait3A_429 = arith.constant 0 : i32
        %dma_wait3A_430 = tpu.memref_slice %arg7[%dma_wait3A_428, %dma_wait3A_429] : memref<10112x64xf32, #tpu.memory_space<vmem_shared>> -> memref<10112x64xf32, #tpu.memory_space<vmem_shared>>
        tpu.wait_indirect_dma semaphore(%run_scoped3A_418 : memref<!tpu.dma_semaphore, #tpu.memory_space<semaphore_mem>>) src(%arg13 : memref<128x64xf32, #tpu.memory_space<vmem>>) dst(%dma_wait3A_430 : memref<10112x64xf32, #tpu.memory_space<vmem_shared>>)
        tpu.yield
      }) : () -> ()
    } else {
    }
    %eq3A_16 = arith.constant 15 : i32
    %eq3A_17 = arith.cmpi eq, %arg1, %eq3A_16 : i32
    %convert_element_type3A_18 = arith.extui %eq3A_17 : i1 to i32
    %cond3A_19 = arith.constant 0 : i32
    %cond3A_20 = arith.cmpi ne, %convert_element_type3A_18, %cond3A_19 : i32
    scf.if %cond3A_20 {
      %add3A = arith.constant 32 : i32
      %add3A_24 = arith.addi %min3A_1, %add3A : i32
      %add3A_25 = arith.constant 64 : i32
      %add3A_26 = arith.addi %min3A_1, %add3A_25 : i32
      %add3A_27 = arith.constant 96 : i32
      %add3A_28 = arith.addi %min3A_1, %add3A_27 : i32
      %dma_start3A = arith.constant 0 : i32
      %dma_start3A_29 = arith.constant 0 : i32
      %dma_start3A_30 = arith.constant 0 : i32
      %dma_start3A_31 = tpu.memref_slice %arg10[%dma_start3A_29, %dma_start3A_30] : memref<32x128xi32, #tpu.memory_space<vmem>> -> memref<32x128xi32, #tpu.memory_space<vmem>>
      %dma_start3A_32 = arith.constant 0 : i32
      %dma_start3A_33 = tpu.memref_slice %arg3[%dma_start3A, %add3A_24, %dma_start3A_32] : memref<2x2504x128xi32, #tpu.memory_space<hbm>> -> memref<1x32x128xi32, #tpu.memory_space<hbm>>
      %dma_start3A_34 = tpu.memref_squeeze %dma_start3A_33 : memref<1x32x128xi32, #tpu.memory_space<hbm>> -> memref<32x128xi32, #tpu.memory_space<hbm>>
      %dma_start3A_35 = arith.constant 0 : i32
      %dma_start3A_36 = arith.constant 0 : i32
      %dma_start3A_37 = tpu.memref_slice %arg10[%dma_start3A_35, %dma_start3A_36] : memref<32x128xi32, #tpu.memory_space<vmem>> -> memref<32x128xi32, #tpu.memory_space<vmem>>
      %dma_start3A_38 = arith.constant 0 : i32
      %dma_start3A_39 = tpu.memref_slice %arg3[%dma_start3A, %add3A_24, %dma_start3A_38] : memref<2x2504x128xi32, #tpu.memory_space<hbm>> -> memref<1x32x128xi32, #tpu.memory_space<hbm>>
      %dma_start3A_40 = tpu.memref_squeeze %dma_start3A_39 : memref<1x32x128xi32, #tpu.memory_space<hbm>> -> memref<32x128xi32, #tpu.memory_space<hbm>>
      tpu.enqueue_dma source(%dma_start3A_40 : memref<32x128xi32, #tpu.memory_space<hbm>>) target(%dma_start3A_37 : memref<32x128xi32, #tpu.memory_space<vmem>>) target_semaphore(%arg17 : memref<!tpu.dma_semaphore, #tpu.memory_space<semaphore_mem>>)
      %dma_start3A_41 = arith.constant 1 : i32
      %dma_start3A_42 = arith.constant 0 : i32
      %dma_start3A_43 = arith.constant 0 : i32
      %dma_start3A_44 = tpu.memref_slice %arg11[%dma_start3A_42, %dma_start3A_43] : memref<32x128xi32, #tpu.memory_space<vmem>> -> memref<32x128xi32, #tpu.memory_space<vmem>>
      %dma_start3A_45 = arith.constant 0 : i32
      %dma_start3A_46 = tpu.memref_slice %arg3[%dma_start3A_41, %add3A_24, %dma_start3A_45] : memref<2x2504x128xi32, #tpu.memory_space<hbm>> -> memref<1x32x128xi32, #tpu.memory_space<hbm>>
      %dma_start3A_47 = tpu.memref_squeeze %dma_start3A_46 : memref<1x32x128xi32, #tpu.memory_space<hbm>> -> memref<32x128xi32, #tpu.memory_space<hbm>>
      %dma_start3A_48 = arith.constant 0 : i32
      %dma_start3A_49 = arith.constant 0 : i32
      %dma_start3A_50 = tpu.memref_slice %arg11[%dma_start3A_48, %dma_start3A_49] : memref<32x128xi32, #tpu.memory_space<vmem>> -> memref<32x128xi32, #tpu.memory_space<vmem>>
      %dma_start3A_51 = arith.constant 0 : i32
      %dma_start3A_52 = tpu.memref_slice %arg3[%dma_start3A_41, %add3A_24, %dma_start3A_51] : memref<2x2504x128xi32, #tpu.memory_space<hbm>> -> memref<1x32x128xi32, #tpu.memory_space<hbm>>
      %dma_start3A_53 = tpu.memref_squeeze %dma_start3A_52 : memref<1x32x128xi32, #tpu.memory_space<hbm>> -> memref<32x128xi32, #tpu.memory_space<hbm>>
      tpu.enqueue_dma source(%dma_start3A_53 : memref<32x128xi32, #tpu.memory_space<hbm>>) target(%dma_start3A_50 : memref<32x128xi32, #tpu.memory_space<vmem>>) target_semaphore(%arg17 : memref<!tpu.dma_semaphore, #tpu.memory_space<semaphore_mem>>)
      %dma_start3A_54 = arith.constant 0 : i32
      %dma_start3A_55 = arith.constant 0 : i32
      %dma_start3A_56 = tpu.memref_slice %arg8[%dma_start3A_54, %dma_start3A_55] : memref<32x128xi32, #tpu.memory_space<vmem>> -> memref<1x128xi32, #tpu.memory_space<vmem>>
      %dma_start3A_57 = tpu.memref_squeeze %dma_start3A_56 : memref<1x128xi32, #tpu.memory_space<vmem>> -> memref<128xi32, #tpu.memory_space<vmem>>
      %dma_start3A_58 = arith.constant 0 : i32
      %dma_start3A_59 = arith.constant 0 : i32
      %dma_start3A_60 = tpu.memref_slice %arg6[%dma_start3A_58, %dma_start3A_59] : memref<10000x64xf32, #tpu.memory_space<vmem_shared>> -> memref<10000x64xf32, #tpu.memory_space<vmem_shared>>
      tpu.enqueue_indirect_dma source(%dma_start3A_60 : memref<10000x64xf32, #tpu.memory_space<vmem_shared>>) target(%arg12 : memref<128x64xf32, #tpu.memory_space<vmem>>) offsets(%dma_start3A_57 : memref<128xi32, #tpu.memory_space<vmem>>) semaphore(%arg14 : memref<!tpu.dma_semaphore, #tpu.memory_space<semaphore_mem>>)
      %dma_start3A_61 = arith.constant 1 : i32
      %dma_start3A_62 = arith.constant 0 : i32
      %dma_start3A_63 = tpu.memref_slice %arg8[%dma_start3A_61, %dma_start3A_62] : memref<32x128xi32, #tpu.memory_space<vmem>> -> memref<1x128xi32, #tpu.memory_space<vmem>>
      %dma_start3A_64 = tpu.memref_squeeze %dma_start3A_63 : memref<1x128xi32, #tpu.memory_space<vmem>> -> memref<128xi32, #tpu.memory_space<vmem>>
      %dma_start3A_65 = arith.constant 0 : i32
      %dma_start3A_66 = arith.constant 0 : i32
      %dma_start3A_67 = tpu.memref_slice %arg6[%dma_start3A_65, %dma_start3A_66] : memref<10000x64xf32, #tpu.memory_space<vmem_shared>> -> memref<10000x64xf32, #tpu.memory_space<vmem_shared>>
      tpu.enqueue_indirect_dma source(%dma_start3A_67 : memref<10000x64xf32, #tpu.memory_space<vmem_shared>>) target(%arg13 : memref<128x64xf32, #tpu.memory_space<vmem>>) offsets(%dma_start3A_64 : memref<128xi32, #tpu.memory_space<vmem>>) semaphore(%arg15 : memref<!tpu.dma_semaphore, #tpu.memory_space<semaphore_mem>>)
      %scan3A = arith.constant 0 : i32
      %scan3A_68 = arith.constant 0 : i32
      %scan3A_69 = arith.constant 15 : i32
      %scan3A_70 = arith.addi %scan3A_68, %scan3A_69 : i32
      %scan3A_71 = arith.constant 1 : i32
      scf.for %scan3A_326 = %scan3A_68 to %scan3A_70 step %scan3A_71  : i32 {
        %mul3A_327 = arith.constant 2 : i32
        %mul3A_328 = arith.muli %scan3A_326, %mul3A_327 : i32
        %add3A_329 = arith.constant 0 : i32
        %add3A_330 = arith.addi %mul3A_328, %add3A_329 : i32
        %dma_wait3A_331 = arith.constant 0 : i32
        %dma_wait3A_332 = tpu.memref_slice %arg8[%add3A_330, %dma_wait3A_331] : memref<32x128xi32, #tpu.memory_space<vmem>> -> memref<1x128xi32, #tpu.memory_space<vmem>>
        %dma_wait3A_333 = tpu.memref_squeeze %dma_wait3A_332 : memref<1x128xi32, #tpu.memory_space<vmem>> -> memref<128xi32, #tpu.memory_space<vmem>>
        %dma_wait3A_334 = arith.constant 0 : i32
        %dma_wait3A_335 = arith.constant 0 : i32
        %dma_wait3A_336 = tpu.memref_slice %arg6[%dma_wait3A_334, %dma_wait3A_335] : memref<10000x64xf32, #tpu.memory_space<vmem_shared>> -> memref<10000x64xf32, #tpu.memory_space<vmem_shared>>
        tpu.wait_indirect_dma semaphore(%arg14 : memref<!tpu.dma_semaphore, #tpu.memory_space<semaphore_mem>>) src(%dma_wait3A_336 : memref<10000x64xf32, #tpu.memory_space<vmem_shared>>) dst(%arg12 : memref<128x64xf32, #tpu.memory_space<vmem>>)
        "tpu.region"() ({
          %run_scoped3A_361 = tpu.sem_alloc : memref<!tpu.dma_semaphore, #tpu.memory_space<semaphore_mem>>
          %dma_start3A_362 = arith.constant 0 : i32
          %dma_start3A_363 = tpu.memref_slice %arg9[%add3A_330, %dma_start3A_362] : memref<32x128xi32, #tpu.memory_space<vmem>> -> memref<1x128xi32, #tpu.memory_space<vmem>>
          %dma_start3A_364 = tpu.memref_squeeze %dma_start3A_363 : memref<1x128xi32, #tpu.memory_space<vmem>> -> memref<128xi32, #tpu.memory_space<vmem>>
          %dma_start3A_365 = arith.constant 0 : i32
          %dma_start3A_366 = arith.constant 0 : i32
          %dma_start3A_367 = tpu.memref_slice %arg7[%dma_start3A_365, %dma_start3A_366] : memref<10112x64xf32, #tpu.memory_space<vmem_shared>> -> memref<10112x64xf32, #tpu.memory_space<vmem_shared>>
          tpu.enqueue_indirect_dma source(%arg12 : memref<128x64xf32, #tpu.memory_space<vmem>>) target(%dma_start3A_367 : memref<10112x64xf32, #tpu.memory_space<vmem_shared>>) offsets(%dma_start3A_364 : memref<128xi32, #tpu.memory_space<vmem>>) semaphore(%run_scoped3A_361 : memref<!tpu.dma_semaphore, #tpu.memory_space<semaphore_mem>>) {add = true}
          %dma_wait3A_368 = arith.constant 0 : i32
          %dma_wait3A_369 = tpu.memref_slice %arg9[%add3A_330, %dma_wait3A_368] : memref<32x128xi32, #tpu.memory_space<vmem>> -> memref<1x128xi32, #tpu.memory_space<vmem>>
          %dma_wait3A_370 = tpu.memref_squeeze %dma_wait3A_369 : memref<1x128xi32, #tpu.memory_space<vmem>> -> memref<128xi32, #tpu.memory_space<vmem>>
          %dma_wait3A_371 = arith.constant 0 : i32
          %dma_wait3A_372 = arith.constant 0 : i32
          %dma_wait3A_373 = tpu.memref_slice %arg7[%dma_wait3A_371, %dma_wait3A_372] : memref<10112x64xf32, #tpu.memory_space<vmem_shared>> -> memref<10112x64xf32, #tpu.memory_space<vmem_shared>>
          tpu.wait_indirect_dma semaphore(%run_scoped3A_361 : memref<!tpu.dma_semaphore, #tpu.memory_space<semaphore_mem>>) src(%arg12 : memref<128x64xf32, #tpu.memory_space<vmem>>) dst(%dma_wait3A_373 : memref<10112x64xf32, #tpu.memory_space<vmem_shared>>)
          tpu.yield
        }) : () -> ()
        %add3A_337 = arith.constant 2 : i32
        %add3A_338 = arith.addi %add3A_330, %add3A_337 : i32
        %dma_start3A_339 = arith.constant 0 : i32
        %dma_start3A_340 = tpu.memref_slice %arg8[%add3A_338, %dma_start3A_339] : memref<32x128xi32, #tpu.memory_space<vmem>> -> memref<1x128xi32, #tpu.memory_space<vmem>>
        %dma_start3A_341 = tpu.memref_squeeze %dma_start3A_340 : memref<1x128xi32, #tpu.memory_space<vmem>> -> memref<128xi32, #tpu.memory_space<vmem>>
        %dma_start3A_342 = arith.constant 0 : i32
        %dma_start3A_343 = arith.constant 0 : i32
        %dma_start3A_344 = tpu.memref_slice %arg6[%dma_start3A_342, %dma_start3A_343] : memref<10000x64xf32, #tpu.memory_space<vmem_shared>> -> memref<10000x64xf32, #tpu.memory_space<vmem_shared>>
        tpu.enqueue_indirect_dma source(%dma_start3A_344 : memref<10000x64xf32, #tpu.memory_space<vmem_shared>>) target(%arg12 : memref<128x64xf32, #tpu.memory_space<vmem>>) offsets(%dma_start3A_341 : memref<128xi32, #tpu.memory_space<vmem>>) semaphore(%arg14 : memref<!tpu.dma_semaphore, #tpu.memory_space<semaphore_mem>>)
        %add3A_345 = arith.constant 1 : i32
        %add3A_346 = arith.addi %mul3A_328, %add3A_345 : i32
        %dma_wait3A_347 = arith.constant 0 : i32
        %dma_wait3A_348 = tpu.memref_slice %arg8[%add3A_346, %dma_wait3A_347] : memref<32x128xi32, #tpu.memory_space<vmem>> -> memref<1x128xi32, #tpu.memory_space<vmem>>
        %dma_wait3A_349 = tpu.memref_squeeze %dma_wait3A_348 : memref<1x128xi32, #tpu.memory_space<vmem>> -> memref<128xi32, #tpu.memory_space<vmem>>
        %dma_wait3A_350 = arith.constant 0 : i32
        %dma_wait3A_351 = arith.constant 0 : i32
        %dma_wait3A_352 = tpu.memref_slice %arg6[%dma_wait3A_350, %dma_wait3A_351] : memref<10000x64xf32, #tpu.memory_space<vmem_shared>> -> memref<10000x64xf32, #tpu.memory_space<vmem_shared>>
        tpu.wait_indirect_dma semaphore(%arg15 : memref<!tpu.dma_semaphore, #tpu.memory_space<semaphore_mem>>) src(%dma_wait3A_352 : memref<10000x64xf32, #tpu.memory_space<vmem_shared>>) dst(%arg13 : memref<128x64xf32, #tpu.memory_space<vmem>>)
        "tpu.region"() ({
          %run_scoped3A_361 = tpu.sem_alloc : memref<!tpu.dma_semaphore, #tpu.memory_space<semaphore_mem>>
          %dma_start3A_362 = arith.constant 0 : i32
          %dma_start3A_363 = tpu.memref_slice %arg9[%add3A_346, %dma_start3A_362] : memref<32x128xi32, #tpu.memory_space<vmem>> -> memref<1x128xi32, #tpu.memory_space<vmem>>
          %dma_start3A_364 = tpu.memref_squeeze %dma_start3A_363 : memref<1x128xi32, #tpu.memory_space<vmem>> -> memref<128xi32, #tpu.memory_space<vmem>>
          %dma_start3A_365 = arith.constant 0 : i32
          %dma_start3A_366 = arith.constant 0 : i32
          %dma_start3A_367 = tpu.memref_slice %arg7[%dma_start3A_365, %dma_start3A_366] : memref<10112x64xf32, #tpu.memory_space<vmem_shared>> -> memref<10112x64xf32, #tpu.memory_space<vmem_shared>>
          tpu.enqueue_indirect_dma source(%arg13 : memref<128x64xf32, #tpu.memory_space<vmem>>) target(%dma_start3A_367 : memref<10112x64xf32, #tpu.memory_space<vmem_shared>>) offsets(%dma_start3A_364 : memref<128xi32, #tpu.memory_space<vmem>>) semaphore(%run_scoped3A_361 : memref<!tpu.dma_semaphore, #tpu.memory_space<semaphore_mem>>) {add = true}
          %dma_wait3A_368 = arith.constant 0 : i32
          %dma_wait3A_369 = tpu.memref_slice %arg9[%add3A_346, %dma_wait3A_368] : memref<32x128xi32, #tpu.memory_space<vmem>> -> memref<1x128xi32, #tpu.memory_space<vmem>>
          %dma_wait3A_370 = tpu.memref_squeeze %dma_wait3A_369 : memref<1x128xi32, #tpu.memory_space<vmem>> -> memref<128xi32, #tpu.memory_space<vmem>>
          %dma_wait3A_371 = arith.constant 0 : i32
          %dma_wait3A_372 = arith.constant 0 : i32
          %dma_wait3A_373 = tpu.memref_slice %arg7[%dma_wait3A_371, %dma_wait3A_372] : memref<10112x64xf32, #tpu.memory_space<vmem_shared>> -> memref<10112x64xf32, #tpu.memory_space<vmem_shared>>
          tpu.wait_indirect_dma semaphore(%run_scoped3A_361 : memref<!tpu.dma_semaphore, #tpu.memory_space<semaphore_mem>>) src(%arg13 : memref<128x64xf32, #tpu.memory_space<vmem>>) dst(%dma_wait3A_373 : memref<10112x64xf32, #tpu.memory_space<vmem_shared>>)
          tpu.yield
        }) : () -> ()
        %add3A_353 = arith.constant 2 : i32
        %add3A_354 = arith.addi %add3A_346, %add3A_353 : i32
        %dma_start3A_355 = arith.constant 0 : i32
        %dma_start3A_356 = tpu.memref_slice %arg8[%add3A_354, %dma_start3A_355] : memref<32x128xi32, #tpu.memory_space<vmem>> -> memref<1x128xi32, #tpu.memory_space<vmem>>
        %dma_start3A_357 = tpu.memref_squeeze %dma_start3A_356 : memref<1x128xi32, #tpu.memory_space<vmem>> -> memref<128xi32, #tpu.memory_space<vmem>>
        %dma_start3A_358 = arith.constant 0 : i32
        %dma_start3A_359 = arith.constant 0 : i32
        %dma_start3A_360 = tpu.memref_slice %arg6[%dma_start3A_358, %dma_start3A_359] : memref<10000x64xf32, #tpu.memory_space<vmem_shared>> -> memref<10000x64xf32, #tpu.memory_space<vmem_shared>>
        tpu.enqueue_indirect_dma source(%dma_start3A_360 : memref<10000x64xf32, #tpu.memory_space<vmem_shared>>) target(%arg13 : memref<128x64xf32, #tpu.memory_space<vmem>>) offsets(%dma_start3A_357 : memref<128xi32, #tpu.memory_space<vmem>>) semaphore(%arg15 : memref<!tpu.dma_semaphore, #tpu.memory_space<semaphore_mem>>)
      }
      %scan3A_72 = arith.constant 15 : i32
      %dma_wait3A = arith.constant 30 : i32
      %dma_wait3A_73 = arith.constant 0 : i32
      %dma_wait3A_74 = tpu.memref_slice %arg8[%dma_wait3A, %dma_wait3A_73] : memref<32x128xi32, #tpu.memory_space<vmem>> -> memref<1x128xi32, #tpu.memory_space<vmem>>
      %dma_wait3A_75 = tpu.memref_squeeze %dma_wait3A_74 : memref<1x128xi32, #tpu.memory_space<vmem>> -> memref<128xi32, #tpu.memory_space<vmem>>
      %dma_wait3A_76 = arith.constant 0 : i32
      %dma_wait3A_77 = arith.constant 0 : i32
      %dma_wait3A_78 = tpu.memref_slice %arg6[%dma_wait3A_76, %dma_wait3A_77] : memref<10000x64xf32, #tpu.memory_space<vmem_shared>> -> memref<10000x64xf32, #tpu.memory_space<vmem_shared>>
      tpu.wait_indirect_dma semaphore(%arg14 : memref<!tpu.dma_semaphore, #tpu.memory_space<semaphore_mem>>) src(%dma_wait3A_78 : memref<10000x64xf32, #tpu.memory_space<vmem_shared>>) dst(%arg12 : memref<128x64xf32, #tpu.memory_space<vmem>>)
      %run_scoped3A_79 = arith.constant 30 : i32
      "tpu.region"() ({
        %run_scoped3A_326 = tpu.sem_alloc : memref<!tpu.dma_semaphore, #tpu.memory_space<semaphore_mem>>
        %dma_start3A_327 = arith.constant 0 : i32
        %dma_start3A_328 = tpu.memref_slice %arg9[%run_scoped3A_79, %dma_start3A_327] : memref<32x128xi32, #tpu.memory_space<vmem>> -> memref<1x128xi32, #tpu.memory_space<vmem>>
        %dma_start3A_329 = tpu.memref_squeeze %dma_start3A_328 : memref<1x128xi32, #tpu.memory_space<vmem>> -> memref<128xi32, #tpu.memory_space<vmem>>
        %dma_start3A_330 = arith.constant 0 : i32
        %dma_start3A_331 = arith.constant 0 : i32
        %dma_start3A_332 = tpu.memref_slice %arg7[%dma_start3A_330, %dma_start3A_331] : memref<10112x64xf32, #tpu.memory_space<vmem_shared>> -> memref<10112x64xf32, #tpu.memory_space<vmem_shared>>
        tpu.enqueue_indirect_dma source(%arg12 : memref<128x64xf32, #tpu.memory_space<vmem>>) target(%dma_start3A_332 : memref<10112x64xf32, #tpu.memory_space<vmem_shared>>) offsets(%dma_start3A_329 : memref<128xi32, #tpu.memory_space<vmem>>) semaphore(%run_scoped3A_326 : memref<!tpu.dma_semaphore, #tpu.memory_space<semaphore_mem>>) {add = true}
        %dma_wait3A_333 = arith.constant 0 : i32
        %dma_wait3A_334 = tpu.memref_slice %arg9[%run_scoped3A_79, %dma_wait3A_333] : memref<32x128xi32, #tpu.memory_space<vmem>> -> memref<1x128xi32, #tpu.memory_space<vmem>>
        %dma_wait3A_335 = tpu.memref_squeeze %dma_wait3A_334 : memref<1x128xi32, #tpu.memory_space<vmem>> -> memref<128xi32, #tpu.memory_space<vmem>>
        %dma_wait3A_336 = arith.constant 0 : i32
        %dma_wait3A_337 = arith.constant 0 : i32
        %dma_wait3A_338 = tpu.memref_slice %arg7[%dma_wait3A_336, %dma_wait3A_337] : memref<10112x64xf32, #tpu.memory_space<vmem_shared>> -> memref<10112x64xf32, #tpu.memory_space<vmem_shared>>
        tpu.wait_indirect_dma semaphore(%run_scoped3A_326 : memref<!tpu.dma_semaphore, #tpu.memory_space<semaphore_mem>>) src(%arg12 : memref<128x64xf32, #tpu.memory_space<vmem>>) dst(%dma_wait3A_338 : memref<10112x64xf32, #tpu.memory_space<vmem_shared>>)
        tpu.yield
      }) : () -> ()
      %dma_wait3A_80 = arith.constant 31 : i32
      %dma_wait3A_81 = arith.constant 0 : i32
      %dma_wait3A_82 = tpu.memref_slice %arg8[%dma_wait3A_80, %dma_wait3A_81] : memref<32x128xi32, #tpu.memory_space<vmem>> -> memref<1x128xi32, #tpu.memory_space<vmem>>
      %dma_wait3A_83 = tpu.memref_squeeze %dma_wait3A_82 : memref<1x128xi32, #tpu.memory_space<vmem>> -> memref<128xi32, #tpu.memory_space<vmem>>
      %dma_wait3A_84 = arith.constant 0 : i32
      %dma_wait3A_85 = arith.constant 0 : i32
      %dma_wait3A_86 = tpu.memref_slice %arg6[%dma_wait3A_84, %dma_wait3A_85] : memref<10000x64xf32, #tpu.memory_space<vmem_shared>> -> memref<10000x64xf32, #tpu.memory_space<vmem_shared>>
      tpu.wait_indirect_dma semaphore(%arg15 : memref<!tpu.dma_semaphore, #tpu.memory_space<semaphore_mem>>) src(%dma_wait3A_86 : memref<10000x64xf32, #tpu.memory_space<vmem_shared>>) dst(%arg13 : memref<128x64xf32, #tpu.memory_space<vmem>>)
      %run_scoped3A_87 = arith.constant 31 : i32
      "tpu.region"() ({
        %run_scoped3A_326 = tpu.sem_alloc : memref<!tpu.dma_semaphore, #tpu.memory_space<semaphore_mem>>
        %dma_start3A_327 = arith.constant 0 : i32
        %dma_start3A_328 = tpu.memref_slice %arg9[%run_scoped3A_87, %dma_start3A_327] : memref<32x128xi32, #tpu.memory_space<vmem>> -> memref<1x128xi32, #tpu.memory_space<vmem>>
        %dma_start3A_329 = tpu.memref_squeeze %dma_start3A_328 : memref<1x128xi32, #tpu.memory_space<vmem>> -> memref<128xi32, #tpu.memory_space<vmem>>
        %dma_start3A_330 = arith.constant 0 : i32
        %dma_start3A_331 = arith.constant 0 : i32
        %dma_start3A_332 = tpu.memref_slice %arg7[%dma_start3A_330, %dma_start3A_331] : memref<10112x64xf32, #tpu.memory_space<vmem_shared>> -> memref<10112x64xf32, #tpu.memory_space<vmem_shared>>
        tpu.enqueue_indirect_dma source(%arg13 : memref<128x64xf32, #tpu.memory_space<vmem>>) target(%dma_start3A_332 : memref<10112x64xf32, #tpu.memory_space<vmem_shared>>) offsets(%dma_start3A_329 : memref<128xi32, #tpu.memory_space<vmem>>) semaphore(%run_scoped3A_326 : memref<!tpu.dma_semaphore, #tpu.memory_space<semaphore_mem>>) {add = true}
        %dma_wait3A_333 = arith.constant 0 : i32
        %dma_wait3A_334 = tpu.memref_slice %arg9[%run_scoped3A_87, %dma_wait3A_333] : memref<32x128xi32, #tpu.memory_space<vmem>> -> memref<1x128xi32, #tpu.memory_space<vmem>>
        %dma_wait3A_335 = tpu.memref_squeeze %dma_wait3A_334 : memref<1x128xi32, #tpu.memory_space<vmem>> -> memref<128xi32, #tpu.memory_space<vmem>>
        %dma_wait3A_336 = arith.constant 0 : i32
        %dma_wait3A_337 = arith.constant 0 : i32
        %dma_wait3A_338 = tpu.memref_slice %arg7[%dma_wait3A_336, %dma_wait3A_337] : memref<10112x64xf32, #tpu.memory_space<vmem_shared>> -> memref<10112x64xf32, #tpu.memory_space<vmem_shared>>
        tpu.wait_indirect_dma semaphore(%run_scoped3A_326 : memref<!tpu.dma_semaphore, #tpu.memory_space<semaphore_mem>>) src(%arg13 : memref<128x64xf32, #tpu.memory_space<vmem>>) dst(%dma_wait3A_338 : memref<10112x64xf32, #tpu.memory_space<vmem_shared>>)
        tpu.yield
      }) : () -> ()
      %dma_wait3A_88 = arith.constant 0 : i32
      %dma_wait3A_89 = arith.constant 0 : i32
      %dma_wait3A_90 = arith.constant 0 : i32
      %dma_wait3A_91 = tpu.memref_slice %arg10[%dma_wait3A_89, %dma_wait3A_90] : memref<32x128xi32, #tpu.memory_space<vmem>> -> memref<32x128xi32, #tpu.memory_space<vmem>>
      %dma_wait3A_92 = arith.constant 0 : i32
      %dma_wait3A_93 = tpu.memref_slice %arg3[%dma_wait3A_88, %add3A_24, %dma_wait3A_92] : memref<2x2504x128xi32, #tpu.memory_space<hbm>> -> memref<1x32x128xi32, #tpu.memory_space<hbm>>
      %dma_wait3A_94 = tpu.memref_squeeze %dma_wait3A_93 : memref<1x32x128xi32, #tpu.memory_space<hbm>> -> memref<32x128xi32, #tpu.memory_space<hbm>>
      %dma_wait3A_95 = arith.constant 0 : i32
      %dma_wait3A_96 = arith.constant 0 : i32
      %dma_wait3A_97 = tpu.memref_slice %arg10[%dma_wait3A_95, %dma_wait3A_96] : memref<32x128xi32, #tpu.memory_space<vmem>> -> memref<32x128xi32, #tpu.memory_space<vmem>>
      %dma_wait3A_98 = arith.constant 0 : i32
      %dma_wait3A_99 = tpu.memref_slice %arg3[%dma_wait3A_88, %add3A_24, %dma_wait3A_98] : memref<2x2504x128xi32, #tpu.memory_space<hbm>> -> memref<1x32x128xi32, #tpu.memory_space<hbm>>
      %dma_wait3A_100 = tpu.memref_squeeze %dma_wait3A_99 : memref<1x32x128xi32, #tpu.memory_space<hbm>> -> memref<32x128xi32, #tpu.memory_space<hbm>>
      tpu.wait_dma2 semaphore(%arg17 : memref<!tpu.dma_semaphore, #tpu.memory_space<semaphore_mem>>) src(%dma_wait3A_100 : memref<32x128xi32, #tpu.memory_space<hbm>>) dst(%dma_wait3A_97 : memref<32x128xi32, #tpu.memory_space<vmem>>)
      %dma_wait3A_101 = arith.constant 1 : i32
      %dma_wait3A_102 = arith.constant 0 : i32
      %dma_wait3A_103 = arith.constant 0 : i32
      %dma_wait3A_104 = tpu.memref_slice %arg11[%dma_wait3A_102, %dma_wait3A_103] : memref<32x128xi32, #tpu.memory_space<vmem>> -> memref<32x128xi32, #tpu.memory_space<vmem>>
      %dma_wait3A_105 = arith.constant 0 : i32
      %dma_wait3A_106 = tpu.memref_slice %arg3[%dma_wait3A_101, %add3A_24, %dma_wait3A_105] : memref<2x2504x128xi32, #tpu.memory_space<hbm>> -> memref<1x32x128xi32, #tpu.memory_space<hbm>>
      %dma_wait3A_107 = tpu.memref_squeeze %dma_wait3A_106 : memref<1x32x128xi32, #tpu.memory_space<hbm>> -> memref<32x128xi32, #tpu.memory_space<hbm>>
      %dma_wait3A_108 = arith.constant 0 : i32
      %dma_wait3A_109 = arith.constant 0 : i32
      %dma_wait3A_110 = tpu.memref_slice %arg11[%dma_wait3A_108, %dma_wait3A_109] : memref<32x128xi32, #tpu.memory_space<vmem>> -> memref<32x128xi32, #tpu.memory_space<vmem>>
      %dma_wait3A_111 = arith.constant 0 : i32
      %dma_wait3A_112 = tpu.memref_slice %arg3[%dma_wait3A_101, %add3A_24, %dma_wait3A_111] : memref<2x2504x128xi32, #tpu.memory_space<hbm>> -> memref<1x32x128xi32, #tpu.memory_space<hbm>>
      %dma_wait3A_113 = tpu.memref_squeeze %dma_wait3A_112 : memref<1x32x128xi32, #tpu.memory_space<hbm>> -> memref<32x128xi32, #tpu.memory_space<hbm>>
      tpu.wait_dma2 semaphore(%arg17 : memref<!tpu.dma_semaphore, #tpu.memory_space<semaphore_mem>>) src(%dma_wait3A_113 : memref<32x128xi32, #tpu.memory_space<hbm>>) dst(%dma_wait3A_110 : memref<32x128xi32, #tpu.memory_space<vmem>>)
      %dma_start3A_114 = arith.constant 0 : i32
      %dma_start3A_115 = arith.constant 0 : i32
      %dma_start3A_116 = arith.constant 0 : i32
      %dma_start3A_117 = tpu.memref_slice %arg8[%dma_start3A_115, %dma_start3A_116] : memref<32x128xi32, #tpu.memory_space<vmem>> -> memref<32x128xi32, #tpu.memory_space<vmem>>
      %dma_start3A_118 = arith.constant 0 : i32
      %dma_start3A_119 = tpu.memref_slice %arg3[%dma_start3A_114, %add3A_26, %dma_start3A_118] : memref<2x2504x128xi32, #tpu.memory_space<hbm>> -> memref<1x32x128xi32, #tpu.memory_space<hbm>>
      %dma_start3A_120 = tpu.memref_squeeze %dma_start3A_119 : memref<1x32x128xi32, #tpu.memory_space<hbm>> -> memref<32x128xi32, #tpu.memory_space<hbm>>
      %dma_start3A_121 = arith.constant 0 : i32
      %dma_start3A_122 = arith.constant 0 : i32
      %dma_start3A_123 = tpu.memref_slice %arg8[%dma_start3A_121, %dma_start3A_122] : memref<32x128xi32, #tpu.memory_space<vmem>> -> memref<32x128xi32, #tpu.memory_space<vmem>>
      %dma_start3A_124 = arith.constant 0 : i32
      %dma_start3A_125 = tpu.memref_slice %arg3[%dma_start3A_114, %add3A_26, %dma_start3A_124] : memref<2x2504x128xi32, #tpu.memory_space<hbm>> -> memref<1x32x128xi32, #tpu.memory_space<hbm>>
      %dma_start3A_126 = tpu.memref_squeeze %dma_start3A_125 : memref<1x32x128xi32, #tpu.memory_space<hbm>> -> memref<32x128xi32, #tpu.memory_space<hbm>>
      tpu.enqueue_dma source(%dma_start3A_126 : memref<32x128xi32, #tpu.memory_space<hbm>>) target(%dma_start3A_123 : memref<32x128xi32, #tpu.memory_space<vmem>>) target_semaphore(%arg16 : memref<!tpu.dma_semaphore, #tpu.memory_space<semaphore_mem>>)
      %dma_start3A_127 = arith.constant 1 : i32
      %dma_start3A_128 = arith.constant 0 : i32
      %dma_start3A_129 = arith.constant 0 : i32
      %dma_start3A_130 = tpu.memref_slice %arg9[%dma_start3A_128, %dma_start3A_129] : memref<32x128xi32, #tpu.memory_space<vmem>> -> memref<32x128xi32, #tpu.memory_space<vmem>>
      %dma_start3A_131 = arith.constant 0 : i32
      %dma_start3A_132 = tpu.memref_slice %arg3[%dma_start3A_127, %add3A_26, %dma_start3A_131] : memref<2x2504x128xi32, #tpu.memory_space<hbm>> -> memref<1x32x128xi32, #tpu.memory_space<hbm>>
      %dma_start3A_133 = tpu.memref_squeeze %dma_start3A_132 : memref<1x32x128xi32, #tpu.memory_space<hbm>> -> memref<32x128xi32, #tpu.memory_space<hbm>>
      %dma_start3A_134 = arith.constant 0 : i32
      %dma_start3A_135 = arith.constant 0 : i32
      %dma_start3A_136 = tpu.memref_slice %arg9[%dma_start3A_134, %dma_start3A_135] : memref<32x128xi32, #tpu.memory_space<vmem>> -> memref<32x128xi32, #tpu.memory_space<vmem>>
      %dma_start3A_137 = arith.constant 0 : i32
      %dma_start3A_138 = tpu.memref_slice %arg3[%dma_start3A_127, %add3A_26, %dma_start3A_137] : memref<2x2504x128xi32, #tpu.memory_space<hbm>> -> memref<1x32x128xi32, #tpu.memory_space<hbm>>
      %dma_start3A_139 = tpu.memref_squeeze %dma_start3A_138 : memref<1x32x128xi32, #tpu.memory_space<hbm>> -> memref<32x128xi32, #tpu.memory_space<hbm>>
      tpu.enqueue_dma source(%dma_start3A_139 : memref<32x128xi32, #tpu.memory_space<hbm>>) target(%dma_start3A_136 : memref<32x128xi32, #tpu.memory_space<vmem>>) target_semaphore(%arg16 : memref<!tpu.dma_semaphore, #tpu.memory_space<semaphore_mem>>)
      %dma_start3A_140 = arith.constant 0 : i32
      %dma_start3A_141 = arith.constant 0 : i32
      %dma_start3A_142 = tpu.memref_slice %arg10[%dma_start3A_140, %dma_start3A_141] : memref<32x128xi32, #tpu.memory_space<vmem>> -> memref<1x128xi32, #tpu.memory_space<vmem>>
      %dma_start3A_143 = tpu.memref_squeeze %dma_start3A_142 : memref<1x128xi32, #tpu.memory_space<vmem>> -> memref<128xi32, #tpu.memory_space<vmem>>
      %dma_start3A_144 = arith.constant 0 : i32
      %dma_start3A_145 = arith.constant 0 : i32
      %dma_start3A_146 = tpu.memref_slice %arg6[%dma_start3A_144, %dma_start3A_145] : memref<10000x64xf32, #tpu.memory_space<vmem_shared>> -> memref<10000x64xf32, #tpu.memory_space<vmem_shared>>
      tpu.enqueue_indirect_dma source(%dma_start3A_146 : memref<10000x64xf32, #tpu.memory_space<vmem_shared>>) target(%arg12 : memref<128x64xf32, #tpu.memory_space<vmem>>) offsets(%dma_start3A_143 : memref<128xi32, #tpu.memory_space<vmem>>) semaphore(%arg14 : memref<!tpu.dma_semaphore, #tpu.memory_space<semaphore_mem>>)
      %dma_start3A_147 = arith.constant 1 : i32
      %dma_start3A_148 = arith.constant 0 : i32
      %dma_start3A_149 = tpu.memref_slice %arg10[%dma_start3A_147, %dma_start3A_148] : memref<32x128xi32, #tpu.memory_space<vmem>> -> memref<1x128xi32, #tpu.memory_space<vmem>>
      %dma_start3A_150 = tpu.memref_squeeze %dma_start3A_149 : memref<1x128xi32, #tpu.memory_space<vmem>> -> memref<128xi32, #tpu.memory_space<vmem>>
      %dma_start3A_151 = arith.constant 0 : i32
      %dma_start3A_152 = arith.constant 0 : i32
      %dma_start3A_153 = tpu.memref_slice %arg6[%dma_start3A_151, %dma_start3A_152] : memref<10000x64xf32, #tpu.memory_space<vmem_shared>> -> memref<10000x64xf32, #tpu.memory_space<vmem_shared>>
      tpu.enqueue_indirect_dma source(%dma_start3A_153 : memref<10000x64xf32, #tpu.memory_space<vmem_shared>>) target(%arg13 : memref<128x64xf32, #tpu.memory_space<vmem>>) offsets(%dma_start3A_150 : memref<128xi32, #tpu.memory_space<vmem>>) semaphore(%arg15 : memref<!tpu.dma_semaphore, #tpu.memory_space<semaphore_mem>>)
      %scan3A_154 = arith.constant 0 : i32
      %scan3A_155 = arith.constant 0 : i32
      %scan3A_156 = arith.constant 15 : i32
      %scan3A_157 = arith.addi %scan3A_155, %scan3A_156 : i32
      %scan3A_158 = arith.constant 1 : i32
      scf.for %scan3A_326 = %scan3A_155 to %scan3A_157 step %scan3A_158  : i32 {
        %mul3A_327 = arith.constant 2 : i32
        %mul3A_328 = arith.muli %scan3A_326, %mul3A_327 : i32
        %add3A_329 = arith.constant 0 : i32
        %add3A_330 = arith.addi %mul3A_328, %add3A_329 : i32
        %dma_wait3A_331 = arith.constant 0 : i32
        %dma_wait3A_332 = tpu.memref_slice %arg10[%add3A_330, %dma_wait3A_331] : memref<32x128xi32, #tpu.memory_space<vmem>> -> memref<1x128xi32, #tpu.memory_space<vmem>>
        %dma_wait3A_333 = tpu.memref_squeeze %dma_wait3A_332 : memref<1x128xi32, #tpu.memory_space<vmem>> -> memref<128xi32, #tpu.memory_space<vmem>>
        %dma_wait3A_334 = arith.constant 0 : i32
        %dma_wait3A_335 = arith.constant 0 : i32
        %dma_wait3A_336 = tpu.memref_slice %arg6[%dma_wait3A_334, %dma_wait3A_335] : memref<10000x64xf32, #tpu.memory_space<vmem_shared>> -> memref<10000x64xf32, #tpu.memory_space<vmem_shared>>
        tpu.wait_indirect_dma semaphore(%arg14 : memref<!tpu.dma_semaphore, #tpu.memory_space<semaphore_mem>>) src(%dma_wait3A_336 : memref<10000x64xf32, #tpu.memory_space<vmem_shared>>) dst(%arg12 : memref<128x64xf32, #tpu.memory_space<vmem>>)
        "tpu.region"() ({
          %run_scoped3A_361 = tpu.sem_alloc : memref<!tpu.dma_semaphore, #tpu.memory_space<semaphore_mem>>
          %dma_start3A_362 = arith.constant 0 : i32
          %dma_start3A_363 = tpu.memref_slice %arg11[%add3A_330, %dma_start3A_362] : memref<32x128xi32, #tpu.memory_space<vmem>> -> memref<1x128xi32, #tpu.memory_space<vmem>>
          %dma_start3A_364 = tpu.memref_squeeze %dma_start3A_363 : memref<1x128xi32, #tpu.memory_space<vmem>> -> memref<128xi32, #tpu.memory_space<vmem>>
          %dma_start3A_365 = arith.constant 0 : i32
          %dma_start3A_366 = arith.constant 0 : i32
          %dma_start3A_367 = tpu.memref_slice %arg7[%dma_start3A_365, %dma_start3A_366] : memref<10112x64xf32, #tpu.memory_space<vmem_shared>> -> memref<10112x64xf32, #tpu.memory_space<vmem_shared>>
          tpu.enqueue_indirect_dma source(%arg12 : memref<128x64xf32, #tpu.memory_space<vmem>>) target(%dma_start3A_367 : memref<10112x64xf32, #tpu.memory_space<vmem_shared>>) offsets(%dma_start3A_364 : memref<128xi32, #tpu.memory_space<vmem>>) semaphore(%run_scoped3A_361 : memref<!tpu.dma_semaphore, #tpu.memory_space<semaphore_mem>>) {add = true}
          %dma_wait3A_368 = arith.constant 0 : i32
          %dma_wait3A_369 = tpu.memref_slice %arg11[%add3A_330, %dma_wait3A_368] : memref<32x128xi32, #tpu.memory_space<vmem>> -> memref<1x128xi32, #tpu.memory_space<vmem>>
          %dma_wait3A_370 = tpu.memref_squeeze %dma_wait3A_369 : memref<1x128xi32, #tpu.memory_space<vmem>> -> memref<128xi32, #tpu.memory_space<vmem>>
          %dma_wait3A_371 = arith.constant 0 : i32
          %dma_wait3A_372 = arith.constant 0 : i32
          %dma_wait3A_373 = tpu.memref_slice %arg7[%dma_wait3A_371, %dma_wait3A_372] : memref<10112x64xf32, #tpu.memory_space<vmem_shared>> -> memref<10112x64xf32, #tpu.memory_space<vmem_shared>>
          tpu.wait_indirect_dma semaphore(%run_scoped3A_361 : memref<!tpu.dma_semaphore, #tpu.memory_space<semaphore_mem>>) src(%arg12 : memref<128x64xf32, #tpu.memory_space<vmem>>) dst(%dma_wait3A_373 : memref<10112x64xf32, #tpu.memory_space<vmem_shared>>)
          tpu.yield
        }) : () -> ()
        %add3A_337 = arith.constant 2 : i32
        %add3A_338 = arith.addi %add3A_330, %add3A_337 : i32
        %dma_start3A_339 = arith.constant 0 : i32
        %dma_start3A_340 = tpu.memref_slice %arg10[%add3A_338, %dma_start3A_339] : memref<32x128xi32, #tpu.memory_space<vmem>> -> memref<1x128xi32, #tpu.memory_space<vmem>>
        %dma_start3A_341 = tpu.memref_squeeze %dma_start3A_340 : memref<1x128xi32, #tpu.memory_space<vmem>> -> memref<128xi32, #tpu.memory_space<vmem>>
        %dma_start3A_342 = arith.constant 0 : i32
        %dma_start3A_343 = arith.constant 0 : i32
        %dma_start3A_344 = tpu.memref_slice %arg6[%dma_start3A_342, %dma_start3A_343] : memref<10000x64xf32, #tpu.memory_space<vmem_shared>> -> memref<10000x64xf32, #tpu.memory_space<vmem_shared>>
        tpu.enqueue_indirect_dma source(%dma_start3A_344 : memref<10000x64xf32, #tpu.memory_space<vmem_shared>>) target(%arg12 : memref<128x64xf32, #tpu.memory_space<vmem>>) offsets(%dma_start3A_341 : memref<128xi32, #tpu.memory_space<vmem>>) semaphore(%arg14 : memref<!tpu.dma_semaphore, #tpu.memory_space<semaphore_mem>>)
        %add3A_345 = arith.constant 1 : i32
        %add3A_346 = arith.addi %mul3A_328, %add3A_345 : i32
        %dma_wait3A_347 = arith.constant 0 : i32
        %dma_wait3A_348 = tpu.memref_slice %arg10[%add3A_346, %dma_wait3A_347] : memref<32x128xi32, #tpu.memory_space<vmem>> -> memref<1x128xi32, #tpu.memory_space<vmem>>
        %dma_wait3A_349 = tpu.memref_squeeze %dma_wait3A_348 : memref<1x128xi32, #tpu.memory_space<vmem>> -> memref<128xi32, #tpu.memory_space<vmem>>
        %dma_wait3A_350 = arith.constant 0 : i32
        %dma_wait3A_351 = arith.constant 0 : i32
        %dma_wait3A_352 = tpu.memref_slice %arg6[%dma_wait3A_350, %dma_wait3A_351] : memref<10000x64xf32, #tpu.memory_space<vmem_shared>> -> memref<10000x64xf32, #tpu.memory_space<vmem_shared>>
        tpu.wait_indirect_dma semaphore(%arg15 : memref<!tpu.dma_semaphore, #tpu.memory_space<semaphore_mem>>) src(%dma_wait3A_352 : memref<10000x64xf32, #tpu.memory_space<vmem_shared>>) dst(%arg13 : memref<128x64xf32, #tpu.memory_space<vmem>>)
        "tpu.region"() ({
          %run_scoped3A_361 = tpu.sem_alloc : memref<!tpu.dma_semaphore, #tpu.memory_space<semaphore_mem>>
          %dma_start3A_362 = arith.constant 0 : i32
          %dma_start3A_363 = tpu.memref_slice %arg11[%add3A_346, %dma_start3A_362] : memref<32x128xi32, #tpu.memory_space<vmem>> -> memref<1x128xi32, #tpu.memory_space<vmem>>
          %dma_start3A_364 = tpu.memref_squeeze %dma_start3A_363 : memref<1x128xi32, #tpu.memory_space<vmem>> -> memref<128xi32, #tpu.memory_space<vmem>>
          %dma_start3A_365 = arith.constant 0 : i32
          %dma_start3A_366 = arith.constant 0 : i32
          %dma_start3A_367 = tpu.memref_slice %arg7[%dma_start3A_365, %dma_start3A_366] : memref<10112x64xf32, #tpu.memory_space<vmem_shared>> -> memref<10112x64xf32, #tpu.memory_space<vmem_shared>>
          tpu.enqueue_indirect_dma source(%arg13 : memref<128x64xf32, #tpu.memory_space<vmem>>) target(%dma_start3A_367 : memref<10112x64xf32, #tpu.memory_space<vmem_shared>>) offsets(%dma_start3A_364 : memref<128xi32, #tpu.memory_space<vmem>>) semaphore(%run_scoped3A_361 : memref<!tpu.dma_semaphore, #tpu.memory_space<semaphore_mem>>) {add = true}
          %dma_wait3A_368 = arith.constant 0 : i32
          %dma_wait3A_369 = tpu.memref_slice %arg11[%add3A_346, %dma_wait3A_368] : memref<32x128xi32, #tpu.memory_space<vmem>> -> memref<1x128xi32, #tpu.memory_space<vmem>>
          %dma_wait3A_370 = tpu.memref_squeeze %dma_wait3A_369 : memref<1x128xi32, #tpu.memory_space<vmem>> -> memref<128xi32, #tpu.memory_space<vmem>>
          %dma_wait3A_371 = arith.constant 0 : i32
          %dma_wait3A_372 = arith.constant 0 : i32
          %dma_wait3A_373 = tpu.memref_slice %arg7[%dma_wait3A_371, %dma_wait3A_372] : memref<10112x64xf32, #tpu.memory_space<vmem_shared>> -> memref<10112x64xf32, #tpu.memory_space<vmem_shared>>
          tpu.wait_indirect_dma semaphore(%run_scoped3A_361 : memref<!tpu.dma_semaphore, #tpu.memory_space<semaphore_mem>>) src(%arg13 : memref<128x64xf32, #tpu.memory_space<vmem>>) dst(%dma_wait3A_373 : memref<10112x64xf32, #tpu.memory_space<vmem_shared>>)
          tpu.yield
        }) : () -> ()
        %add3A_353 = arith.constant 2 : i32
        %add3A_354 = arith.addi %add3A_346, %add3A_353 : i32
        %dma_start3A_355 = arith.constant 0 : i32
        %dma_start3A_356 = tpu.memref_slice %arg10[%add3A_354, %dma_start3A_355] : memref<32x128xi32, #tpu.memory_space<vmem>> -> memref<1x128xi32, #tpu.memory_space<vmem>>
        %dma_start3A_357 = tpu.memref_squeeze %dma_start3A_356 : memref<1x128xi32, #tpu.memory_space<vmem>> -> memref<128xi32, #tpu.memory_space<vmem>>
        %dma_start3A_358 = arith.constant 0 : i32
        %dma_start3A_359 = arith.constant 0 : i32
        %dma_start3A_360 = tpu.memref_slice %arg6[%dma_start3A_358, %dma_start3A_359] : memref<10000x64xf32, #tpu.memory_space<vmem_shared>> -> memref<10000x64xf32, #tpu.memory_space<vmem_shared>>
        tpu.enqueue_indirect_dma source(%dma_start3A_360 : memref<10000x64xf32, #tpu.memory_space<vmem_shared>>) target(%arg13 : memref<128x64xf32, #tpu.memory_space<vmem>>) offsets(%dma_start3A_357 : memref<128xi32, #tpu.memory_space<vmem>>) semaphore(%arg15 : memref<!tpu.dma_semaphore, #tpu.memory_space<semaphore_mem>>)
      }
      %scan3A_159 = arith.constant 15 : i32
      %dma_wait3A_160 = arith.constant 30 : i32
      %dma_wait3A_161 = arith.constant 0 : i32
      %dma_wait3A_162 = tpu.memref_slice %arg10[%dma_wait3A_160, %dma_wait3A_161] : memref<32x128xi32, #tpu.memory_space<vmem>> -> memref<1x128xi32, #tpu.memory_space<vmem>>
      %dma_wait3A_163 = tpu.memref_squeeze %dma_wait3A_162 : memref<1x128xi32, #tpu.memory_space<vmem>> -> memref<128xi32, #tpu.memory_space<vmem>>
      %dma_wait3A_164 = arith.constant 0 : i32
      %dma_wait3A_165 = arith.constant 0 : i32
      %dma_wait3A_166 = tpu.memref_slice %arg6[%dma_wait3A_164, %dma_wait3A_165] : memref<10000x64xf32, #tpu.memory_space<vmem_shared>> -> memref<10000x64xf32, #tpu.memory_space<vmem_shared>>
      tpu.wait_indirect_dma semaphore(%arg14 : memref<!tpu.dma_semaphore, #tpu.memory_space<semaphore_mem>>) src(%dma_wait3A_166 : memref<10000x64xf32, #tpu.memory_space<vmem_shared>>) dst(%arg12 : memref<128x64xf32, #tpu.memory_space<vmem>>)
      %run_scoped3A_167 = arith.constant 30 : i32
      "tpu.region"() ({
        %run_scoped3A_326 = tpu.sem_alloc : memref<!tpu.dma_semaphore, #tpu.memory_space<semaphore_mem>>
        %dma_start3A_327 = arith.constant 0 : i32
        %dma_start3A_328 = tpu.memref_slice %arg11[%run_scoped3A_167, %dma_start3A_327] : memref<32x128xi32, #tpu.memory_space<vmem>> -> memref<1x128xi32, #tpu.memory_space<vmem>>
        %dma_start3A_329 = tpu.memref_squeeze %dma_start3A_328 : memref<1x128xi32, #tpu.memory_space<vmem>> -> memref<128xi32, #tpu.memory_space<vmem>>
        %dma_start3A_330 = arith.constant 0 : i32
        %dma_start3A_331 = arith.constant 0 : i32
        %dma_start3A_332 = tpu.memref_slice %arg7[%dma_start3A_330, %dma_start3A_331] : memref<10112x64xf32, #tpu.memory_space<vmem_shared>> -> memref<10112x64xf32, #tpu.memory_space<vmem_shared>>
        tpu.enqueue_indirect_dma source(%arg12 : memref<128x64xf32, #tpu.memory_space<vmem>>) target(%dma_start3A_332 : memref<10112x64xf32, #tpu.memory_space<vmem_shared>>) offsets(%dma_start3A_329 : memref<128xi32, #tpu.memory_space<vmem>>) semaphore(%run_scoped3A_326 : memref<!tpu.dma_semaphore, #tpu.memory_space<semaphore_mem>>) {add = true}
        %dma_wait3A_333 = arith.constant 0 : i32
        %dma_wait3A_334 = tpu.memref_slice %arg11[%run_scoped3A_167, %dma_wait3A_333] : memref<32x128xi32, #tpu.memory_space<vmem>> -> memref<1x128xi32, #tpu.memory_space<vmem>>
        %dma_wait3A_335 = tpu.memref_squeeze %dma_wait3A_334 : memref<1x128xi32, #tpu.memory_space<vmem>> -> memref<128xi32, #tpu.memory_space<vmem>>
        %dma_wait3A_336 = arith.constant 0 : i32
        %dma_wait3A_337 = arith.constant 0 : i32
        %dma_wait3A_338 = tpu.memref_slice %arg7[%dma_wait3A_336, %dma_wait3A_337] : memref<10112x64xf32, #tpu.memory_space<vmem_shared>> -> memref<10112x64xf32, #tpu.memory_space<vmem_shared>>
        tpu.wait_indirect_dma semaphore(%run_scoped3A_326 : memref<!tpu.dma_semaphore, #tpu.memory_space<semaphore_mem>>) src(%arg12 : memref<128x64xf32, #tpu.memory_space<vmem>>) dst(%dma_wait3A_338 : memref<10112x64xf32, #tpu.memory_space<vmem_shared>>)
        tpu.yield
      }) : () -> ()
      %dma_wait3A_168 = arith.constant 31 : i32
      %dma_wait3A_169 = arith.constant 0 : i32
      %dma_wait3A_170 = tpu.memref_slice %arg10[%dma_wait3A_168, %dma_wait3A_169] : memref<32x128xi32, #tpu.memory_space<vmem>> -> memref<1x128xi32, #tpu.memory_space<vmem>>
      %dma_wait3A_171 = tpu.memref_squeeze %dma_wait3A_170 : memref<1x128xi32, #tpu.memory_space<vmem>> -> memref<128xi32, #tpu.memory_space<vmem>>
      %dma_wait3A_172 = arith.constant 0 : i32
      %dma_wait3A_173 = arith.constant 0 : i32
      %dma_wait3A_174 = tpu.memref_slice %arg6[%dma_wait3A_172, %dma_wait3A_173] : memref<10000x64xf32, #tpu.memory_space<vmem_shared>> -> memref<10000x64xf32, #tpu.memory_space<vmem_shared>>
      tpu.wait_indirect_dma semaphore(%arg15 : memref<!tpu.dma_semaphore, #tpu.memory_space<semaphore_mem>>) src(%dma_wait3A_174 : memref<10000x64xf32, #tpu.memory_space<vmem_shared>>) dst(%arg13 : memref<128x64xf32, #tpu.memory_space<vmem>>)
      %run_scoped3A_175 = arith.constant 31 : i32
      "tpu.region"() ({
        %run_scoped3A_326 = tpu.sem_alloc : memref<!tpu.dma_semaphore, #tpu.memory_space<semaphore_mem>>
        %dma_start3A_327 = arith.constant 0 : i32
        %dma_start3A_328 = tpu.memref_slice %arg11[%run_scoped3A_175, %dma_start3A_327] : memref<32x128xi32, #tpu.memory_space<vmem>> -> memref<1x128xi32, #tpu.memory_space<vmem>>
        %dma_start3A_329 = tpu.memref_squeeze %dma_start3A_328 : memref<1x128xi32, #tpu.memory_space<vmem>> -> memref<128xi32, #tpu.memory_space<vmem>>
        %dma_start3A_330 = arith.constant 0 : i32
        %dma_start3A_331 = arith.constant 0 : i32
        %dma_start3A_332 = tpu.memref_slice %arg7[%dma_start3A_330, %dma_start3A_331] : memref<10112x64xf32, #tpu.memory_space<vmem_shared>> -> memref<10112x64xf32, #tpu.memory_space<vmem_shared>>
        tpu.enqueue_indirect_dma source(%arg13 : memref<128x64xf32, #tpu.memory_space<vmem>>) target(%dma_start3A_332 : memref<10112x64xf32, #tpu.memory_space<vmem_shared>>) offsets(%dma_start3A_329 : memref<128xi32, #tpu.memory_space<vmem>>) semaphore(%run_scoped3A_326 : memref<!tpu.dma_semaphore, #tpu.memory_space<semaphore_mem>>) {add = true}
        %dma_wait3A_333 = arith.constant 0 : i32
        %dma_wait3A_334 = tpu.memref_slice %arg11[%run_scoped3A_175, %dma_wait3A_333] : memref<32x128xi32, #tpu.memory_space<vmem>> -> memref<1x128xi32, #tpu.memory_space<vmem>>
        %dma_wait3A_335 = tpu.memref_squeeze %dma_wait3A_334 : memref<1x128xi32, #tpu.memory_space<vmem>> -> memref<128xi32, #tpu.memory_space<vmem>>
        %dma_wait3A_336 = arith.constant 0 : i32
        %dma_wait3A_337 = arith.constant 0 : i32
        %dma_wait3A_338 = tpu.memref_slice %arg7[%dma_wait3A_336, %dma_wait3A_337] : memref<10112x64xf32, #tpu.memory_space<vmem_shared>> -> memref<10112x64xf32, #tpu.memory_space<vmem_shared>>
        tpu.wait_indirect_dma semaphore(%run_scoped3A_326 : memref<!tpu.dma_semaphore, #tpu.memory_space<semaphore_mem>>) src(%arg13 : memref<128x64xf32, #tpu.memory_space<vmem>>) dst(%dma_wait3A_338 : memref<10112x64xf32, #tpu.memory_space<vmem_shared>>)
        tpu.yield
      }) : () -> ()
      %dma_wait3A_176 = arith.constant 0 : i32
      %dma_wait3A_177 = arith.constant 0 : i32
      %dma_wait3A_178 = arith.constant 0 : i32
      %dma_wait3A_179 = tpu.memref_slice %arg8[%dma_wait3A_177, %dma_wait3A_178] : memref<32x128xi32, #tpu.memory_space<vmem>> -> memref<32x128xi32, #tpu.memory_space<vmem>>
      %dma_wait3A_180 = arith.constant 0 : i32
      %dma_wait3A_181 = tpu.memref_slice %arg3[%dma_wait3A_176, %add3A_26, %dma_wait3A_180] : memref<2x2504x128xi32, #tpu.memory_space<hbm>> -> memref<1x32x128xi32, #tpu.memory_space<hbm>>
      %dma_wait3A_182 = tpu.memref_squeeze %dma_wait3A_181 : memref<1x32x128xi32, #tpu.memory_space<hbm>> -> memref<32x128xi32, #tpu.memory_space<hbm>>
      %dma_wait3A_183 = arith.constant 0 : i32
      %dma_wait3A_184 = arith.constant 0 : i32
      %dma_wait3A_185 = tpu.memref_slice %arg8[%dma_wait3A_183, %dma_wait3A_184] : memref<32x128xi32, #tpu.memory_space<vmem>> -> memref<32x128xi32, #tpu.memory_space<vmem>>
      %dma_wait3A_186 = arith.constant 0 : i32
      %dma_wait3A_187 = tpu.memref_slice %arg3[%dma_wait3A_176, %add3A_26, %dma_wait3A_186] : memref<2x2504x128xi32, #tpu.memory_space<hbm>> -> memref<1x32x128xi32, #tpu.memory_space<hbm>>
      %dma_wait3A_188 = tpu.memref_squeeze %dma_wait3A_187 : memref<1x32x128xi32, #tpu.memory_space<hbm>> -> memref<32x128xi32, #tpu.memory_space<hbm>>
      tpu.wait_dma2 semaphore(%arg16 : memref<!tpu.dma_semaphore, #tpu.memory_space<semaphore_mem>>) src(%dma_wait3A_188 : memref<32x128xi32, #tpu.memory_space<hbm>>) dst(%dma_wait3A_185 : memref<32x128xi32, #tpu.memory_space<vmem>>)
      %dma_wait3A_189 = arith.constant 1 : i32
      %dma_wait3A_190 = arith.constant 0 : i32
      %dma_wait3A_191 = arith.constant 0 : i32
      %dma_wait3A_192 = tpu.memref_slice %arg9[%dma_wait3A_190, %dma_wait3A_191] : memref<32x128xi32, #tpu.memory_space<vmem>> -> memref<32x128xi32, #tpu.memory_space<vmem>>
      %dma_wait3A_193 = arith.constant 0 : i32
      %dma_wait3A_194 = tpu.memref_slice %arg3[%dma_wait3A_189, %add3A_26, %dma_wait3A_193] : memref<2x2504x128xi32, #tpu.memory_space<hbm>> -> memref<1x32x128xi32, #tpu.memory_space<hbm>>
      %dma_wait3A_195 = tpu.memref_squeeze %dma_wait3A_194 : memref<1x32x128xi32, #tpu.memory_space<hbm>> -> memref<32x128xi32, #tpu.memory_space<hbm>>
      %dma_wait3A_196 = arith.constant 0 : i32
      %dma_wait3A_197 = arith.constant 0 : i32
      %dma_wait3A_198 = tpu.memref_slice %arg9[%dma_wait3A_196, %dma_wait3A_197] : memref<32x128xi32, #tpu.memory_space<vmem>> -> memref<32x128xi32, #tpu.memory_space<vmem>>
      %dma_wait3A_199 = arith.constant 0 : i32
      %dma_wait3A_200 = tpu.memref_slice %arg3[%dma_wait3A_189, %add3A_26, %dma_wait3A_199] : memref<2x2504x128xi32, #tpu.memory_space<hbm>> -> memref<1x32x128xi32, #tpu.memory_space<hbm>>
      %dma_wait3A_201 = tpu.memref_squeeze %dma_wait3A_200 : memref<1x32x128xi32, #tpu.memory_space<hbm>> -> memref<32x128xi32, #tpu.memory_space<hbm>>
      tpu.wait_dma2 semaphore(%arg16 : memref<!tpu.dma_semaphore, #tpu.memory_space<semaphore_mem>>) src(%dma_wait3A_201 : memref<32x128xi32, #tpu.memory_space<hbm>>) dst(%dma_wait3A_198 : memref<32x128xi32, #tpu.memory_space<vmem>>)
      %dma_start3A_202 = arith.constant 0 : i32
      %dma_start3A_203 = arith.constant 0 : i32
      %dma_start3A_204 = arith.constant 0 : i32
      %dma_start3A_205 = tpu.memref_slice %arg10[%dma_start3A_203, %dma_start3A_204] : memref<32x128xi32, #tpu.memory_space<vmem>> -> memref<8x128xi32, #tpu.memory_space<vmem>>
      %dma_start3A_206 = arith.constant 0 : i32
      %dma_start3A_207 = tpu.memref_slice %arg3[%dma_start3A_202, %add3A_28, %dma_start3A_206] : memref<2x2504x128xi32, #tpu.memory_space<hbm>> -> memref<1x8x128xi32, #tpu.memory_space<hbm>>
      %dma_start3A_208 = tpu.memref_squeeze %dma_start3A_207 : memref<1x8x128xi32, #tpu.memory_space<hbm>> -> memref<8x128xi32, #tpu.memory_space<hbm>>
      %dma_start3A_209 = arith.constant 0 : i32
      %dma_start3A_210 = arith.constant 0 : i32
      %dma_start3A_211 = tpu.memref_slice %arg10[%dma_start3A_209, %dma_start3A_210] : memref<32x128xi32, #tpu.memory_space<vmem>> -> memref<8x128xi32, #tpu.memory_space<vmem>>
      %dma_start3A_212 = arith.constant 0 : i32
      %dma_start3A_213 = tpu.memref_slice %arg3[%dma_start3A_202, %add3A_28, %dma_start3A_212] : memref<2x2504x128xi32, #tpu.memory_space<hbm>> -> memref<1x8x128xi32, #tpu.memory_space<hbm>>
      %dma_start3A_214 = tpu.memref_squeeze %dma_start3A_213 : memref<1x8x128xi32, #tpu.memory_space<hbm>> -> memref<8x128xi32, #tpu.memory_space<hbm>>
      tpu.enqueue_dma source(%dma_start3A_214 : memref<8x128xi32, #tpu.memory_space<hbm>>) target(%dma_start3A_211 : memref<8x128xi32, #tpu.memory_space<vmem>>) target_semaphore(%arg17 : memref<!tpu.dma_semaphore, #tpu.memory_space<semaphore_mem>>)
      %dma_start3A_215 = arith.constant 1 : i32
      %dma_start3A_216 = arith.constant 0 : i32
      %dma_start3A_217 = arith.constant 0 : i32
      %dma_start3A_218 = tpu.memref_slice %arg11[%dma_start3A_216, %dma_start3A_217] : memref<32x128xi32, #tpu.memory_space<vmem>> -> memref<8x128xi32, #tpu.memory_space<vmem>>
      %dma_start3A_219 = arith.constant 0 : i32
      %dma_start3A_220 = tpu.memref_slice %arg3[%dma_start3A_215, %add3A_28, %dma_start3A_219] : memref<2x2504x128xi32, #tpu.memory_space<hbm>> -> memref<1x8x128xi32, #tpu.memory_space<hbm>>
      %dma_start3A_221 = tpu.memref_squeeze %dma_start3A_220 : memref<1x8x128xi32, #tpu.memory_space<hbm>> -> memref<8x128xi32, #tpu.memory_space<hbm>>
      %dma_start3A_222 = arith.constant 0 : i32
      %dma_start3A_223 = arith.constant 0 : i32
      %dma_start3A_224 = tpu.memref_slice %arg11[%dma_start3A_222, %dma_start3A_223] : memref<32x128xi32, #tpu.memory_space<vmem>> -> memref<8x128xi32, #tpu.memory_space<vmem>>
      %dma_start3A_225 = arith.constant 0 : i32
      %dma_start3A_226 = tpu.memref_slice %arg3[%dma_start3A_215, %add3A_28, %dma_start3A_225] : memref<2x2504x128xi32, #tpu.memory_space<hbm>> -> memref<1x8x128xi32, #tpu.memory_space<hbm>>
      %dma_start3A_227 = tpu.memref_squeeze %dma_start3A_226 : memref<1x8x128xi32, #tpu.memory_space<hbm>> -> memref<8x128xi32, #tpu.memory_space<hbm>>
      tpu.enqueue_dma source(%dma_start3A_227 : memref<8x128xi32, #tpu.memory_space<hbm>>) target(%dma_start3A_224 : memref<8x128xi32, #tpu.memory_space<vmem>>) target_semaphore(%arg17 : memref<!tpu.dma_semaphore, #tpu.memory_space<semaphore_mem>>)
      %dma_start3A_228 = arith.constant 0 : i32
      %dma_start3A_229 = arith.constant 0 : i32
      %dma_start3A_230 = tpu.memref_slice %arg8[%dma_start3A_228, %dma_start3A_229] : memref<32x128xi32, #tpu.memory_space<vmem>> -> memref<1x128xi32, #tpu.memory_space<vmem>>
      %dma_start3A_231 = tpu.memref_squeeze %dma_start3A_230 : memref<1x128xi32, #tpu.memory_space<vmem>> -> memref<128xi32, #tpu.memory_space<vmem>>
      %dma_start3A_232 = arith.constant 0 : i32
      %dma_start3A_233 = arith.constant 0 : i32
      %dma_start3A_234 = tpu.memref_slice %arg6[%dma_start3A_232, %dma_start3A_233] : memref<10000x64xf32, #tpu.memory_space<vmem_shared>> -> memref<10000x64xf32, #tpu.memory_space<vmem_shared>>
      tpu.enqueue_indirect_dma source(%dma_start3A_234 : memref<10000x64xf32, #tpu.memory_space<vmem_shared>>) target(%arg12 : memref<128x64xf32, #tpu.memory_space<vmem>>) offsets(%dma_start3A_231 : memref<128xi32, #tpu.memory_space<vmem>>) semaphore(%arg14 : memref<!tpu.dma_semaphore, #tpu.memory_space<semaphore_mem>>)
      %dma_start3A_235 = arith.constant 1 : i32
      %dma_start3A_236 = arith.constant 0 : i32
      %dma_start3A_237 = tpu.memref_slice %arg8[%dma_start3A_235, %dma_start3A_236] : memref<32x128xi32, #tpu.memory_space<vmem>> -> memref<1x128xi32, #tpu.memory_space<vmem>>
      %dma_start3A_238 = tpu.memref_squeeze %dma_start3A_237 : memref<1x128xi32, #tpu.memory_space<vmem>> -> memref<128xi32, #tpu.memory_space<vmem>>
      %dma_start3A_239 = arith.constant 0 : i32
      %dma_start3A_240 = arith.constant 0 : i32
      %dma_start3A_241 = tpu.memref_slice %arg6[%dma_start3A_239, %dma_start3A_240] : memref<10000x64xf32, #tpu.memory_space<vmem_shared>> -> memref<10000x64xf32, #tpu.memory_space<vmem_shared>>
      tpu.enqueue_indirect_dma source(%dma_start3A_241 : memref<10000x64xf32, #tpu.memory_space<vmem_shared>>) target(%arg13 : memref<128x64xf32, #tpu.memory_space<vmem>>) offsets(%dma_start3A_238 : memref<128xi32, #tpu.memory_space<vmem>>) semaphore(%arg15 : memref<!tpu.dma_semaphore, #tpu.memory_space<semaphore_mem>>)
      %scan3A_242 = arith.constant 0 : i32
      %scan3A_243 = arith.constant 0 : i32
      %scan3A_244 = arith.constant 15 : i32
      %scan3A_245 = arith.addi %scan3A_243, %scan3A_244 : i32
      %scan3A_246 = arith.constant 1 : i32
      scf.for %scan3A_326 = %scan3A_243 to %scan3A_245 step %scan3A_246  : i32 {
        %mul3A_327 = arith.constant 2 : i32
        %mul3A_328 = arith.muli %scan3A_326, %mul3A_327 : i32
        %add3A_329 = arith.constant 0 : i32
        %add3A_330 = arith.addi %mul3A_328, %add3A_329 : i32
        %dma_wait3A_331 = arith.constant 0 : i32
        %dma_wait3A_332 = tpu.memref_slice %arg8[%add3A_330, %dma_wait3A_331] : memref<32x128xi32, #tpu.memory_space<vmem>> -> memref<1x128xi32, #tpu.memory_space<vmem>>
        %dma_wait3A_333 = tpu.memref_squeeze %dma_wait3A_332 : memref<1x128xi32, #tpu.memory_space<vmem>> -> memref<128xi32, #tpu.memory_space<vmem>>
        %dma_wait3A_334 = arith.constant 0 : i32
        %dma_wait3A_335 = arith.constant 0 : i32
        %dma_wait3A_336 = tpu.memref_slice %arg6[%dma_wait3A_334, %dma_wait3A_335] : memref<10000x64xf32, #tpu.memory_space<vmem_shared>> -> memref<10000x64xf32, #tpu.memory_space<vmem_shared>>
        tpu.wait_indirect_dma semaphore(%arg14 : memref<!tpu.dma_semaphore, #tpu.memory_space<semaphore_mem>>) src(%dma_wait3A_336 : memref<10000x64xf32, #tpu.memory_space<vmem_shared>>) dst(%arg12 : memref<128x64xf32, #tpu.memory_space<vmem>>)
        "tpu.region"() ({
          %run_scoped3A_361 = tpu.sem_alloc : memref<!tpu.dma_semaphore, #tpu.memory_space<semaphore_mem>>
          %dma_start3A_362 = arith.constant 0 : i32
          %dma_start3A_363 = tpu.memref_slice %arg9[%add3A_330, %dma_start3A_362] : memref<32x128xi32, #tpu.memory_space<vmem>> -> memref<1x128xi32, #tpu.memory_space<vmem>>
          %dma_start3A_364 = tpu.memref_squeeze %dma_start3A_363 : memref<1x128xi32, #tpu.memory_space<vmem>> -> memref<128xi32, #tpu.memory_space<vmem>>
          %dma_start3A_365 = arith.constant 0 : i32
          %dma_start3A_366 = arith.constant 0 : i32
          %dma_start3A_367 = tpu.memref_slice %arg7[%dma_start3A_365, %dma_start3A_366] : memref<10112x64xf32, #tpu.memory_space<vmem_shared>> -> memref<10112x64xf32, #tpu.memory_space<vmem_shared>>
          tpu.enqueue_indirect_dma source(%arg12 : memref<128x64xf32, #tpu.memory_space<vmem>>) target(%dma_start3A_367 : memref<10112x64xf32, #tpu.memory_space<vmem_shared>>) offsets(%dma_start3A_364 : memref<128xi32, #tpu.memory_space<vmem>>) semaphore(%run_scoped3A_361 : memref<!tpu.dma_semaphore, #tpu.memory_space<semaphore_mem>>) {add = true}
          %dma_wait3A_368 = arith.constant 0 : i32
          %dma_wait3A_369 = tpu.memref_slice %arg9[%add3A_330, %dma_wait3A_368] : memref<32x128xi32, #tpu.memory_space<vmem>> -> memref<1x128xi32, #tpu.memory_space<vmem>>
          %dma_wait3A_370 = tpu.memref_squeeze %dma_wait3A_369 : memref<1x128xi32, #tpu.memory_space<vmem>> -> memref<128xi32, #tpu.memory_space<vmem>>
          %dma_wait3A_371 = arith.constant 0 : i32
          %dma_wait3A_372 = arith.constant 0 : i32
          %dma_wait3A_373 = tpu.memref_slice %arg7[%dma_wait3A_371, %dma_wait3A_372] : memref<10112x64xf32, #tpu.memory_space<vmem_shared>> -> memref<10112x64xf32, #tpu.memory_space<vmem_shared>>
          tpu.wait_indirect_dma semaphore(%run_scoped3A_361 : memref<!tpu.dma_semaphore, #tpu.memory_space<semaphore_mem>>) src(%arg12 : memref<128x64xf32, #tpu.memory_space<vmem>>) dst(%dma_wait3A_373 : memref<10112x64xf32, #tpu.memory_space<vmem_shared>>)
          tpu.yield
        }) : () -> ()
        %add3A_337 = arith.constant 2 : i32
        %add3A_338 = arith.addi %add3A_330, %add3A_337 : i32
        %dma_start3A_339 = arith.constant 0 : i32
        %dma_start3A_340 = tpu.memref_slice %arg8[%add3A_338, %dma_start3A_339] : memref<32x128xi32, #tpu.memory_space<vmem>> -> memref<1x128xi32, #tpu.memory_space<vmem>>
        %dma_start3A_341 = tpu.memref_squeeze %dma_start3A_340 : memref<1x128xi32, #tpu.memory_space<vmem>> -> memref<128xi32, #tpu.memory_space<vmem>>
        %dma_start3A_342 = arith.constant 0 : i32
        %dma_start3A_343 = arith.constant 0 : i32
        %dma_start3A_344 = tpu.memref_slice %arg6[%dma_start3A_342, %dma_start3A_343] : memref<10000x64xf32, #tpu.memory_space<vmem_shared>> -> memref<10000x64xf32, #tpu.memory_space<vmem_shared>>
        tpu.enqueue_indirect_dma source(%dma_start3A_344 : memref<10000x64xf32, #tpu.memory_space<vmem_shared>>) target(%arg12 : memref<128x64xf32, #tpu.memory_space<vmem>>) offsets(%dma_start3A_341 : memref<128xi32, #tpu.memory_space<vmem>>) semaphore(%arg14 : memref<!tpu.dma_semaphore, #tpu.memory_space<semaphore_mem>>)
        %add3A_345 = arith.constant 1 : i32
        %add3A_346 = arith.addi %mul3A_328, %add3A_345 : i32
        %dma_wait3A_347 = arith.constant 0 : i32
        %dma_wait3A_348 = tpu.memref_slice %arg8[%add3A_346, %dma_wait3A_347] : memref<32x128xi32, #tpu.memory_space<vmem>> -> memref<1x128xi32, #tpu.memory_space<vmem>>
        %dma_wait3A_349 = tpu.memref_squeeze %dma_wait3A_348 : memref<1x128xi32, #tpu.memory_space<vmem>> -> memref<128xi32, #tpu.memory_space<vmem>>
        %dma_wait3A_350 = arith.constant 0 : i32
        %dma_wait3A_351 = arith.constant 0 : i32
        %dma_wait3A_352 = tpu.memref_slice %arg6[%dma_wait3A_350, %dma_wait3A_351] : memref<10000x64xf32, #tpu.memory_space<vmem_shared>> -> memref<10000x64xf32, #tpu.memory_space<vmem_shared>>
        tpu.wait_indirect_dma semaphore(%arg15 : memref<!tpu.dma_semaphore, #tpu.memory_space<semaphore_mem>>) src(%dma_wait3A_352 : memref<10000x64xf32, #tpu.memory_space<vmem_shared>>) dst(%arg13 : memref<128x64xf32, #tpu.memory_space<vmem>>)
        "tpu.region"() ({
          %run_scoped3A_361 = tpu.sem_alloc : memref<!tpu.dma_semaphore, #tpu.memory_space<semaphore_mem>>
          %dma_start3A_362 = arith.constant 0 : i32
          %dma_start3A_363 = tpu.memref_slice %arg9[%add3A_346, %dma_start3A_362] : memref<32x128xi32, #tpu.memory_space<vmem>> -> memref<1x128xi32, #tpu.memory_space<vmem>>
          %dma_start3A_364 = tpu.memref_squeeze %dma_start3A_363 : memref<1x128xi32, #tpu.memory_space<vmem>> -> memref<128xi32, #tpu.memory_space<vmem>>
          %dma_start3A_365 = arith.constant 0 : i32
          %dma_start3A_366 = arith.constant 0 : i32
          %dma_start3A_367 = tpu.memref_slice %arg7[%dma_start3A_365, %dma_start3A_366] : memref<10112x64xf32, #tpu.memory_space<vmem_shared>> -> memref<10112x64xf32, #tpu.memory_space<vmem_shared>>
          tpu.enqueue_indirect_dma source(%arg13 : memref<128x64xf32, #tpu.memory_space<vmem>>) target(%dma_start3A_367 : memref<10112x64xf32, #tpu.memory_space<vmem_shared>>) offsets(%dma_start3A_364 : memref<128xi32, #tpu.memory_space<vmem>>) semaphore(%run_scoped3A_361 : memref<!tpu.dma_semaphore, #tpu.memory_space<semaphore_mem>>) {add = true}
          %dma_wait3A_368 = arith.constant 0 : i32
          %dma_wait3A_369 = tpu.memref_slice %arg9[%add3A_346, %dma_wait3A_368] : memref<32x128xi32, #tpu.memory_space<vmem>> -> memref<1x128xi32, #tpu.memory_space<vmem>>
          %dma_wait3A_370 = tpu.memref_squeeze %dma_wait3A_369 : memref<1x128xi32, #tpu.memory_space<vmem>> -> memref<128xi32, #tpu.memory_space<vmem>>
          %dma_wait3A_371 = arith.constant 0 : i32
          %dma_wait3A_372 = arith.constant 0 : i32
          %dma_wait3A_373 = tpu.memref_slice %arg7[%dma_wait3A_371, %dma_wait3A_372] : memref<10112x64xf32, #tpu.memory_space<vmem_shared>> -> memref<10112x64xf32, #tpu.memory_space<vmem_shared>>
          tpu.wait_indirect_dma semaphore(%run_scoped3A_361 : memref<!tpu.dma_semaphore, #tpu.memory_space<semaphore_mem>>) src(%arg13 : memref<128x64xf32, #tpu.memory_space<vmem>>) dst(%dma_wait3A_373 : memref<10112x64xf32, #tpu.memory_space<vmem_shared>>)
          tpu.yield
        }) : () -> ()
        %add3A_353 = arith.constant 2 : i32
        %add3A_354 = arith.addi %add3A_346, %add3A_353 : i32
        %dma_start3A_355 = arith.constant 0 : i32
        %dma_start3A_356 = tpu.memref_slice %arg8[%add3A_354, %dma_start3A_355] : memref<32x128xi32, #tpu.memory_space<vmem>> -> memref<1x128xi32, #tpu.memory_space<vmem>>
        %dma_start3A_357 = tpu.memref_squeeze %dma_start3A_356 : memref<1x128xi32, #tpu.memory_space<vmem>> -> memref<128xi32, #tpu.memory_space<vmem>>
        %dma_start3A_358 = arith.constant 0 : i32
        %dma_start3A_359 = arith.constant 0 : i32
        %dma_start3A_360 = tpu.memref_slice %arg6[%dma_start3A_358, %dma_start3A_359] : memref<10000x64xf32, #tpu.memory_space<vmem_shared>> -> memref<10000x64xf32, #tpu.memory_space<vmem_shared>>
        tpu.enqueue_indirect_dma source(%dma_start3A_360 : memref<10000x64xf32, #tpu.memory_space<vmem_shared>>) target(%arg13 : memref<128x64xf32, #tpu.memory_space<vmem>>) offsets(%dma_start3A_357 : memref<128xi32, #tpu.memory_space<vmem>>) semaphore(%arg15 : memref<!tpu.dma_semaphore, #tpu.memory_space<semaphore_mem>>)
      }
      %scan3A_247 = arith.constant 15 : i32
      %dma_wait3A_248 = arith.constant 30 : i32
      %dma_wait3A_249 = arith.constant 0 : i32
      %dma_wait3A_250 = tpu.memref_slice %arg8[%dma_wait3A_248, %dma_wait3A_249] : memref<32x128xi32, #tpu.memory_space<vmem>> -> memref<1x128xi32, #tpu.memory_space<vmem>>
      %dma_wait3A_251 = tpu.memref_squeeze %dma_wait3A_250 : memref<1x128xi32, #tpu.memory_space<vmem>> -> memref<128xi32, #tpu.memory_space<vmem>>
      %dma_wait3A_252 = arith.constant 0 : i32
      %dma_wait3A_253 = arith.constant 0 : i32
      %dma_wait3A_254 = tpu.memref_slice %arg6[%dma_wait3A_252, %dma_wait3A_253] : memref<10000x64xf32, #tpu.memory_space<vmem_shared>> -> memref<10000x64xf32, #tpu.memory_space<vmem_shared>>
      tpu.wait_indirect_dma semaphore(%arg14 : memref<!tpu.dma_semaphore, #tpu.memory_space<semaphore_mem>>) src(%dma_wait3A_254 : memref<10000x64xf32, #tpu.memory_space<vmem_shared>>) dst(%arg12 : memref<128x64xf32, #tpu.memory_space<vmem>>)
      %run_scoped3A_255 = arith.constant 30 : i32
      "tpu.region"() ({
        %run_scoped3A_326 = tpu.sem_alloc : memref<!tpu.dma_semaphore, #tpu.memory_space<semaphore_mem>>
        %dma_start3A_327 = arith.constant 0 : i32
        %dma_start3A_328 = tpu.memref_slice %arg9[%run_scoped3A_255, %dma_start3A_327] : memref<32x128xi32, #tpu.memory_space<vmem>> -> memref<1x128xi32, #tpu.memory_space<vmem>>
        %dma_start3A_329 = tpu.memref_squeeze %dma_start3A_328 : memref<1x128xi32, #tpu.memory_space<vmem>> -> memref<128xi32, #tpu.memory_space<vmem>>
        %dma_start3A_330 = arith.constant 0 : i32
        %dma_start3A_331 = arith.constant 0 : i32
        %dma_start3A_332 = tpu.memref_slice %arg7[%dma_start3A_330, %dma_start3A_331] : memref<10112x64xf32, #tpu.memory_space<vmem_shared>> -> memref<10112x64xf32, #tpu.memory_space<vmem_shared>>
        tpu.enqueue_indirect_dma source(%arg12 : memref<128x64xf32, #tpu.memory_space<vmem>>) target(%dma_start3A_332 : memref<10112x64xf32, #tpu.memory_space<vmem_shared>>) offsets(%dma_start3A_329 : memref<128xi32, #tpu.memory_space<vmem>>) semaphore(%run_scoped3A_326 : memref<!tpu.dma_semaphore, #tpu.memory_space<semaphore_mem>>) {add = true}
        %dma_wait3A_333 = arith.constant 0 : i32
        %dma_wait3A_334 = tpu.memref_slice %arg9[%run_scoped3A_255, %dma_wait3A_333] : memref<32x128xi32, #tpu.memory_space<vmem>> -> memref<1x128xi32, #tpu.memory_space<vmem>>
        %dma_wait3A_335 = tpu.memref_squeeze %dma_wait3A_334 : memref<1x128xi32, #tpu.memory_space<vmem>> -> memref<128xi32, #tpu.memory_space<vmem>>
        %dma_wait3A_336 = arith.constant 0 : i32
        %dma_wait3A_337 = arith.constant 0 : i32
        %dma_wait3A_338 = tpu.memref_slice %arg7[%dma_wait3A_336, %dma_wait3A_337] : memref<10112x64xf32, #tpu.memory_space<vmem_shared>> -> memref<10112x64xf32, #tpu.memory_space<vmem_shared>>
        tpu.wait_indirect_dma semaphore(%run_scoped3A_326 : memref<!tpu.dma_semaphore, #tpu.memory_space<semaphore_mem>>) src(%arg12 : memref<128x64xf32, #tpu.memory_space<vmem>>) dst(%dma_wait3A_338 : memref<10112x64xf32, #tpu.memory_space<vmem_shared>>)
        tpu.yield
      }) : () -> ()
      %dma_wait3A_256 = arith.constant 31 : i32
      %dma_wait3A_257 = arith.constant 0 : i32
      %dma_wait3A_258 = tpu.memref_slice %arg8[%dma_wait3A_256, %dma_wait3A_257] : memref<32x128xi32, #tpu.memory_space<vmem>> -> memref<1x128xi32, #tpu.memory_space<vmem>>
      %dma_wait3A_259 = tpu.memref_squeeze %dma_wait3A_258 : memref<1x128xi32, #tpu.memory_space<vmem>> -> memref<128xi32, #tpu.memory_space<vmem>>
      %dma_wait3A_260 = arith.constant 0 : i32
      %dma_wait3A_261 = arith.constant 0 : i32
      %dma_wait3A_262 = tpu.memref_slice %arg6[%dma_wait3A_260, %dma_wait3A_261] : memref<10000x64xf32, #tpu.memory_space<vmem_shared>> -> memref<10000x64xf32, #tpu.memory_space<vmem_shared>>
      tpu.wait_indirect_dma semaphore(%arg15 : memref<!tpu.dma_semaphore, #tpu.memory_space<semaphore_mem>>) src(%dma_wait3A_262 : memref<10000x64xf32, #tpu.memory_space<vmem_shared>>) dst(%arg13 : memref<128x64xf32, #tpu.memory_space<vmem>>)
      %run_scoped3A_263 = arith.constant 31 : i32
      "tpu.region"() ({
        %run_scoped3A_326 = tpu.sem_alloc : memref<!tpu.dma_semaphore, #tpu.memory_space<semaphore_mem>>
        %dma_start3A_327 = arith.constant 0 : i32
        %dma_start3A_328 = tpu.memref_slice %arg9[%run_scoped3A_263, %dma_start3A_327] : memref<32x128xi32, #tpu.memory_space<vmem>> -> memref<1x128xi32, #tpu.memory_space<vmem>>
        %dma_start3A_329 = tpu.memref_squeeze %dma_start3A_328 : memref<1x128xi32, #tpu.memory_space<vmem>> -> memref<128xi32, #tpu.memory_space<vmem>>
        %dma_start3A_330 = arith.constant 0 : i32
        %dma_start3A_331 = arith.constant 0 : i32
        %dma_start3A_332 = tpu.memref_slice %arg7[%dma_start3A_330, %dma_start3A_331] : memref<10112x64xf32, #tpu.memory_space<vmem_shared>> -> memref<10112x64xf32, #tpu.memory_space<vmem_shared>>
        tpu.enqueue_indirect_dma source(%arg13 : memref<128x64xf32, #tpu.memory_space<vmem>>) target(%dma_start3A_332 : memref<10112x64xf32, #tpu.memory_space<vmem_shared>>) offsets(%dma_start3A_329 : memref<128xi32, #tpu.memory_space<vmem>>) semaphore(%run_scoped3A_326 : memref<!tpu.dma_semaphore, #tpu.memory_space<semaphore_mem>>) {add = true}
        %dma_wait3A_333 = arith.constant 0 : i32
        %dma_wait3A_334 = tpu.memref_slice %arg9[%run_scoped3A_263, %dma_wait3A_333] : memref<32x128xi32, #tpu.memory_space<vmem>> -> memref<1x128xi32, #tpu.memory_space<vmem>>
        %dma_wait3A_335 = tpu.memref_squeeze %dma_wait3A_334 : memref<1x128xi32, #tpu.memory_space<vmem>> -> memref<128xi32, #tpu.memory_space<vmem>>
        %dma_wait3A_336 = arith.constant 0 : i32
        %dma_wait3A_337 = arith.constant 0 : i32
        %dma_wait3A_338 = tpu.memref_slice %arg7[%dma_wait3A_336, %dma_wait3A_337] : memref<10112x64xf32, #tpu.memory_space<vmem_shared>> -> memref<10112x64xf32, #tpu.memory_space<vmem_shared>>
        tpu.wait_indirect_dma semaphore(%run_scoped3A_326 : memref<!tpu.dma_semaphore, #tpu.memory_space<semaphore_mem>>) src(%arg13 : memref<128x64xf32, #tpu.memory_space<vmem>>) dst(%dma_wait3A_338 : memref<10112x64xf32, #tpu.memory_space<vmem_shared>>)
        tpu.yield
      }) : () -> ()
      %dma_wait3A_264 = arith.constant 0 : i32
      %dma_wait3A_265 = arith.constant 0 : i32
      %dma_wait3A_266 = arith.constant 0 : i32
      %dma_wait3A_267 = tpu.memref_slice %arg10[%dma_wait3A_265, %dma_wait3A_266] : memref<32x128xi32, #tpu.memory_space<vmem>> -> memref<8x128xi32, #tpu.memory_space<vmem>>
      %dma_wait3A_268 = arith.constant 0 : i32
      %dma_wait3A_269 = tpu.memref_slice %arg3[%dma_wait3A_264, %add3A_28, %dma_wait3A_268] : memref<2x2504x128xi32, #tpu.memory_space<hbm>> -> memref<1x8x128xi32, #tpu.memory_space<hbm>>
      %dma_wait3A_270 = tpu.memref_squeeze %dma_wait3A_269 : memref<1x8x128xi32, #tpu.memory_space<hbm>> -> memref<8x128xi32, #tpu.memory_space<hbm>>
      %dma_wait3A_271 = arith.constant 0 : i32
      %dma_wait3A_272 = arith.constant 0 : i32
      %dma_wait3A_273 = tpu.memref_slice %arg10[%dma_wait3A_271, %dma_wait3A_272] : memref<32x128xi32, #tpu.memory_space<vmem>> -> memref<8x128xi32, #tpu.memory_space<vmem>>
      %dma_wait3A_274 = arith.constant 0 : i32
      %dma_wait3A_275 = tpu.memref_slice %arg3[%dma_wait3A_264, %add3A_28, %dma_wait3A_274] : memref<2x2504x128xi32, #tpu.memory_space<hbm>> -> memref<1x8x128xi32, #tpu.memory_space<hbm>>
      %dma_wait3A_276 = tpu.memref_squeeze %dma_wait3A_275 : memref<1x8x128xi32, #tpu.memory_space<hbm>> -> memref<8x128xi32, #tpu.memory_space<hbm>>
      tpu.wait_dma2 semaphore(%arg17 : memref<!tpu.dma_semaphore, #tpu.memory_space<semaphore_mem>>) src(%dma_wait3A_276 : memref<8x128xi32, #tpu.memory_space<hbm>>) dst(%dma_wait3A_273 : memref<8x128xi32, #tpu.memory_space<vmem>>)
      %dma_wait3A_277 = arith.constant 1 : i32
      %dma_wait3A_278 = arith.constant 0 : i32
      %dma_wait3A_279 = arith.constant 0 : i32
      %dma_wait3A_280 = tpu.memref_slice %arg11[%dma_wait3A_278, %dma_wait3A_279] : memref<32x128xi32, #tpu.memory_space<vmem>> -> memref<8x128xi32, #tpu.memory_space<vmem>>
      %dma_wait3A_281 = arith.constant 0 : i32
      %dma_wait3A_282 = tpu.memref_slice %arg3[%dma_wait3A_277, %add3A_28, %dma_wait3A_281] : memref<2x2504x128xi32, #tpu.memory_space<hbm>> -> memref<1x8x128xi32, #tpu.memory_space<hbm>>
      %dma_wait3A_283 = tpu.memref_squeeze %dma_wait3A_282 : memref<1x8x128xi32, #tpu.memory_space<hbm>> -> memref<8x128xi32, #tpu.memory_space<hbm>>
      %dma_wait3A_284 = arith.constant 0 : i32
      %dma_wait3A_285 = arith.constant 0 : i32
      %dma_wait3A_286 = tpu.memref_slice %arg11[%dma_wait3A_284, %dma_wait3A_285] : memref<32x128xi32, #tpu.memory_space<vmem>> -> memref<8x128xi32, #tpu.memory_space<vmem>>
      %dma_wait3A_287 = arith.constant 0 : i32
      %dma_wait3A_288 = tpu.memref_slice %arg3[%dma_wait3A_277, %add3A_28, %dma_wait3A_287] : memref<2x2504x128xi32, #tpu.memory_space<hbm>> -> memref<1x8x128xi32, #tpu.memory_space<hbm>>
      %dma_wait3A_289 = tpu.memref_squeeze %dma_wait3A_288 : memref<1x8x128xi32, #tpu.memory_space<hbm>> -> memref<8x128xi32, #tpu.memory_space<hbm>>
      tpu.wait_dma2 semaphore(%arg17 : memref<!tpu.dma_semaphore, #tpu.memory_space<semaphore_mem>>) src(%dma_wait3A_289 : memref<8x128xi32, #tpu.memory_space<hbm>>) dst(%dma_wait3A_286 : memref<8x128xi32, #tpu.memory_space<vmem>>)
      %dma_start3A_290 = arith.constant 0 : i32
      %dma_start3A_291 = arith.constant 0 : i32
      %dma_start3A_292 = tpu.memref_slice %arg10[%dma_start3A_290, %dma_start3A_291] : memref<32x128xi32, #tpu.memory_space<vmem>> -> memref<1x128xi32, #tpu.memory_space<vmem>>
      %dma_start3A_293 = tpu.memref_squeeze %dma_start3A_292 : memref<1x128xi32, #tpu.memory_space<vmem>> -> memref<128xi32, #tpu.memory_space<vmem>>
      %dma_start3A_294 = arith.constant 0 : i32
      %dma_start3A_295 = arith.constant 0 : i32
      %dma_start3A_296 = tpu.memref_slice %arg6[%dma_start3A_294, %dma_start3A_295] : memref<10000x64xf32, #tpu.memory_space<vmem_shared>> -> memref<10000x64xf32, #tpu.memory_space<vmem_shared>>
      tpu.enqueue_indirect_dma source(%dma_start3A_296 : memref<10000x64xf32, #tpu.memory_space<vmem_shared>>) target(%arg12 : memref<128x64xf32, #tpu.memory_space<vmem>>) offsets(%dma_start3A_293 : memref<128xi32, #tpu.memory_space<vmem>>) semaphore(%arg14 : memref<!tpu.dma_semaphore, #tpu.memory_space<semaphore_mem>>)
      %dma_start3A_297 = arith.constant 1 : i32
      %dma_start3A_298 = arith.constant 0 : i32
      %dma_start3A_299 = tpu.memref_slice %arg10[%dma_start3A_297, %dma_start3A_298] : memref<32x128xi32, #tpu.memory_space<vmem>> -> memref<1x128xi32, #tpu.memory_space<vmem>>
      %dma_start3A_300 = tpu.memref_squeeze %dma_start3A_299 : memref<1x128xi32, #tpu.memory_space<vmem>> -> memref<128xi32, #tpu.memory_space<vmem>>
      %dma_start3A_301 = arith.constant 0 : i32
      %dma_start3A_302 = arith.constant 0 : i32
      %dma_start3A_303 = tpu.memref_slice %arg6[%dma_start3A_301, %dma_start3A_302] : memref<10000x64xf32, #tpu.memory_space<vmem_shared>> -> memref<10000x64xf32, #tpu.memory_space<vmem_shared>>
      tpu.enqueue_indirect_dma source(%dma_start3A_303 : memref<10000x64xf32, #tpu.memory_space<vmem_shared>>) target(%arg13 : memref<128x64xf32, #tpu.memory_space<vmem>>) offsets(%dma_start3A_300 : memref<128xi32, #tpu.memory_space<vmem>>) semaphore(%arg15 : memref<!tpu.dma_semaphore, #tpu.memory_space<semaphore_mem>>)
      %scan3A_304 = arith.constant 0 : i32
      %scan3A_305 = arith.constant 0 : i32
      %scan3A_306 = arith.constant 3 : i32
      %scan3A_307 = arith.addi %scan3A_305, %scan3A_306 : i32
      %scan3A_308 = arith.constant 1 : i32
      scf.for %scan3A_326 = %scan3A_305 to %scan3A_307 step %scan3A_308  : i32 {
        %mul3A_327 = arith.constant 2 : i32
        %mul3A_328 = arith.muli %scan3A_326, %mul3A_327 : i32
        %add3A_329 = arith.constant 0 : i32
        %add3A_330 = arith.addi %mul3A_328, %add3A_329 : i32
        %dma_wait3A_331 = arith.constant 0 : i32
        %dma_wait3A_332 = tpu.memref_slice %arg10[%add3A_330, %dma_wait3A_331] : memref<32x128xi32, #tpu.memory_space<vmem>> -> memref<1x128xi32, #tpu.memory_space<vmem>>
        %dma_wait3A_333 = tpu.memref_squeeze %dma_wait3A_332 : memref<1x128xi32, #tpu.memory_space<vmem>> -> memref<128xi32, #tpu.memory_space<vmem>>
        %dma_wait3A_334 = arith.constant 0 : i32
        %dma_wait3A_335 = arith.constant 0 : i32
        %dma_wait3A_336 = tpu.memref_slice %arg6[%dma_wait3A_334, %dma_wait3A_335] : memref<10000x64xf32, #tpu.memory_space<vmem_shared>> -> memref<10000x64xf32, #tpu.memory_space<vmem_shared>>
        tpu.wait_indirect_dma semaphore(%arg14 : memref<!tpu.dma_semaphore, #tpu.memory_space<semaphore_mem>>) src(%dma_wait3A_336 : memref<10000x64xf32, #tpu.memory_space<vmem_shared>>) dst(%arg12 : memref<128x64xf32, #tpu.memory_space<vmem>>)
        "tpu.region"() ({
          %run_scoped3A_361 = tpu.sem_alloc : memref<!tpu.dma_semaphore, #tpu.memory_space<semaphore_mem>>
          %dma_start3A_362 = arith.constant 0 : i32
          %dma_start3A_363 = tpu.memref_slice %arg11[%add3A_330, %dma_start3A_362] : memref<32x128xi32, #tpu.memory_space<vmem>> -> memref<1x128xi32, #tpu.memory_space<vmem>>
          %dma_start3A_364 = tpu.memref_squeeze %dma_start3A_363 : memref<1x128xi32, #tpu.memory_space<vmem>> -> memref<128xi32, #tpu.memory_space<vmem>>
          %dma_start3A_365 = arith.constant 0 : i32
          %dma_start3A_366 = arith.constant 0 : i32
          %dma_start3A_367 = tpu.memref_slice %arg7[%dma_start3A_365, %dma_start3A_366] : memref<10112x64xf32, #tpu.memory_space<vmem_shared>> -> memref<10112x64xf32, #tpu.memory_space<vmem_shared>>
          tpu.enqueue_indirect_dma source(%arg12 : memref<128x64xf32, #tpu.memory_space<vmem>>) target(%dma_start3A_367 : memref<10112x64xf32, #tpu.memory_space<vmem_shared>>) offsets(%dma_start3A_364 : memref<128xi32, #tpu.memory_space<vmem>>) semaphore(%run_scoped3A_361 : memref<!tpu.dma_semaphore, #tpu.memory_space<semaphore_mem>>) {add = true}
          %dma_wait3A_368 = arith.constant 0 : i32
          %dma_wait3A_369 = tpu.memref_slice %arg11[%add3A_330, %dma_wait3A_368] : memref<32x128xi32, #tpu.memory_space<vmem>> -> memref<1x128xi32, #tpu.memory_space<vmem>>
          %dma_wait3A_370 = tpu.memref_squeeze %dma_wait3A_369 : memref<1x128xi32, #tpu.memory_space<vmem>> -> memref<128xi32, #tpu.memory_space<vmem>>
          %dma_wait3A_371 = arith.constant 0 : i32
          %dma_wait3A_372 = arith.constant 0 : i32
          %dma_wait3A_373 = tpu.memref_slice %arg7[%dma_wait3A_371, %dma_wait3A_372] : memref<10112x64xf32, #tpu.memory_space<vmem_shared>> -> memref<10112x64xf32, #tpu.memory_space<vmem_shared>>
          tpu.wait_indirect_dma semaphore(%run_scoped3A_361 : memref<!tpu.dma_semaphore, #tpu.memory_space<semaphore_mem>>) src(%arg12 : memref<128x64xf32, #tpu.memory_space<vmem>>) dst(%dma_wait3A_373 : memref<10112x64xf32, #tpu.memory_space<vmem_shared>>)
          tpu.yield
        }) : () -> ()
        %add3A_337 = arith.constant 2 : i32
        %add3A_338 = arith.addi %add3A_330, %add3A_337 : i32
        %dma_start3A_339 = arith.constant 0 : i32
        %dma_start3A_340 = tpu.memref_slice %arg10[%add3A_338, %dma_start3A_339] : memref<32x128xi32, #tpu.memory_space<vmem>> -> memref<1x128xi32, #tpu.memory_space<vmem>>
        %dma_start3A_341 = tpu.memref_squeeze %dma_start3A_340 : memref<1x128xi32, #tpu.memory_space<vmem>> -> memref<128xi32, #tpu.memory_space<vmem>>
        %dma_start3A_342 = arith.constant 0 : i32
        %dma_start3A_343 = arith.constant 0 : i32
        %dma_start3A_344 = tpu.memref_slice %arg6[%dma_start3A_342, %dma_start3A_343] : memref<10000x64xf32, #tpu.memory_space<vmem_shared>> -> memref<10000x64xf32, #tpu.memory_space<vmem_shared>>
        tpu.enqueue_indirect_dma source(%dma_start3A_344 : memref<10000x64xf32, #tpu.memory_space<vmem_shared>>) target(%arg12 : memref<128x64xf32, #tpu.memory_space<vmem>>) offsets(%dma_start3A_341 : memref<128xi32, #tpu.memory_space<vmem>>) semaphore(%arg14 : memref<!tpu.dma_semaphore, #tpu.memory_space<semaphore_mem>>)
        %add3A_345 = arith.constant 1 : i32
        %add3A_346 = arith.addi %mul3A_328, %add3A_345 : i32
        %dma_wait3A_347 = arith.constant 0 : i32
        %dma_wait3A_348 = tpu.memref_slice %arg10[%add3A_346, %dma_wait3A_347] : memref<32x128xi32, #tpu.memory_space<vmem>> -> memref<1x128xi32, #tpu.memory_space<vmem>>
        %dma_wait3A_349 = tpu.memref_squeeze %dma_wait3A_348 : memref<1x128xi32, #tpu.memory_space<vmem>> -> memref<128xi32, #tpu.memory_space<vmem>>
        %dma_wait3A_350 = arith.constant 0 : i32
        %dma_wait3A_351 = arith.constant 0 : i32
        %dma_wait3A_352 = tpu.memref_slice %arg6[%dma_wait3A_350, %dma_wait3A_351] : memref<10000x64xf32, #tpu.memory_space<vmem_shared>> -> memref<10000x64xf32, #tpu.memory_space<vmem_shared>>
        tpu.wait_indirect_dma semaphore(%arg15 : memref<!tpu.dma_semaphore, #tpu.memory_space<semaphore_mem>>) src(%dma_wait3A_352 : memref<10000x64xf32, #tpu.memory_space<vmem_shared>>) dst(%arg13 : memref<128x64xf32, #tpu.memory_space<vmem>>)
        "tpu.region"() ({
          %run_scoped3A_361 = tpu.sem_alloc : memref<!tpu.dma_semaphore, #tpu.memory_space<semaphore_mem>>
          %dma_start3A_362 = arith.constant 0 : i32
          %dma_start3A_363 = tpu.memref_slice %arg11[%add3A_346, %dma_start3A_362] : memref<32x128xi32, #tpu.memory_space<vmem>> -> memref<1x128xi32, #tpu.memory_space<vmem>>
          %dma_start3A_364 = tpu.memref_squeeze %dma_start3A_363 : memref<1x128xi32, #tpu.memory_space<vmem>> -> memref<128xi32, #tpu.memory_space<vmem>>
          %dma_start3A_365 = arith.constant 0 : i32
          %dma_start3A_366 = arith.constant 0 : i32
          %dma_start3A_367 = tpu.memref_slice %arg7[%dma_start3A_365, %dma_start3A_366] : memref<10112x64xf32, #tpu.memory_space<vmem_shared>> -> memref<10112x64xf32, #tpu.memory_space<vmem_shared>>
          tpu.enqueue_indirect_dma source(%arg13 : memref<128x64xf32, #tpu.memory_space<vmem>>) target(%dma_start3A_367 : memref<10112x64xf32, #tpu.memory_space<vmem_shared>>) offsets(%dma_start3A_364 : memref<128xi32, #tpu.memory_space<vmem>>) semaphore(%run_scoped3A_361 : memref<!tpu.dma_semaphore, #tpu.memory_space<semaphore_mem>>) {add = true}
          %dma_wait3A_368 = arith.constant 0 : i32
          %dma_wait3A_369 = tpu.memref_slice %arg11[%add3A_346, %dma_wait3A_368] : memref<32x128xi32, #tpu.memory_space<vmem>> -> memref<1x128xi32, #tpu.memory_space<vmem>>
          %dma_wait3A_370 = tpu.memref_squeeze %dma_wait3A_369 : memref<1x128xi32, #tpu.memory_space<vmem>> -> memref<128xi32, #tpu.memory_space<vmem>>
          %dma_wait3A_371 = arith.constant 0 : i32
          %dma_wait3A_372 = arith.constant 0 : i32
          %dma_wait3A_373 = tpu.memref_slice %arg7[%dma_wait3A_371, %dma_wait3A_372] : memref<10112x64xf32, #tpu.memory_space<vmem_shared>> -> memref<10112x64xf32, #tpu.memory_space<vmem_shared>>
          tpu.wait_indirect_dma semaphore(%run_scoped3A_361 : memref<!tpu.dma_semaphore, #tpu.memory_space<semaphore_mem>>) src(%arg13 : memref<128x64xf32, #tpu.memory_space<vmem>>) dst(%dma_wait3A_373 : memref<10112x64xf32, #tpu.memory_space<vmem_shared>>)
          tpu.yield
        }) : () -> ()
        %add3A_353 = arith.constant 2 : i32
        %add3A_354 = arith.addi %add3A_346, %add3A_353 : i32
        %dma_start3A_355 = arith.constant 0 : i32
        %dma_start3A_356 = tpu.memref_slice %arg10[%add3A_354, %dma_start3A_355] : memref<32x128xi32, #tpu.memory_space<vmem>> -> memref<1x128xi32, #tpu.memory_space<vmem>>
        %dma_start3A_357 = tpu.memref_squeeze %dma_start3A_356 : memref<1x128xi32, #tpu.memory_space<vmem>> -> memref<128xi32, #tpu.memory_space<vmem>>
        %dma_start3A_358 = arith.constant 0 : i32
        %dma_start3A_359 = arith.constant 0 : i32
        %dma_start3A_360 = tpu.memref_slice %arg6[%dma_start3A_358, %dma_start3A_359] : memref<10000x64xf32, #tpu.memory_space<vmem_shared>> -> memref<10000x64xf32, #tpu.memory_space<vmem_shared>>
        tpu.enqueue_indirect_dma source(%dma_start3A_360 : memref<10000x64xf32, #tpu.memory_space<vmem_shared>>) target(%arg13 : memref<128x64xf32, #tpu.memory_space<vmem>>) offsets(%dma_start3A_357 : memref<128xi32, #tpu.memory_space<vmem>>) semaphore(%arg15 : memref<!tpu.dma_semaphore, #tpu.memory_space<semaphore_mem>>)
      }
      %scan3A_309 = arith.constant 3 : i32
      %dma_wait3A_310 = arith.constant 6 : i32
      %dma_wait3A_311 = arith.constant 0 : i32
      %dma_wait3A_312 = tpu.memref_slice %arg10[%dma_wait3A_310, %dma_wait3A_311] : memref<32x128xi32, #tpu.memory_space<vmem>> -> memref<1x128xi32, #tpu.memory_space<vmem>>
      %dma_wait3A_313 = tpu.memref_squeeze %dma_wait3A_312 : memref<1x128xi32, #tpu.memory_space<vmem>> -> memref<128xi32, #tpu.memory_space<vmem>>
      %dma_wait3A_314 = arith.constant 0 : i32
      %dma_wait3A_315 = arith.constant 0 : i32
      %dma_wait3A_316 = tpu.memref_slice %arg6[%dma_wait3A_314, %dma_wait3A_315] : memref<10000x64xf32, #tpu.memory_space<vmem_shared>> -> memref<10000x64xf32, #tpu.memory_space<vmem_shared>>
      tpu.wait_indirect_dma semaphore(%arg14 : memref<!tpu.dma_semaphore, #tpu.memory_space<semaphore_mem>>) src(%dma_wait3A_316 : memref<10000x64xf32, #tpu.memory_space<vmem_shared>>) dst(%arg12 : memref<128x64xf32, #tpu.memory_space<vmem>>)
      %run_scoped3A_317 = arith.constant 6 : i32
      "tpu.region"() ({
        %run_scoped3A_326 = tpu.sem_alloc : memref<!tpu.dma_semaphore, #tpu.memory_space<semaphore_mem>>
        %dma_start3A_327 = arith.constant 0 : i32
        %dma_start3A_328 = tpu.memref_slice %arg11[%run_scoped3A_317, %dma_start3A_327] : memref<32x128xi32, #tpu.memory_space<vmem>> -> memref<1x128xi32, #tpu.memory_space<vmem>>
        %dma_start3A_329 = tpu.memref_squeeze %dma_start3A_328 : memref<1x128xi32, #tpu.memory_space<vmem>> -> memref<128xi32, #tpu.memory_space<vmem>>
        %dma_start3A_330 = arith.constant 0 : i32
        %dma_start3A_331 = arith.constant 0 : i32
        %dma_start3A_332 = tpu.memref_slice %arg7[%dma_start3A_330, %dma_start3A_331] : memref<10112x64xf32, #tpu.memory_space<vmem_shared>> -> memref<10112x64xf32, #tpu.memory_space<vmem_shared>>
        tpu.enqueue_indirect_dma source(%arg12 : memref<128x64xf32, #tpu.memory_space<vmem>>) target(%dma_start3A_332 : memref<10112x64xf32, #tpu.memory_space<vmem_shared>>) offsets(%dma_start3A_329 : memref<128xi32, #tpu.memory_space<vmem>>) semaphore(%run_scoped3A_326 : memref<!tpu.dma_semaphore, #tpu.memory_space<semaphore_mem>>) {add = true}
        %dma_wait3A_333 = arith.constant 0 : i32
        %dma_wait3A_334 = tpu.memref_slice %arg11[%run_scoped3A_317, %dma_wait3A_333] : memref<32x128xi32, #tpu.memory_space<vmem>> -> memref<1x128xi32, #tpu.memory_space<vmem>>
        %dma_wait3A_335 = tpu.memref_squeeze %dma_wait3A_334 : memref<1x128xi32, #tpu.memory_space<vmem>> -> memref<128xi32, #tpu.memory_space<vmem>>
        %dma_wait3A_336 = arith.constant 0 : i32
        %dma_wait3A_337 = arith.constant 0 : i32
        %dma_wait3A_338 = tpu.memref_slice %arg7[%dma_wait3A_336, %dma_wait3A_337] : memref<10112x64xf32, #tpu.memory_space<vmem_shared>> -> memref<10112x64xf32, #tpu.memory_space<vmem_shared>>
        tpu.wait_indirect_dma semaphore(%run_scoped3A_326 : memref<!tpu.dma_semaphore, #tpu.memory_space<semaphore_mem>>) src(%arg12 : memref<128x64xf32, #tpu.memory_space<vmem>>) dst(%dma_wait3A_338 : memref<10112x64xf32, #tpu.memory_space<vmem_shared>>)
        tpu.yield
      }) : () -> ()
      %dma_wait3A_318 = arith.constant 7 : i32
      %dma_wait3A_319 = arith.constant 0 : i32
      %dma_wait3A_320 = tpu.memref_slice %arg10[%dma_wait3A_318, %dma_wait3A_319] : memref<32x128xi32, #tpu.memory_space<vmem>> -> memref<1x128xi32, #tpu.memory_space<vmem>>
      %dma_wait3A_321 = tpu.memref_squeeze %dma_wait3A_320 : memref<1x128xi32, #tpu.memory_space<vmem>> -> memref<128xi32, #tpu.memory_space<vmem>>
      %dma_wait3A_322 = arith.constant 0 : i32
      %dma_wait3A_323 = arith.constant 0 : i32
      %dma_wait3A_324 = tpu.memref_slice %arg6[%dma_wait3A_322, %dma_wait3A_323] : memref<10000x64xf32, #tpu.memory_space<vmem_shared>> -> memref<10000x64xf32, #tpu.memory_space<vmem_shared>>
      tpu.wait_indirect_dma semaphore(%arg15 : memref<!tpu.dma_semaphore, #tpu.memory_space<semaphore_mem>>) src(%dma_wait3A_324 : memref<10000x64xf32, #tpu.memory_space<vmem_shared>>) dst(%arg13 : memref<128x64xf32, #tpu.memory_space<vmem>>)
      %run_scoped3A_325 = arith.constant 7 : i32
      "tpu.region"() ({
        %run_scoped3A_326 = tpu.sem_alloc : memref<!tpu.dma_semaphore, #tpu.memory_space<semaphore_mem>>
        %dma_start3A_327 = arith.constant 0 : i32
        %dma_start3A_328 = tpu.memref_slice %arg11[%run_scoped3A_325, %dma_start3A_327] : memref<32x128xi32, #tpu.memory_space<vmem>> -> memref<1x128xi32, #tpu.memory_space<vmem>>
        %dma_start3A_329 = tpu.memref_squeeze %dma_start3A_328 : memref<1x128xi32, #tpu.memory_space<vmem>> -> memref<128xi32, #tpu.memory_space<vmem>>
        %dma_start3A_330 = arith.constant 0 : i32
        %dma_start3A_331 = arith.constant 0 : i32
        %dma_start3A_332 = tpu.memref_slice %arg7[%dma_start3A_330, %dma_start3A_331] : memref<10112x64xf32, #tpu.memory_space<vmem_shared>> -> memref<10112x64xf32, #tpu.memory_space<vmem_shared>>
        tpu.enqueue_indirect_dma source(%arg13 : memref<128x64xf32, #tpu.memory_space<vmem>>) target(%dma_start3A_332 : memref<10112x64xf32, #tpu.memory_space<vmem_shared>>) offsets(%dma_start3A_329 : memref<128xi32, #tpu.memory_space<vmem>>) semaphore(%run_scoped3A_326 : memref<!tpu.dma_semaphore, #tpu.memory_space<semaphore_mem>>) {add = true}
        %dma_wait3A_333 = arith.constant 0 : i32
        %dma_wait3A_334 = tpu.memref_slice %arg11[%run_scoped3A_325, %dma_wait3A_333] : memref<32x128xi32, #tpu.memory_space<vmem>> -> memref<1x128xi32, #tpu.memory_space<vmem>>
        %dma_wait3A_335 = tpu.memref_squeeze %dma_wait3A_334 : memref<1x128xi32, #tpu.memory_space<vmem>> -> memref<128xi32, #tpu.memory_space<vmem>>
        %dma_wait3A_336 = arith.constant 0 : i32
        %dma_wait3A_337 = arith.constant 0 : i32
        %dma_wait3A_338 = tpu.memref_slice %arg7[%dma_wait3A_336, %dma_wait3A_337] : memref<10112x64xf32, #tpu.memory_space<vmem_shared>> -> memref<10112x64xf32, #tpu.memory_space<vmem_shared>>
        tpu.wait_indirect_dma semaphore(%run_scoped3A_326 : memref<!tpu.dma_semaphore, #tpu.memory_space<semaphore_mem>>) src(%arg13 : memref<128x64xf32, #tpu.memory_space<vmem>>) dst(%dma_wait3A_338 : memref<10112x64xf32, #tpu.memory_space<vmem_shared>>)
        tpu.yield
      }) : () -> ()
    } else {
    }
    %barrier3A_21 = arith.constant 0 : index
    tpu.barrier barrier_id(%barrier3A_21)
    %mul3A_22 = arith.constant 632 : i32
    %mul3A_23 = arith.muli %arg1, %mul3A_22 : i32
    "tpu.region"() ({
      %run_scoped3A_24 = tpu.sem_alloc : memref<!tpu.dma_semaphore, #tpu.memory_space<semaphore_mem>>
      %dma_start3A = arith.constant 0 : i32
      %dma_start3A_25 = tpu.memref_slice %arg5[%arg0, %mul3A_23, %dma_start3A] : memref<2x10112x64xf32, #tpu.memory_space<hbm>> -> memref<1x632x64xf32, #tpu.memory_space<hbm>>
      %dma_start3A_26 = tpu.memref_squeeze %dma_start3A_25 : memref<1x632x64xf32, #tpu.memory_space<hbm>> -> memref<632x64xf32, #tpu.memory_space<hbm>>
      %dma_start3A_27 = arith.constant 0 : i32
      %dma_start3A_28 = tpu.memref_slice %arg7[%mul3A_23, %dma_start3A_27] : memref<10112x64xf32, #tpu.memory_space<vmem_shared>> -> memref<632x64xf32, #tpu.memory_space<vmem_shared>>
      tpu.enqueue_dma source(%dma_start3A_28 : memref<632x64xf32, #tpu.memory_space<vmem_shared>>) target(%dma_start3A_26 : memref<632x64xf32, #tpu.memory_space<hbm>>) target_semaphore(%run_scoped3A_24 : memref<!tpu.dma_semaphore, #tpu.memory_space<semaphore_mem>>)
      %dma_wait3A = arith.constant 0 : i32
      %dma_wait3A_29 = tpu.memref_slice %arg5[%arg0, %mul3A_23, %dma_wait3A] : memref<2x10112x64xf32, #tpu.memory_space<hbm>> -> memref<1x632x64xf32, #tpu.memory_space<hbm>>
      %dma_wait3A_30 = tpu.memref_squeeze %dma_wait3A_29 : memref<1x632x64xf32, #tpu.memory_space<hbm>> -> memref<632x64xf32, #tpu.memory_space<hbm>>
      %dma_wait3A_31 = arith.constant 0 : i32
      %dma_wait3A_32 = tpu.memref_slice %arg7[%mul3A_23, %dma_wait3A_31] : memref<10112x64xf32, #tpu.memory_space<vmem_shared>> -> memref<632x64xf32, #tpu.memory_space<vmem_shared>>
      tpu.wait_dma2 semaphore(%run_scoped3A_24 : memref<!tpu.dma_semaphore, #tpu.memory_space<semaphore_mem>>) src(%dma_wait3A_32 : memref<632x64xf32, #tpu.memory_space<vmem_shared>>) dst(%dma_wait3A_30 : memref<632x64xf32, #tpu.memory_space<hbm>>)
      tpu.yield
    }) : () -> ()
    return
  }
}

module attributes {stable_mosaic.version = 14 : i64} {
  func.func @_mlp_body(%arg0: i32, %arg1: memref<2000x128xf32, #tpu.memory_space<vmem>>, %arg2: memref<2x2000x64xf32, #tpu.memory_space<vmem>>, %arg3: memref<256x256xf32, #tpu.memory_space<vmem>>, %arg4: memref<1x256xf32, #tpu.memory_space<vmem>>, %arg5: memref<256x128xf32, #tpu.memory_space<vmem>>, %arg6: memref<1x128xf32, #tpu.memory_space<vmem>>, %arg7: memref<2000x128xf32, #tpu.memory_space<vmem>>) attributes {dimension_semantics = [#tpu.dimension_semantics<arbitrary>], iteration_bounds = array<i64: 5>, scalar_prefetch = 0 : i64, scratch_operands = 0 : i64, tpu.core_type = #tpu.core_type<tc>, window_params = [{transform_indices = @transform_0, window_bounds = array<i64: 2000, 128>}, {transform_indices = @transform_1, window_bounds = array<i64: 2, 2000, 64>}, {pipeline_mode = #tpu.pipeline_mode<synchronous>, transform_indices = @transform_2, window_bounds = array<i64: 256, 256>}, {pipeline_mode = #tpu.pipeline_mode<synchronous>, transform_indices = @transform_3, window_bounds = array<i64: 1, 256>}, {pipeline_mode = #tpu.pipeline_mode<synchronous>, transform_indices = @transform_4, window_bounds = array<i64: 256, 128>}, {pipeline_mode = #tpu.pipeline_mode<synchronous>, transform_indices = @transform_5, window_bounds = array<i64: 1, 128>}, {transform_indices = @transform_6, window_bounds = array<i64: 2000, 128>}]} {
    %get3A = arith.constant 0 : index
    %get3A_0 = arith.constant 0 : index
    %get3A_1 = vector.load %arg1[%get3A, %get3A_0] : memref<2000x128xf32, #tpu.memory_space<vmem>>, vector<2000x128xf32>
    %get3A_2 = arith.constant 0 : index
    %get3A_3 = arith.constant 0 : index
    %get3A_4 = vector.load %arg3[%get3A_2, %get3A_3] : memref<256x256xf32, #tpu.memory_space<vmem>>, vector<128x256xf32>
    %dot_general3A = arith.constant dense<0.000000e+00> : vector<2000x256xf32>
    %dot_general3A_5 = tpu.matmul %get3A_1, %get3A_4, %dot_general3A {dimension_numbers = #tpu.dot_dimension_numbers<[1], [0], [0], [1], [0, 0, 1, 1], [], []>, transpose_lhs_hint = false} : vector<2000x128xf32>, vector<128x256xf32>, vector<2000x256xf32> -> vector<2000x256xf32>
    %get3A_6 = arith.constant 0 : index
    %get3A_7 = arith.constant 0 : index
    %get3A_8 = arith.constant 0 : index
    %get3A_9 = vector.load %arg2[%get3A_6, %get3A_7, %get3A_8] : memref<2x2000x64xf32, #tpu.memory_space<vmem>>, vector<1x2000x64xf32>
    %get3A_10 = vector.shape_cast %get3A_9 : vector<1x2000x64xf32> to vector<2000x64xf32>
    %get3A_11 = arith.constant 128 : index
    %get3A_12 = arith.constant 0 : index
    %get3A_13 = vector.load %arg3[%get3A_11, %get3A_12] : memref<256x256xf32, #tpu.memory_space<vmem>>, vector<64x256xf32>
    %dot_general3A_14 = arith.constant dense<0.000000e+00> : vector<2000x256xf32>
    %dot_general3A_15 = tpu.matmul %get3A_10, %get3A_13, %dot_general3A_14 {dimension_numbers = #tpu.dot_dimension_numbers<[1], [0], [0], [1], [0, 0, 1, 1], [], []>, transpose_lhs_hint = false} : vector<2000x64xf32>, vector<64x256xf32>, vector<2000x256xf32> -> vector<2000x256xf32>
    %add3A = arith.addf %dot_general3A_5, %dot_general3A_15 : vector<2000x256xf32>
    %get3A_16 = arith.constant 1 : index
    %get3A_17 = arith.constant 0 : index
    %get3A_18 = arith.constant 0 : index
    %get3A_19 = vector.load %arg2[%get3A_16, %get3A_17, %get3A_18] : memref<2x2000x64xf32, #tpu.memory_space<vmem>>, vector<1x2000x64xf32>
    %get3A_20 = vector.shape_cast %get3A_19 : vector<1x2000x64xf32> to vector<2000x64xf32>
    %get3A_21 = arith.constant 192 : index
    %get3A_22 = arith.constant 0 : index
    %get3A_23 = vector.load %arg3[%get3A_21, %get3A_22] : memref<256x256xf32, #tpu.memory_space<vmem>>, vector<64x256xf32>
    %dot_general3A_24 = arith.constant dense<0.000000e+00> : vector<2000x256xf32>
    %dot_general3A_25 = tpu.matmul %get3A_20, %get3A_23, %dot_general3A_24 {dimension_numbers = #tpu.dot_dimension_numbers<[1], [0], [0], [1], [0, 0, 1, 1], [], []>, transpose_lhs_hint = false} : vector<2000x64xf32>, vector<64x256xf32>, vector<2000x256xf32> -> vector<2000x256xf32>
    %add3A_26 = arith.addf %add3A, %dot_general3A_25 : vector<2000x256xf32>
    %get3A_27 = arith.constant 0 : index
    %get3A_28 = arith.constant 0 : index
    %get3A_29 = vector.load %arg4[%get3A_27, %get3A_28] : memref<1x256xf32, #tpu.memory_space<vmem>>, vector<1x256xf32>
    %add3A_30 = vector.broadcast %get3A_29 : vector<1x256xf32> to vector<2000x256xf32>
    %add3A_31 = arith.addf %add3A_26, %add3A_30 : vector<2000x256xf32>
    %max3A = arith.constant 0.000000e+00 : f32
    %max3A_32 = vector.broadcast %max3A : f32 to vector<2000x256xf32>
    %max3A_33 = arith.maximumf %add3A_31, %max3A_32 : vector<2000x256xf32>
    %get3A_34 = arith.constant 0 : index
    %get3A_35 = arith.constant 0 : index
    %get3A_36 = vector.load %arg5[%get3A_34, %get3A_35] : memref<256x128xf32, #tpu.memory_space<vmem>>, vector<256x128xf32>
    %dot_general3A_37 = arith.constant dense<0.000000e+00> : vector<2000x128xf32>
    %dot_general3A_38 = tpu.matmul %max3A_33, %get3A_36, %dot_general3A_37 {dimension_numbers = #tpu.dot_dimension_numbers<[1], [0], [0], [1], [0, 0, 1, 1], [], []>, transpose_lhs_hint = false} : vector<2000x256xf32>, vector<256x128xf32>, vector<2000x128xf32> -> vector<2000x128xf32>
    %get3A_39 = arith.constant 0 : index
    %get3A_40 = arith.constant 0 : index
    %get3A_41 = vector.load %arg6[%get3A_39, %get3A_40] : memref<1x128xf32, #tpu.memory_space<vmem>>, vector<1x128xf32>
    %add3A_42 = vector.broadcast %get3A_41 : vector<1x128xf32> to vector<2000x128xf32>
    %add3A_43 = arith.addf %dot_general3A_38, %add3A_42 : vector<2000x128xf32>
    %swap3A = arith.constant 0 : index
    %swap3A_44 = arith.constant 0 : index
    %swap3A_45 = vector.load %arg7[%swap3A, %swap3A_44] : memref<2000x128xf32, #tpu.memory_space<vmem>>, vector<2000x128xf32>
    tpu.vector_store %arg7[%swap3A, %swap3A_44], %add3A_43 {strides = array<i32>} : memref<2000x128xf32, #tpu.memory_space<vmem>>, vector<2000x128xf32>,
    return
  }
  func.func @transform_0(%arg0: i32) -> (i32, i32) {
    %c0_i32 = arith.constant 0 : i32
    %c0_i32_0 = arith.constant 0 : i32
    return %arg0, %c0_i32 : i32, i32
  }
  func.func @transform_1(%arg0: i32) -> (i32, i32, i32) {
    %c0_i32 = arith.constant 0 : i32
    %c0_i32_0 = arith.constant 0 : i32
    %c0_i32_1 = arith.constant 0 : i32
    return %c0_i32, %arg0, %c0_i32_0 : i32, i32, i32
  }
  func.func @transform_2(%arg0: i32) -> (i32, i32) {
    %c0_i32 = arith.constant 0 : i32
    %c0_i32_0 = arith.constant 0 : i32
    %c0_i32_1 = arith.constant 0 : i32
    return %c0_i32, %c0_i32_0 : i32, i32
  }
  func.func @transform_3(%arg0: i32) -> (i32, i32) {
    %c0_i32 = arith.constant 0 : i32
    %c0_i32_0 = arith.constant 0 : i32
    %c0_i32_1 = arith.constant 0 : i32
    return %c0_i32, %c0_i32_0 : i32, i32
  }
  func.func @transform_4(%arg0: i32) -> (i32, i32) {
    %c0_i32 = arith.constant 0 : i32
    %c0_i32_0 = arith.constant 0 : i32
    %c0_i32_1 = arith.constant 0 : i32
    return %c0_i32, %c0_i32_0 : i32, i32
  }
  func.func @transform_5(%arg0: i32) -> (i32, i32) {
    %c0_i32 = arith.constant 0 : i32
    %c0_i32_0 = arith.constant 0 : i32
    %c0_i32_1 = arith.constant 0 : i32
    return %c0_i32, %c0_i32_0 : i32, i32
  }
  func.func @transform_6(%arg0: i32) -> (i32, i32) {
    %c0_i32 = arith.constant 0 : i32
    %c0_i32_0 = arith.constant 0 : i32
    return %arg0, %c0_i32 : i32, i32
  }
}

</mosaic_0001>

<sc_bundles>
// kernel: kernel.4.cloned.1.call-start
scs
__scs_entry_jumppad:
0x0: {  	(pc) =	sbr.rel $0x88, $3  }
0x1: {  	(tag) =	ssettag $0x0;
	lr =	simm.s32 $0x1  }
0x2: {  	[smem:$0x3F9B] =	sst lr;
	_ =	strace $0xD0000000  }
0x3: {  	_ = 	snop  }
0x4: {  	_ = 	snop  }
0x5: {  	_ = 	snop  }
0x6: {  	_ = 	snop  }
0x7: {  	_ = 	snop  }
__scs_overlays_trampoline_lowered:
0x8: {  	[smem:$0x3FAA] =	sst s0  }
0x9: {  	[smem:$0x3FAB] =	sst s1  }
0xa: {  	[smem:$0x3FAC] =	sst s2  }
0xb: {  	[smem:$0x3FAD] =	sst s3  }
0xc: {  	[smem:$0x3FAE] =	sst s4  }
0xd: {  	[smem:$0x3FAF] =	sst s5  }
0xe: {  	[smem:$0x3FB0] =	sst s6  }
0xf: {  	[smem:$0x3FB1] =	sst s7  }
0x10: {  	[smem:$0x3FB2] =	sst s8  }
0x11: {  	[smem:$0x3FB3] =	sst s9;
	s0 =	simm.s32 @!p0 $0x0  }
0x12: {  	s1 =	sld [smem:$0x3F99];
	s0 =	simm.s32 @p0 $0x1  }
0x13: {  	[smem:$0x3FB4] =	sst s0;
	s0 =	simm.s32 @!p1 $0x0  }
0x14: {  	s2 =	sld [smem:$0x3F98];
	s0 =	simm.s32 @p1 $0x1  }
0x15: {  	[smem:$0x3FB5] =	sst s0;
	s0 =	simm.s32 @!p2 $0x0  }
0x16: {  	s3 =	sld [smem:$0x3FDB];
	s0 =	simm.s32 @p2 $0x1  }
0x17: {  	s4 =	simm.s32 $0x1BF5;
	[smem:$0x3FB7] =	sst s0  }
0x18: {  	s0 =	sld [smem:$0x3F9A];
	_ =	swait.ge [sflag:s4], $0x0  }
0x19: {  	s7 =	sld [smem:$0x3F9B]  }
0x1a: {  	s8 =	sadd.s32 $0xFFFFE003, lr  }
0x1b: {  	s9 =	sadd.s32 $0xFFFFFEF7, lr;
	s5 =	simm.s32 $0xFFFFFFFF;
	p2 =	slt.u32 s8, $0xFFFFF086  }
0x1c: {  	p1 =	slt.u32 s9, $0xF7A;
	s5 =	simm.s32 @!p2 $0x0  }
0x1d: {  	s5 =	simm.s32 @p1 $0x1;
	p0 =	seq.s32 s7, s2  }
0x1e: {  	s7 =	smul.u32 @!p0 $0xF7A, s2;
	p2 =	seq.s32 @!p0 s5, $0x0  }
0x1f: {  	s9 =	smul.u32 $0xF7A, s1;
	s8 =	simm.s32 @!p0 $0x1BF5;
	p2 =	por !p2, p0  }
0x20: {  	[sflag:s8] =	ssyncset.s32 @!p0 $0xFFFFF086;
	s6 =	sadd.s32 @!p0 s3, s7;
	s7 =	simm.s32 @!p0 $0x108  }
0x21: {  	s3 =	sadd.s32 s3, s9;
	s6 =	sadd.s32 @!p0 $0x88, s6;
	s7 =	simm.s32 @p2 $0x1082  }
0x22: {  	[simem:s7], [sflag:s8] =	dma.local @!p0 [hbm:s6], $0xF7A  }
0x23: {  	s9 =	sor.u32 $0xD0000000, s2;
	s6 =	simm.s32 $0x108;
	_ =	swait.ge @!p0 [sflag:s8], $0x0  }
0x24: {  	s3 =	sadd.s32 $0x88, s3;
	s6 =	simm.s32 @!p1 $0x1082;
	[sflag:s4] =	ssyncset.s32 $0xFFFFF086  }
0x25: {  	[simem:s6], [sflag:s4] =	dma.local [hbm:s3], $0xF7A  }
0x26: {  	[smem:$0x3F9B] =	sst s1;
	(tag) =	ssettag s2;
	_ =	strace s9  }
0x27: {  	s1 =	sld [smem:$0x3FAB]  }
0x28: {  	s2 =	sld [smem:$0x3FAC]  }
0x29: {  	s4 =	sld [smem:$0x3FAE]  }
0x2a: {  	p0 =	seq.s32 s5, $0x0;
	s5 =	sld [smem:$0x3FAF]  }
0x2b: {  	s6 =	sld [smem:$0x3FB0]  }
0x2c: {  	s7 =	sld [smem:$0x3FB1]  }
0x2d: {  	s3 =	simm.s32 $0x108;
	s8 =	sld [smem:$0x3FB2]  }
0x2e: {  	s3 =	simm.s32 @!p0 $0x1082;
	s9 =	sld [smem:$0x3FB3]  }
0x2f: {  	lr =	sadd.s32 s0, s3;
	s0 =	sld [smem:$0x3FAA]  }
0x30: {  	s3 =	sld [smem:$0x3FAD]  }
0x31: {  	[smem:$0x3FB6] =	sst s10  }
0x32: {  	s10 =	sld [smem:$0x3FB4];
	_ =	sdelay $0x3  }
0x33: {  	p0 =	seq.s32 s10, $0x1;
	s10 =	sld [smem:$0x3FB6];
	_ =	sdelay $0x3  }
0x34: {  	[smem:$0x3FB6] =	sst s10  }
0x35: {  	s10 =	sld [smem:$0x3FB5];
	_ =	sdelay $0x3  }
0x36: {  	p1 =	seq.s32 s10, $0x1;
	s10 =	sld [smem:$0x3FB6];
	_ =	sdelay $0x3  }
0x37: {  	[smem:$0x3FB6] =	sst s10  }
0x38: {  	s10 =	sld [smem:$0x3FB7]  }
0x39: {  	_ = 	snop;
	(pc) =	sbr.ind lr, $3  }
0x3a: {  	_ = 	snop  }
0x3b: {  	_ = 	snop  }
0x3c: {  	p2 =	seq.s32 s10, $0x1;
	s10 =	sld [smem:$0x3FB6]  }
0x3d: {  	_ =	shalt  }
0x3e: {  	_ =	shalt  }
0x3f: {  	_ =	shalt  }
0x40: {  	_ =	shalt  }
0x41: {  	_ =	shalt  }
0x42: {  	_ =	shalt  }
0x43: {  	_ =	shalt  }
0x44: {  	_ =	shalt  }
0x45: {  	_ =	shalt  }
0x46: {  	_ =	shalt  }
0x47: {  	_ =	shalt  }
0x48: {  	_ =	shalt  }
0x49: {  	_ =	shalt  }
0x4a: {  	_ =	shalt  }
0x4b: {  	_ =	shalt  }
0x4c: {  	_ =	shalt  }
0x4d: {  	_ =	shalt  }
0x4e: {  	_ =	shalt  }
0x4f: {  	_ =	shalt  }
0x50: {  	_ =	shalt  }
0x51: {  	_ =	shalt  }
0x52: {  	_ =	shalt  }
0x53: {  	_ =	shalt  }
0x54: {  	_ =	shalt  }
0x55: {  	_ =	shalt  }
0x56: {  	_ =	shalt  }
0x57: {  	_ =	shalt  }
0x58: {  	_ =	shalt  }
0x59: {  	_ =	shalt  }
0x5a: {  	_ =	shalt  }
0x5b: {  	_ =	shalt  }
0x5c: {  	_ =	shalt  }
0x5d: {  	_ =	shalt  }
0x5e: {  	_ =	shalt  }
0x5f: {  	_ =	shalt  }
0x60: {  	_ =	shalt  }
0x61: {  	_ =	shalt  }
0x62: {  	_ =	shalt  }
0x63: {  	_ =	shalt  }
0x64: {  	_ =	shalt  }
0x65: {  	_ =	shalt  }
0x66: {  	_ =	shalt  }
0x67: {  	_ =	shalt  }
0x68: {  	_ =	shalt  }
0x69: {  	_ =	shalt  }
0x6a: {  	_ =	shalt  }
0x6b: {  	_ =	shalt  }
0x6c: {  	_ =	shalt  }
0x6d: {  	_ =	shalt  }
0x6e: {  	_ =	shalt  }
0x6f: {  	_ =	shalt  }
0x70: {  	_ =	shalt  }
0x71: {  	_ =	shalt  }
0x72: {  	_ =	shalt  }
0x73: {  	_ =	shalt  }
0x74: {  	_ =	shalt  }
0x75: {  	_ =	shalt  }
0x76: {  	_ =	shalt  }
0x77: {  	_ =	shalt  }
0x78: {  	_ =	shalt  }
0x79: {  	_ =	shalt  }
0x7a: {  	_ =	shalt  }
0x7b: {  	_ =	shalt  }
0x7c: {  	_ =	shalt  }
0x7d: {  	_ =	shalt  }
0x7e: {  	_ =	shalt  }
0x7f: {  	_ =	shalt  }
0x80: {  	_ =	shalt  }
0x81: {  	_ =	shalt  }
0x82: {  	_ =	shalt  }
0x83: {  	_ =	shalt  }
0x84: {  	_ =	shalt  }
0x85: {  	_ =	shalt  }
0x86: {  	_ =	shalt  }
0x87: {  	_ =	shalt  }
.Lfunc_end0:
.L_simem_size_0:
called_computation_lowered:
.L_overlay_start_0:
0x88: {  	s2 =	sld [smem:$0x3FD9]  }
0x89: {  	s3 =	sld [smem:$0x3FFE];
	_ =	sdelay $0x1  }
0x8a: {  	s1 =	srdreg.scid  }
0x8b: {  	s0 =	sand.u32 $0x1, s1  }
0x8c: {  	s17 =	sshll.u32 s0, $0xA;
	s2 =	sadd.s32 s3, s2  }
0x8d: {  	s2 =	sadd.s32 s2, s17  }
0x8e: {  	[smem:$0x3FC2] =	sst s2  }
0x8f: {  	_ = 	snop  }
0x90: {  	s2 =	sld [smem:$0x3FD0];
	(tm) =	ssettm $0x1  }
0x91: {  	s18 =	sld [smem:$0x3FFB];
	_ =	sdelay $0x3  }
0x92: {  	_ =	strace s18  }
0x93: {  	s3 =	sld [smem:$0x3FFC];
	_ =	sdelay $0x3  }
0x94: {  	_ =	strace s3  }
0x95: {  	s3 =	sld [smem:$0x3FFD];
	_ =	sdelay $0x3  }
0x96: {  	_ =	strace s3  }
0x97: {  	_ =	strace $0x8FFFFFFF  }
0x98: {  	s19 =	sld [smem:$0x3FDB];
	_ =	sdelay $0x1  }
0x99: {  	s4 =	simm.s32 $_scs_section_size  }
0x9a: {  	s5 =	simm.s32 $_size__tile_overlayer_lowered;
	s6 =	simm.s32 $_tile_overlayer_lowered  }
0x9b: {  	s22 =	simm.s32 $0x1BFF;
	s21 =	sshll.u32 s6, $0x1;
	s3 =	sadd.s32 s4, s19  }
0x9c: {  	s7 =	simm.s32 $0x0;
	s20 =	sshll.u32 s5, $0x1;
	s5 =	sadd.s32 s21, s3  }
0x9d: {  	[timem:s7], [sflag:s22] =	dma.local [hbm:s5], s20  }
0x9e: {  	_ =	swait.ge [sflag:s22], s20  }
0x9f: {  	s4 =	ssub.s32 $0x0, s20;
	[sflag:s22] =	ssyncset.done $0x0  }
0xa0: {  	[sflag:s22] =	ssyncadd.s32 s4;
	_ =	sdelay $0x1  }
0xa1: {  	s23 =	simm.s32 $0x1B8B  }
0xa2: {  	_ =	swait.ge [sflag:s23], $0x1  }
0xa3: {  	[sflag:s23] =	ssyncset.done $0x0  }
0xa4: {  	s25 =	simm.s32 $0x1B8E;
	s24 =	sld [smem:$0x3FFE];
	[sflag:s23] =	ssyncadd.s32 $0xFFFFFFFF  }
0xa5: {  	s26 =	simm.s32 $execute0_lowered;
	[smem:$0x3FD2] =	sst s25  }
0xa6: {  	s5 =	sshll.u32 s26, $0x1;
	_ =	strace $0x80000046;
	[dreg:$0x1] =	wrdreg $0xFFFFFFFF  }
0xa7: {  	s28 =	simm.s32 $_size_execute0_lowered;
	s3 =	sadd.s32 s3, s5;
	[dreg:$0x0] =	wrdreg $0x0  }
0xa8: {  	s5 =	sshll.u32 s28, $0x1;
	[dreg:$0x2] =	wrdreg s3  }
0xa9: {  	[dreg:$0x3] =	wrdreg s5  }
0xaa: {  	[dreg:$0x4] =	wrdreg $0xC0  }
0xab: {  	_ =	task [dreg:s7], $0x5FFFF  }
0xac: {  	[dreg:$0x1] =	wrdreg $0xFFFFFFFF  }
0xad: {  	[dreg:$0x0] =	wrdreg $0x60  }
0xae: {  	[dreg:$0x2] =	wrdreg s24  }
0xaf: {  	[dreg:$0x3] =	wrdreg s2  }
0xb0: {  	[dreg:$0x4] =	wrdreg $0x0  }
0xb1: {  	[dreg:$0x5] =	wrdreg $0x9C400  }
0xb2: {  	[dreg:$0x6] =	wrdreg $0x9  }
0xb3: {  	_ =	task.clear_ibuf [dreg:s7], $0x7FFFF;
	_ =	strace $0x90000046  }
0xb4: {  	s29 =	simm.s32 $0x9;
	_ =	strace $0x80000048  }
0xb5: {  	_ =	swait.ge [sflag:s29], $0x1  }
0xb6: {  	[sflag:s29] =	ssyncadd.s32 $0xFFFFFFFF  }
0xb7: {  	_ =	strace $0x90000048  }
0xb8: {  	_ =	sfence  }
0xb9: {  	s30 =	sld [smem:$0x0];
	_ =	sdelay $0x2  }
0xba: {  	s31 =	sshll.u32 s1, $0xD;
	s1 =	sshrl.u32 s1, $0x2  }
0xbb: {  	s3 =	sand.u32 $0x4000, s31;
	s1 =	sadd.s32 s1, s30  }
0xbc: {  	s0 =	sor.u32 s3, s0;
	s1 =	sshll.u32 s1, $0x11  }
0xbd: {  	s0 =	sor.u32 s1, s0  }
0xbe: {  	s0 =	sadd.s32 $0x8F2B, s0  }
0xbf: {  	[sflag:s0] =	ssyncadd.remote.s32 $0x1  }
0xc0: {  	_ =	sfence.sel $0xFFFF  }
0xc1: {  	[dreg:$0x0] =	wrdreg $0xFFFFFFFF;
	(pc) =	sbr.abs _section_cstart, $3  }
0xc2: {  	[dreg:$0x1] =	wrdreg $0xFFFFFFFF  }
0xc3: {  	_ =	task.clear_ibuf [dreg:s7], $0x2FFFF;
	_ =	strace $0x9FFFFFFF  }
0xc4: {  	(tm) =	ssettm $0x7FFFFFFF  }
0xc5: {  	_ =	shalt  }
tec
execute0_lowered:
.L_overlay_start_1:
0x0: {  	(tag) =	ssettag $0x1  }
0x1: {  	s0 =	rddreg [dreg:$0x0]  }
0x2: {  	s4 =	rddreg [dreg:$0x1]  }
0x3: {  	s2 =	rddreg [dreg:$0x2]  }
0x4: {  	s3 =	rddreg [dreg:$0x3]  }
0x5: {  	s5 =	srdreg.scid;
	s1 =	stileid.u32  }
0x6: {  	s7 =	simm.s32 $0x0;
	s30 =	simm.s32 $0x5;
	s6 =	smul.u32 $0x13C00, s1  }
0x7: {  	s31 =	simm.s32 $0x13A40;
	s5 =	sand.u32 $0x1, s5;
	s10 =	smul.u32 $0x4F000, s1  }
0x8: {  	[smem:$0x7FF] =	sst s7;
	s8 =	sadd.s32 $0x1800, s0;
	s26 =	smul.u32 $0x5000, s1  }
0x9: {  	s11 =	sadd.s32 $0x4FA00, s0;
	s12 =	smul.u32 $0xA00, s1;
	s22 =	sadd.s32 $0x9800, s4  }
0xa: {  	p0 =	seq.s32 s1, $0xF;
	s23 =	smul.u32 $0x13C000, s5;
	_ =	strace $0x80000047  }
0xb: {  	s9 =	smul.u32 $0x138800, s5;
	s5 =	ssub.s32 $0x2, s5;
	[dreg:$0x5] =	wrdreg s11  }
0xc: {  	[dreg:$0x11] =	wrdreg s22;
	s11 =	simm.s32 $0x16A40;
	s22 =	simm.s32 $0x3  }
0xd: {  	s24 =	sshrl.u32 s5, $0x1;
	s25 =	sshrl.u32 s10, $0x2;
	s14 =	sshrl.u32 s26, $0x3  }
0xe: {  	s26 =	sadd.s32 $0x9C00, s4;
	s7 =	sadd.s32 s6, s23;
	s5 =	ssub.s32 s5, s24  }
0xf: {  	s6 =	sadd.s32 s6, s9;
	s10 =	sadd.s32 s25, s2;
	s9 =	sshrl.u32 s9, $0x3  }
0x10: {  	s23 =	sadd.s32 $0x13480, s4;
	s24 =	sadd.s32 $0x9A00, s4;
	[dreg:$0x15] =	wrdreg s26  }
0x11: {  	s7 =	sshrl.u32 s7, $0x3;
	s6 =	sshrl.u32 s6, $0x3;
	[dreg:$0x12] =	wrdreg s23  }
0x12: {  	s9 =	sadd.s32 s8, s9;
	[dreg:$0x13] =	wrdreg s24;
	s28 =	sshrl.u32 @!p0 s10, $0x3  }
0x13: {  	s10 =	simm.s32 $0x15A40;
	s23 =	simm.s32 $0x0;
	s6 =	sadd.s32 s8, s6  }
0x14: {  	s0 =	sadd.s32 s7, s0;
	s13 =	sadd.s32 $0x25080, s9;
	[dreg:$0x6] =	wrdreg s6  }
0x15: {  	s7 =	sadd.s32 s25, s3;
	s9 =	sadd.s32 s4, s12;
	[dreg:$0x7] =	wrdreg s13  }
0x16: {  	s25 =	sadd.s32 $0x13680, s4;
	s12 =	simm.s32 $0x80;
	[dreg:$0x8] =	wrdreg s7  }
0x17: {  	s6 =	sadd.s32 s4, s14;
	[dreg:$0x14] =	wrdreg s25;
	s4 =	sadd.s32 $0x13880, s4  }
0x18: {  	s24 =	sadd.s32 $0x52200, s0;
	s15 =	sadd.s32 $0x200, s6;
	[dreg:$0x16] =	wrdreg s4  }
0x19: {  	s25 =	smax.u32 s5, $0x1;
	s16 =	sadd.s32 $0x9E80, s6;
	[dreg:$0x9] =	wrdreg s15  }
0x1a: {  	s0 =	sadd.s32 $0x128400, s2;
	s17 =	sadd.s32 $0x400, s6;
	[dreg:$0xa] =	wrdreg s16  }
0x1b: {  	s29 =	sadd.s32 $0x9C80, s9;
	s18 =	sadd.s32 $0xA080, s6;
	[dreg:$0xb] =	wrdreg s17  }
0x1c: {  	s13 =	simm.s32 $0x17A40;
	s19 =	sadd.s32 $0x600, s6;
	[dreg:$0xc] =	wrdreg s18  }
0x1d: {  	s14 =	simm.s32 $0x13AC0;
	s20 =	sadd.s32 $0xA280, s6;
	[dreg:$0xd] =	wrdreg s19  }
.Ltmp0:
0x1e: {  	s21 =	sadd.s32 $0x800, s6;
	[dreg:$0xe] =	wrdreg s20;
	(pc) =	sbr.rel .LBB2_1-.Ltmp0, $4  }
0x1f: {  	s6 =	sadd.s32 $0xA480, s6;
	s26 =	sshrl.u32 @p0 s0, $0x3;
	[dreg:$0xf] =	wrdreg s21  }
0x20: {  	s0 =	simm.s32 $0x14A40;
	[dreg:$0x10] =	wrdreg s6;
	s15 =	simm.s32 $0x1BA40  }
0x21: {  	s16 =	simm.s32 $0x1;
	s17 =	simm.s32 $0x2;
	s18 =	simm.s32 $0x15940  }
0x22: {  	s19 =	simm.s32 $0x159C0;
	s20 =	simm.s32 $0x4;
	s21 =	simm.s32 $0x15AC0  }
.LBB2_12:
0x23: {  	[tilespmem:s15], [sflag:$0x2] =	stream.indirect.gather [spmem:s2], $0x40, s7, s12, $0xb8;
	[tilespmem:$0x1FA40] =	vst v63  }
0x24: {  	s6 =	simm.s32 $0x159C0;
	s7 =	simm.s32 $0x15940  }
.LBB2_20:
0x25: {  	_ =	swait.ge [sflag:s16], $0x2000  }
0x26: {  	[sflag:s16] =	ssyncset.done $0x0  }
0x27: {  	[sflag:s16] =	ssyncadd.s32 $0xFFFFE000  }
0x28: {  	[spmem:s3] =	stream.indirect.scatter.add.f32 [tilespmem:s13], [sflag:$0x5], $0x40, s7, s12, $0xb8;
	[tilespmem:$0x1FA40] =	vst v63  }
0x29: {  	_ =	swait.ge [sflag:s30], $0x2000  }
0x2a: {  	[sflag:s30] =	ssyncset.done $0x0  }
0x2b: {  	[sflag:s30] =	ssyncadd.s32 $0xFFFFE000  }
0x2c: {  	_ =	swait.ge [sflag:s17], $0x2000  }
0x2d: {  	[sflag:s17] =	ssyncset.done $0x0  }
0x2e: {  	[sflag:s17] =	ssyncadd.s32 $0xFFFFE000  }
0x2f: {  	[spmem:s3] =	stream.indirect.scatter.add.f32 [tilespmem:s15], [sflag:$0x5], $0x40, s6, s12, $0xb8;
	[tilespmem:$0x1FA40] =	vst v63  }
0x30: {  	_ =	swait.ge [sflag:s30], $0x2000  }
0x31: {  	s23 =	sadd.s32 $0x1, s23;
	[sflag:s30] =	ssyncset.done $0x0  }
0x32: {  	p1 =	sne.s32 s23, s25;
	[sflag:s30] =	ssyncadd.s32 $0xFFFFE000  }
.Ltmp1:
0x33: {  	[bflag:$0x0] =	sbarrier.arrive $0xFFFF;
	(pc) =	sbr.rel @!p1 .LBB2_21-.Ltmp1, $4  }
0x34: {  	[hbm:s24], [sflag:s4] =	dma.local [spmem:s5], $0x2780  }
0x35: {  	_ =	swait.ge [sflag:s30], $0x2780  }
0x36: {  	[sflag:s30] =	ssyncset.done $0x0  }
0x37: {  	[sflag:s30] =	ssyncadd.s32 $0xFFFFD880  }
.LBB2_1:
0x38: {  	s4 =	simm.s32 @p0 $0x1FC5;
	s5 =	rddreg [dreg:$0x7]  }
0x39: {  	[spmem:s26], [sflag:s4] =	dma.local @p0 [hbm:s5], $0x2080  }
0x3a: {  	s4 =	simm.s32 @p0 $0x5  }
0x3b: {  	_ =	swait.ge @p0 [sflag:s4], $0x2080  }
0x3c: {  	s5 =	sshll.u32 @!p0 s1, $0x6;
	[sflag:s4] =	ssyncset.done @p0 $0x0  }
0x3d: {  	[sflag:s4] =	ssyncadd.s32 @p0 $0xFFFFDF80;
	s4 =	sor.u32 @!p0 $0x1C05, s5;
	s5 =	rddreg [dreg:$0x6]  }
0x3e: {  	[spmem:s28], [sflag:s4] =	dma.local @!p0 [hbm:s5], $0x2780  }
0x3f: {  	s4 =	simm.s32 @!p0 $0x5  }
0x40: {  	_ =	swait.ge @!p0 [sflag:s4], $0x2780  }
0x41: {  	[sflag:s4] =	ssyncset.done @!p0 $0x0  }
0x42: {  	s6 =	sshll.u32 s1, $0x6;
	s7 =	rddreg [dreg:$0x8];
	[sflag:s4] =	ssyncadd.s32 @!p0 $0xFFFFD880  }
0x43: {  	s4 =	sor.u32 $0x1C05, s6;
	s5 =	sshrl.u32 s7, $0x3;
	s6 =	rddreg [dreg:$0x5]  }
0x44: {  	[spmem:s5], [sflag:s4] =	dma.local [hbm:s6], $0x2780  }
0x45: {  	_ =	swait.ge [sflag:s30], $0x2780  }
0x46: {  	[sflag:s30] =	ssyncset.done $0x0  }
0x47: {  	s8 =	simm.s32 $0x0;
	[sflag:s30] =	ssyncadd.s32 $0xFFFFD880  }
0x48: {  	[tilespmem:s31], [sflag:$0x5] =	stream.linear.gather [hbm4b:s9+s8], $0x1000, $0x38;
	[tilespmem:$0x1FA40] =	vst v63  }
0x49: {  	_ =	swait.ge [sflag:s30], $0x1000  }
0x4a: {  	[sflag:s30] =	ssyncset.done $0x0  }
0x4b: {  	[sflag:s30] =	ssyncadd.s32 $0xFFFFF000  }
0x4c: {  	[tilespmem:s0], [sflag:$0x5] =	stream.linear.gather [hbm4b:s29+s8], $0x1000, $0x38;
	[tilespmem:$0x1FA40] =	vst v63  }
.Ltmp2:
0x4d: {  	_ =	swait.ge [sflag:s30], $0x1000;
	(pc) =	sbr.rel @!p0 .LBB2_2-.Ltmp2, $4  }
0x4e: {  	[sflag:s30] =	ssyncset.done $0x0  }
0x4f: {  	[sflag:s30] =	ssyncadd.s32 $0xFFFFF000  }
0x50: {  	[bflag:$0x0] =	sbarrier.arrive $0xFFFF  }
0x51: {  	s6 =	simm.s32 $0x0  }
0x52: {  	s7 =	rddreg [dreg:$0x11]  }
0x53: {  	[tilespmem:s10], [sflag:$0x4] =	stream.linear.gather [hbm4b:s7+s6], $0x1000, $0x38;
	[tilespmem:$0x1FA40] =	vst v63  }
0x54: {  	s8 =	rddreg [dreg:$0x12]  }
0x55: {  	[tilespmem:s11], [sflag:$0x4] =	stream.linear.gather [hbm4b:s8+s6], $0x1000, $0x38;
	[tilespmem:$0x1FA40] =	vst v63  }
0x56: {  	_ = 	snop  }
0x57: {  	[tilespmem:s13], [sflag:$0x1] =	stream.indirect.gather [spmem:s2], $0x40, s31, s12, $0xb8;
	[tilespmem:$0x1FA40] =	vst v63  }
0x58: {  	_ = 	snop  }
0x59: {  	[tilespmem:s15], [sflag:$0x2] =	stream.indirect.gather [spmem:s2], $0x40, s14, s12, $0xb8;
	[tilespmem:$0x1FA40] =	vst v63  }
0x5a: {  	_ =	swait.ge [sflag:s16], $0x2000  }
0x5b: {  	[sflag:s16] =	ssyncset.done $0x0  }
0x5c: {  	s8 =	simm.s32 $0x14A40;
	[sflag:s16] =	ssyncadd.s32 $0xFFFFE000  }
0x5d: {  	[spmem:s3] =	stream.indirect.scatter.add.f32 [tilespmem:s13], [sflag:$0x5], $0x40, s8, s12, $0xb8;
	[tilespmem:$0x1FA40] =	vst v63  }
0x5e: {  	_ =	swait.ge [sflag:s30], $0x2000  }
0x5f: {  	[sflag:s30] =	ssyncset.done $0x0  }
0x60: {  	s7 =	simm.s32 $0x13B40;
	[sflag:s30] =	ssyncadd.s32 $0xFFFFE000  }
0x61: {  	[tilespmem:s13], [sflag:$0x1] =	stream.indirect.gather [spmem:s2], $0x40, s7, s12, $0xb8;
	[tilespmem:$0x1FA40] =	vst v63  }
0x62: {  	_ =	swait.ge [sflag:s17], $0x2000  }
0x63: {  	[sflag:s17] =	ssyncset.done $0x0  }
0x64: {  	s8 =	simm.s32 $0x14AC0;
	[sflag:s17] =	ssyncadd.s32 $0xFFFFE000  }
0x65: {  	[spmem:s3] =	stream.indirect.scatter.add.f32 [tilespmem:s15], [sflag:$0x5], $0x40, s8, s12, $0xb8;
	[tilespmem:$0x1FA40] =	vst v63  }
0x66: {  	_ =	swait.ge [sflag:s30], $0x2000  }
0x67: {  	[sflag:s30] =	ssyncset.done $0x0  }
0x68: {  	s6 =	simm.s32 $0x400;
	s7 =	simm.s32 $0x13BC0;
	[sflag:s30] =	ssyncadd.s32 $0xFFFFE000  }
.LBB2_14:
0x69: {  	[tilespmem:s15], [sflag:$0x2] =	stream.indirect.gather [spmem:s2], $0x40, s7, s12, $0xb8;
	[tilespmem:$0x1FA40] =	vst v63  }
0x6a: {  	s7 =	smov.u32 s6  }
0x6b: {  	p1 =	sne.s32 s6, $0x3800;
	s6 =	sadd.s32 $0x400, s6;
	_ =	swait.ge [sflag:s16], $0x2000  }
0x6c: {  	s7 =	sshra.s32 s7, $0x2;
	[sflag:s16] =	ssyncset.done $0x0  }
0x6d: {  	s8 =	sadd.s32 $0x14A40, s7;
	[sflag:s16] =	ssyncadd.s32 $0xFFFFE000  }
0x6e: {  	[spmem:s3] =	stream.indirect.scatter.add.f32 [tilespmem:s13], [sflag:$0x5], $0x40, s8, s12, $0xb8;
	[tilespmem:$0x1FA40] =	vst v63  }
0x6f: {  	_ =	swait.ge [sflag:s30], $0x2000  }
0x70: {  	[sflag:s30] =	ssyncset.done $0x0  }
0x71: {  	s8 =	sadd.s32 $0x13B40, s7;
	[sflag:s30] =	ssyncadd.s32 $0xFFFFE000  }
0x72: {  	[tilespmem:s13], [sflag:$0x1] =	stream.indirect.gather [spmem:s2], $0x40, s8, s12, $0xb8;
	[tilespmem:$0x1FA40] =	vst v63  }
0x73: {  	_ =	swait.ge [sflag:s17], $0x2000  }
0x74: {  	[sflag:s17] =	ssyncset.done $0x0  }
.Ltmp3:
0x75: {  	s8 =	sadd.s32 $0x14AC0, s7;
	[sflag:s17] =	ssyncadd.s32 $0xFFFFE000;
	(pc) =	sbr.rel @p1 .LBB2_14-.Ltmp3, $4  }
0x76: {  	[spmem:s3] =	stream.indirect.scatter.add.f32 [tilespmem:s15], [sflag:$0x5], $0x40, s8, s12, $0xb8;
	[tilespmem:$0x1FA40] =	vst v63  }
0x77: {  	_ =	swait.ge [sflag:s30], $0x2000  }
0x78: {  	[sflag:s30] =	ssyncset.done $0x0  }
0x79: {  	s7 =	sadd.s32 $0x13BC0, s7;
	[sflag:s30] =	ssyncadd.s32 $0xFFFFE000  }
0x7a: {  	[tilespmem:s15], [sflag:$0x2] =	stream.indirect.gather [spmem:s2], $0x40, s7, s12, $0xb8;
	[tilespmem:$0x1FA40] =	vst v63  }
0x7b: {  	_ =	swait.ge [sflag:s16], $0x2000  }
0x7c: {  	[sflag:s16] =	ssyncset.done $0x0  }
0x7d: {  	[sflag:s16] =	ssyncadd.s32 $0xFFFFE000  }
0x7e: {  	[spmem:s3] =	stream.indirect.scatter.add.f32 [tilespmem:s13], [sflag:$0x5], $0x40, s18, s12, $0xb8;
	[tilespmem:$0x1FA40] =	vst v63  }
0x7f: {  	_ =	swait.ge [sflag:s30], $0x2000  }
0x80: {  	[sflag:s30] =	ssyncset.done $0x0  }
0x81: {  	[sflag:s30] =	ssyncadd.s32 $0xFFFFE000  }
0x82: {  	_ =	swait.ge [sflag:s17], $0x2000  }
0x83: {  	[sflag:s17] =	ssyncset.done $0x0  }
0x84: {  	[sflag:s17] =	ssyncadd.s32 $0xFFFFE000  }
0x85: {  	[spmem:s3] =	stream.indirect.scatter.add.f32 [tilespmem:s15], [sflag:$0x5], $0x40, s19, s12, $0xb8;
	[tilespmem:$0x1FA40] =	vst v63  }
0x86: {  	_ =	swait.ge [sflag:s30], $0x2000  }
0x87: {  	[sflag:s30] =	ssyncset.done $0x0  }
0x88: {  	[sflag:s30] =	ssyncadd.s32 $0xFFFFE000  }
0x89: {  	_ =	swait.ge [sflag:s20], $0x1000  }
0x8a: {  	[sflag:s20] =	ssyncset.done $0x0  }
0x8b: {  	[sflag:s20] =	ssyncadd.s32 $0xFFFFF000  }
0x8c: {  	_ =	swait.ge [sflag:s20], $0x1000  }
0x8d: {  	[sflag:s20] =	ssyncset.done $0x0  }
0x8e: {  	s6 =	simm.s32 $0x0;
	s8 =	rddreg [dreg:$0x13];
	[sflag:s20] =	ssyncadd.s32 $0xFFFFF000  }
0x8f: {  	[tilespmem:s31], [sflag:$0x3] =	stream.linear.gather [hbm4b:s8+s6], $0x1000, $0x38;
	[tilespmem:$0x1FA40] =	vst v63  }
0x90: {  	s8 =	rddreg [dreg:$0x14]  }
0x91: {  	[tilespmem:s0], [sflag:$0x3] =	stream.linear.gather [hbm4b:s8+s6], $0x1000, $0x38;
	[tilespmem:$0x1FA40] =	vst v63  }
0x92: {  	_ = 	snop  }
0x93: {  	[tilespmem:s13], [sflag:$0x1] =	stream.indirect.gather [spmem:s2], $0x40, s10, s12, $0xb8;
	[tilespmem:$0x1FA40] =	vst v63  }
0x94: {  	_ = 	snop  }
0x95: {  	[tilespmem:s15], [sflag:$0x2] =	stream.indirect.gather [spmem:s2], $0x40, s21, s12, $0xb8;
	[tilespmem:$0x1FA40] =	vst v63  }
0x96: {  	_ =	swait.ge [sflag:s16], $0x2000  }
0x97: {  	[sflag:s16] =	ssyncset.done $0x0  }
0x98: {  	s8 =	simm.s32 $0x16A40;
	[sflag:s16] =	ssyncadd.s32 $0xFFFFE000  }
0x99: {  	[spmem:s3] =	stream.indirect.scatter.add.f32 [tilespmem:s13], [sflag:$0x5], $0x40, s8, s12, $0xb8;
	[tilespmem:$0x1FA40] =	vst v63  }
0x9a: {  	_ =	swait.ge [sflag:s30], $0x2000  }
0x9b: {  	[sflag:s30] =	ssyncset.done $0x0  }
0x9c: {  	s7 =	simm.s32 $0x15B40;
	[sflag:s30] =	ssyncadd.s32 $0xFFFFE000  }
0x9d: {  	[tilespmem:s13], [sflag:$0x1] =	stream.indirect.gather [spmem:s2], $0x40, s7, s12, $0xb8;
	[tilespmem:$0x1FA40] =	vst v63  }
0x9e: {  	_ =	swait.ge [sflag:s17], $0x2000  }
0x9f: {  	[sflag:s17] =	ssyncset.done $0x0  }
0xa0: {  	s8 =	simm.s32 $0x16AC0;
	[sflag:s17] =	ssyncadd.s32 $0xFFFFE000  }
0xa1: {  	[spmem:s3] =	stream.indirect.scatter.add.f32 [tilespmem:s15], [sflag:$0x5], $0x40, s8, s12, $0xb8;
	[tilespmem:$0x1FA40] =	vst v63  }
0xa2: {  	_ =	swait.ge [sflag:s30], $0x2000  }
0xa3: {  	[sflag:s30] =	ssyncset.done $0x0  }
0xa4: {  	s6 =	simm.s32 $0x400;
	s7 =	simm.s32 $0x15BC0;
	[sflag:s30] =	ssyncadd.s32 $0xFFFFE000  }
.LBB2_16:
0xa5: {  	[tilespmem:s15], [sflag:$0x2] =	stream.indirect.gather [spmem:s2], $0x40, s7, s12, $0xb8;
	[tilespmem:$0x1FA40] =	vst v63  }
0xa6: {  	s7 =	smov.u32 s6  }
0xa7: {  	p1 =	sne.s32 s6, $0x3800;
	s6 =	sadd.s32 $0x400, s6;
	_ =	swait.ge [sflag:s16], $0x2000  }
0xa8: {  	s7 =	sshra.s32 s7, $0x2;
	[sflag:s16] =	ssyncset.done $0x0  }
0xa9: {  	s8 =	sadd.s32 $0x16A40, s7;
	[sflag:s16] =	ssyncadd.s32 $0xFFFFE000  }
0xaa: {  	[spmem:s3] =	stream.indirect.scatter.add.f32 [tilespmem:s13], [sflag:$0x5], $0x40, s8, s12, $0xb8;
	[tilespmem:$0x1FA40] =	vst v63  }
0xab: {  	_ =	swait.ge [sflag:s30], $0x2000  }
0xac: {  	[sflag:s30] =	ssyncset.done $0x0  }
0xad: {  	s8 =	sadd.s32 $0x15B40, s7;
	[sflag:s30] =	ssyncadd.s32 $0xFFFFE000  }
0xae: {  	[tilespmem:s13], [sflag:$0x1] =	stream.indirect.gather [spmem:s2], $0x40, s8, s12, $0xb8;
	[tilespmem:$0x1FA40] =	vst v63  }
0xaf: {  	_ =	swait.ge [sflag:s17], $0x2000  }
0xb0: {  	[sflag:s17] =	ssyncset.done $0x0  }
.Ltmp4:
0xb1: {  	s8 =	sadd.s32 $0x16AC0, s7;
	[sflag:s17] =	ssyncadd.s32 $0xFFFFE000;
	(pc) =	sbr.rel @p1 .LBB2_16-.Ltmp4, $4  }
0xb2: {  	[spmem:s3] =	stream.indirect.scatter.add.f32 [tilespmem:s15], [sflag:$0x5], $0x40, s8, s12, $0xb8;
	[tilespmem:$0x1FA40] =	vst v63  }
0xb3: {  	_ =	swait.ge [sflag:s30], $0x2000  }
0xb4: {  	[sflag:s30] =	ssyncset.done $0x0  }
0xb5: {  	s7 =	sadd.s32 $0x15BC0, s7;
	[sflag:s30] =	ssyncadd.s32 $0xFFFFE000  }
0xb6: {  	[tilespmem:s15], [sflag:$0x2] =	stream.indirect.gather [spmem:s2], $0x40, s7, s12, $0xb8;
	[tilespmem:$0x1FA40] =	vst v63  }
0xb7: {  	_ =	swait.ge [sflag:s16], $0x2000  }
0xb8: {  	[sflag:s16] =	ssyncset.done $0x0  }
0xb9: {  	s6 =	simm.s32 $0x17940;
	[sflag:s16] =	ssyncadd.s32 $0xFFFFE000  }
0xba: {  	[spmem:s3] =	stream.indirect.scatter.add.f32 [tilespmem:s13], [sflag:$0x5], $0x40, s6, s12, $0xb8;
	[tilespmem:$0x1FA40] =	vst v63  }
0xbb: {  	_ =	swait.ge [sflag:s30], $0x2000  }
0xbc: {  	[sflag:s30] =	ssyncset.done $0x0  }
0xbd: {  	[sflag:s30] =	ssyncadd.s32 $0xFFFFE000  }
0xbe: {  	_ =	swait.ge [sflag:s17], $0x2000  }
0xbf: {  	[sflag:s17] =	ssyncset.done $0x0  }
0xc0: {  	s7 =	simm.s32 $0x179C0;
	[sflag:s17] =	ssyncadd.s32 $0xFFFFE000  }
0xc1: {  	[spmem:s3] =	stream.indirect.scatter.add.f32 [tilespmem:s15], [sflag:$0x5], $0x40, s7, s12, $0xb8;
	[tilespmem:$0x1FA40] =	vst v63  }
0xc2: {  	_ =	swait.ge [sflag:s30], $0x2000  }
0xc3: {  	[sflag:s30] =	ssyncset.done $0x0  }
0xc4: {  	[sflag:s30] =	ssyncadd.s32 $0xFFFFE000  }
0xc5: {  	_ =	swait.ge [sflag:s22], $0x1000  }
0xc6: {  	[sflag:s22] =	ssyncset.done $0x0  }
0xc7: {  	[sflag:s22] =	ssyncadd.s32 $0xFFFFF000  }
0xc8: {  	_ =	swait.ge [sflag:s22], $0x1000  }
0xc9: {  	[sflag:s22] =	ssyncset.done $0x0  }
0xca: {  	s6 =	simm.s32 $0x0;
	s8 =	rddreg [dreg:$0x15];
	[sflag:s22] =	ssyncadd.s32 $0xFFFFF000  }
0xcb: {  	[tilespmem:s10], [sflag:$0x4] =	stream.linear.gather [hbm4b:s8+s6], $0x400, $0x38;
	[tilespmem:$0x1FA40] =	vst v63  }
0xcc: {  	s8 =	rddreg [dreg:$0x16]  }
0xcd: {  	[tilespmem:s11], [sflag:$0x4] =	stream.linear.gather [hbm4b:s8+s6], $0x400, $0x38;
	[tilespmem:$0x1FA40] =	vst v63  }
0xce: {  	_ = 	snop  }
0xcf: {  	[tilespmem:s13], [sflag:$0x1] =	stream.indirect.gather [spmem:s2], $0x40, s31, s12, $0xb8;
	[tilespmem:$0x1FA40] =	vst v63  }
0xd0: {  	_ = 	snop  }
0xd1: {  	[tilespmem:s15], [sflag:$0x2] =	stream.indirect.gather [spmem:s2], $0x40, s14, s12, $0xb8;
	[tilespmem:$0x1FA40] =	vst v63  }
0xd2: {  	_ =	swait.ge [sflag:s16], $0x2000  }
0xd3: {  	[sflag:s16] =	ssyncset.done $0x0  }
0xd4: {  	s8 =	simm.s32 $0x14A40;
	[sflag:s16] =	ssyncadd.s32 $0xFFFFE000  }
0xd5: {  	[spmem:s3] =	stream.indirect.scatter.add.f32 [tilespmem:s13], [sflag:$0x5], $0x40, s8, s12, $0xb8;
	[tilespmem:$0x1FA40] =	vst v63  }
0xd6: {  	_ =	swait.ge [sflag:s30], $0x2000  }
0xd7: {  	[sflag:s30] =	ssyncset.done $0x0  }
0xd8: {  	s7 =	simm.s32 $0x13B40;
	[sflag:s30] =	ssyncadd.s32 $0xFFFFE000  }
0xd9: {  	[tilespmem:s13], [sflag:$0x1] =	stream.indirect.gather [spmem:s2], $0x40, s7, s12, $0xb8;
	[tilespmem:$0x1FA40] =	vst v63  }
0xda: {  	_ =	swait.ge [sflag:s17], $0x2000  }
0xdb: {  	[sflag:s17] =	ssyncset.done $0x0  }
0xdc: {  	s8 =	simm.s32 $0x14AC0;
	[sflag:s17] =	ssyncadd.s32 $0xFFFFE000  }
0xdd: {  	[spmem:s3] =	stream.indirect.scatter.add.f32 [tilespmem:s15], [sflag:$0x5], $0x40, s8, s12, $0xb8;
	[tilespmem:$0x1FA40] =	vst v63  }
0xde: {  	_ =	swait.ge [sflag:s30], $0x2000  }
0xdf: {  	[sflag:s30] =	ssyncset.done $0x0  }
0xe0: {  	s6 =	simm.s32 $0x400;
	s7 =	simm.s32 $0x13BC0;
	[sflag:s30] =	ssyncadd.s32 $0xFFFFE000  }
.LBB2_18:
0xe1: {  	[tilespmem:s15], [sflag:$0x2] =	stream.indirect.gather [spmem:s2], $0x40, s7, s12, $0xb8;
	[tilespmem:$0x1FA40] =	vst v63  }
0xe2: {  	s7 =	smov.u32 s6  }
0xe3: {  	p1 =	sne.s32 s6, $0x3800;
	s6 =	sadd.s32 $0x400, s6;
	_ =	swait.ge [sflag:s16], $0x2000  }
0xe4: {  	s7 =	sshra.s32 s7, $0x2;
	[sflag:s16] =	ssyncset.done $0x0  }
0xe5: {  	s8 =	sadd.s32 $0x14A40, s7;
	[sflag:s16] =	ssyncadd.s32 $0xFFFFE000  }
0xe6: {  	[spmem:s3] =	stream.indirect.scatter.add.f32 [tilespmem:s13], [sflag:$0x5], $0x40, s8, s12, $0xb8;
	[tilespmem:$0x1FA40] =	vst v63  }
0xe7: {  	_ =	swait.ge [sflag:s30], $0x2000  }
0xe8: {  	[sflag:s30] =	ssyncset.done $0x0  }
0xe9: {  	s8 =	sadd.s32 $0x13B40, s7;
	[sflag:s30] =	ssyncadd.s32 $0xFFFFE000  }
0xea: {  	[tilespmem:s13], [sflag:$0x1] =	stream.indirect.gather [spmem:s2], $0x40, s8, s12, $0xb8;
	[tilespmem:$0x1FA40] =	vst v63  }
0xeb: {  	_ =	swait.ge [sflag:s17], $0x2000  }
0xec: {  	[sflag:s17] =	ssyncset.done $0x0  }
.Ltmp5:
0xed: {  	s8 =	sadd.s32 $0x14AC0, s7;
	[sflag:s17] =	ssyncadd.s32 $0xFFFFE000;
	(pc) =	sbr.rel @p1 .LBB2_18-.Ltmp5, $4  }
0xee: {  	[spmem:s3] =	stream.indirect.scatter.add.f32 [tilespmem:s15], [sflag:$0x5], $0x40, s8, s12, $0xb8;
	[tilespmem:$0x1FA40] =	vst v63  }
0xef: {  	_ =	swait.ge [sflag:s30], $0x2000  }
0xf0: {  	[sflag:s30] =	ssyncset.done $0x0  }
0xf1: {  	s7 =	sadd.s32 $0x13BC0, s7;
	[sflag:s30] =	ssyncadd.s32 $0xFFFFE000  }
0xf2: {  	[tilespmem:s15], [sflag:$0x2] =	stream.indirect.gather [spmem:s2], $0x40, s7, s12, $0xb8;
	[tilespmem:$0x1FA40] =	vst v63  }
0xf3: {  	_ =	swait.ge [sflag:s16], $0x2000  }
0xf4: {  	[sflag:s16] =	ssyncset.done $0x0  }
0xf5: {  	[sflag:s16] =	ssyncadd.s32 $0xFFFFE000  }
0xf6: {  	[spmem:s3] =	stream.indirect.scatter.add.f32 [tilespmem:s13], [sflag:$0x5], $0x40, s18, s12, $0xb8;
	[tilespmem:$0x1FA40] =	vst v63  }
0xf7: {  	_ =	swait.ge [sflag:s30], $0x2000  }
0xf8: {  	[sflag:s30] =	ssyncset.done $0x0  }
0xf9: {  	[sflag:s30] =	ssyncadd.s32 $0xFFFFE000  }
0xfa: {  	_ =	swait.ge [sflag:s17], $0x2000  }
0xfb: {  	[sflag:s17] =	ssyncset.done $0x0  }
0xfc: {  	[sflag:s17] =	ssyncadd.s32 $0xFFFFE000  }
0xfd: {  	[spmem:s3] =	stream.indirect.scatter.add.f32 [tilespmem:s15], [sflag:$0x5], $0x40, s19, s12, $0xb8;
	[tilespmem:$0x1FA40] =	vst v63  }
0xfe: {  	_ =	swait.ge [sflag:s30], $0x2000  }
0xff: {  	[sflag:s30] =	ssyncset.done $0x0  }
0x100: {  	[sflag:s30] =	ssyncadd.s32 $0xFFFFE000  }
0x101: {  	_ =	swait.ge [sflag:s20], $0x400  }
0x102: {  	[sflag:s20] =	ssyncset.done $0x0  }
0x103: {  	[sflag:s20] =	ssyncadd.s32 $0xFFFFFC00  }
0x104: {  	_ =	swait.ge [sflag:s20], $0x400  }
0x105: {  	[sflag:s20] =	ssyncset.done $0x0  }
0x106: {  	[sflag:s20] =	ssyncadd.s32 $0xFFFFFC00  }
0x107: {  	[tilespmem:s13], [sflag:$0x1] =	stream.indirect.gather [spmem:s2], $0x40, s10, s12, $0xb8;
	[tilespmem:$0x1FA40] =	vst v63  }
0x108: {  	_ = 	snop  }
0x109: {  	[tilespmem:s15], [sflag:$0x2] =	stream.indirect.gather [spmem:s2], $0x40, s21, s12, $0xb8;
	[tilespmem:$0x1FA40] =	vst v63  }
0x10a: {  	_ =	swait.ge [sflag:s16], $0x2000  }
0x10b: {  	[sflag:s16] =	ssyncset.done $0x0  }
0x10c: {  	[sflag:s16] =	ssyncadd.s32 $0xFFFFE000  }
0x10d: {  	[spmem:s3] =	stream.indirect.scatter.add.f32 [tilespmem:s13], [sflag:$0x5], $0x40, s11, s12, $0xb8;
	[tilespmem:$0x1FA40] =	vst v63  }
0x10e: {  	_ =	swait.ge [sflag:s30], $0x2000  }
0x10f: {  	[sflag:s30] =	ssyncset.done $0x0  }
0x110: {  	s6 =	simm.s32 $0x15B40;
	[sflag:s30] =	ssyncadd.s32 $0xFFFFE000  }
0x111: {  	[tilespmem:s13], [sflag:$0x1] =	stream.indirect.gather [spmem:s2], $0x40, s6, s12, $0xb8;
	[tilespmem:$0x1FA40] =	vst v63  }
0x112: {  	_ =	swait.ge [sflag:s17], $0x2000  }
0x113: {  	[sflag:s17] =	ssyncset.done $0x0  }
0x114: {  	s7 =	simm.s32 $0x16AC0;
	[sflag:s17] =	ssyncadd.s32 $0xFFFFE000  }
0x115: {  	[spmem:s3] =	stream.indirect.scatter.add.f32 [tilespmem:s15], [sflag:$0x5], $0x40, s7, s12, $0xb8;
	[tilespmem:$0x1FA40] =	vst v63  }
0x116: {  	_ =	swait.ge [sflag:s30], $0x2000  }
0x117: {  	[sflag:s30] =	ssyncset.done $0x0  }
0x118: {  	s8 =	simm.s32 $0x15BC0;
	[sflag:s30] =	ssyncadd.s32 $0xFFFFE000  }
0x119: {  	[tilespmem:s15], [sflag:$0x2] =	stream.indirect.gather [spmem:s2], $0x40, s8, s12, $0xb8;
	[tilespmem:$0x1FA40] =	vst v63  }
0x11a: {  	_ =	swait.ge [sflag:s16], $0x2000  }
0x11b: {  	[sflag:s16] =	ssyncset.done $0x0  }
0x11c: {  	s7 =	simm.s32 $0x16B40;
	[sflag:s16] =	ssyncadd.s32 $0xFFFFE000  }
0x11d: {  	[spmem:s3] =	stream.indirect.scatter.add.f32 [tilespmem:s13], [sflag:$0x5], $0x40, s7, s12, $0xb8;
	[tilespmem:$0x1FA40] =	vst v63  }
0x11e: {  	_ =	swait.ge [sflag:s30], $0x2000  }
0x11f: {  	[sflag:s30] =	ssyncset.done $0x0  }
0x120: {  	s8 =	simm.s32 $0x15C40;
	[sflag:s30] =	ssyncadd.s32 $0xFFFFE000  }
0x121: {  	[tilespmem:s13], [sflag:$0x1] =	stream.indirect.gather [spmem:s2], $0x40, s8, s12, $0xb8;
	[tilespmem:$0x1FA40] =	vst v63  }
0x122: {  	_ =	swait.ge [sflag:s17], $0x2000  }
0x123: {  	[sflag:s17] =	ssyncset.done $0x0  }
0x124: {  	s7 =	simm.s32 $0x16BC0;
	[sflag:s17] =	ssyncadd.s32 $0xFFFFE000  }
0x125: {  	[spmem:s3] =	stream.indirect.scatter.add.f32 [tilespmem:s15], [sflag:$0x5], $0x40, s7, s12, $0xb8;
	[tilespmem:$0x1FA40] =	vst v63  }
0x126: {  	_ =	swait.ge [sflag:s30], $0x2000  }
0x127: {  	[sflag:s30] =	ssyncset.done $0x0  }
0x128: {  	s8 =	simm.s32 $0x15CC0;
	[sflag:s30] =	ssyncadd.s32 $0xFFFFE000  }
0x129: {  	[tilespmem:s15], [sflag:$0x2] =	stream.indirect.gather [spmem:s2], $0x40, s8, s12, $0xb8;
	[tilespmem:$0x1FA40] =	vst v63  }
0x12a: {  	_ =	swait.ge [sflag:s16], $0x2000  }
0x12b: {  	[sflag:s16] =	ssyncset.done $0x0  }
0x12c: {  	s7 =	simm.s32 $0x16C40;
	[sflag:s16] =	ssyncadd.s32 $0xFFFFE000  }
0x12d: {  	[spmem:s3] =	stream.indirect.scatter.add.f32 [tilespmem:s13], [sflag:$0x5], $0x40, s7, s12, $0xb8;
	[tilespmem:$0x1FA40] =	vst v63  }
0x12e: {  	_ =	swait.ge [sflag:s30], $0x2000  }
0x12f: {  	[sflag:s30] =	ssyncset.done $0x0  }
0x130: {  	s8 =	simm.s32 $0x15D40;
	[sflag:s30] =	ssyncadd.s32 $0xFFFFE000  }
0x131: {  	[tilespmem:s13], [sflag:$0x1] =	stream.indirect.gather [spmem:s2], $0x40, s8, s12, $0xb8;
	[tilespmem:$0x1FA40] =	vst v63  }
0x132: {  	_ =	swait.ge [sflag:s17], $0x2000  }
0x133: {  	[sflag:s17] =	ssyncset.done $0x0  }
0x134: {  	s7 =	simm.s32 $0x16CC0;
	[sflag:s17] =	ssyncadd.s32 $0xFFFFE000  }
0x135: {  	[spmem:s3] =	stream.indirect.scatter.add.f32 [tilespmem:s15], [sflag:$0x5], $0x40, s7, s12, $0xb8;
	[tilespmem:$0x1FA40] =	vst v63  }
.Ltmp6:
0x136: {  	_ = 	snop;
	(pc) =	sbr.rel .LBB2_20-.Ltmp6, $4  }
0x137: {  	_ =	swait.ge [sflag:s30], $0x2000  }
0x138: {  	s6 =	simm.s32 $0x16DC0;
	[sflag:s30] =	ssyncset.done $0x0  }
0x139: {  	s8 =	simm.s32 $0x15DC0;
	s7 =	simm.s32 $0x16D40;
	[sflag:s30] =	ssyncadd.s32 $0xFFFFE000  }
0x13a: {  	[tilespmem:s15], [sflag:$0x2] =	stream.indirect.gather [spmem:s2], $0x40, s8, s12, $0xb8;
	[tilespmem:$0x1FA40] =	vst v63  }
.LBB2_2:
0x13b: {  	s7 =	rddreg [dreg:$0x9]  }
0x13c: {  	[tilespmem:s10], [sflag:$0x4] =	stream.linear.gather [hbm4b:s7+s6], $0x1000, $0x38;
	[tilespmem:$0x1FA40] =	vst v63  }
0x13d: {  	s8 =	rddreg [dreg:$0xa]  }
0x13e: {  	[tilespmem:s11], [sflag:$0x4] =	stream.linear.gather [hbm4b:s8+s6], $0x1000, $0x38;
	[tilespmem:$0x1FA40] =	vst v63  }
0x13f: {  	_ = 	snop  }
0x140: {  	[tilespmem:s13], [sflag:$0x1] =	stream.indirect.gather [spmem:s2], $0x40, s31, s12, $0xb8;
	[tilespmem:$0x1FA40] =	vst v63  }
0x141: {  	_ = 	snop  }
0x142: {  	[tilespmem:s15], [sflag:$0x2] =	stream.indirect.gather [spmem:s2], $0x40, s14, s12, $0xb8;
	[tilespmem:$0x1FA40] =	vst v63  }
0x143: {  	_ =	swait.ge [sflag:s16], $0x2000  }
0x144: {  	[sflag:s16] =	ssyncset.done $0x0  }
0x145: {  	s8 =	simm.s32 $0x14A40;
	[sflag:s16] =	ssyncadd.s32 $0xFFFFE000  }
0x146: {  	[spmem:s3] =	stream.indirect.scatter.add.f32 [tilespmem:s13], [sflag:$0x5], $0x40, s8, s12, $0xb8;
	[tilespmem:$0x1FA40] =	vst v63  }
0x147: {  	_ =	swait.ge [sflag:s30], $0x2000  }
0x148: {  	[sflag:s30] =	ssyncset.done $0x0  }
0x149: {  	s7 =	simm.s32 $0x13B40;
	[sflag:s30] =	ssyncadd.s32 $0xFFFFE000  }
0x14a: {  	[tilespmem:s13], [sflag:$0x1] =	stream.indirect.gather [spmem:s2], $0x40, s7, s12, $0xb8;
	[tilespmem:$0x1FA40] =	vst v63  }
0x14b: {  	_ =	swait.ge [sflag:s17], $0x2000  }
0x14c: {  	[sflag:s17] =	ssyncset.done $0x0  }
0x14d: {  	s8 =	simm.s32 $0x14AC0;
	[sflag:s17] =	ssyncadd.s32 $0xFFFFE000  }
0x14e: {  	[spmem:s3] =	stream.indirect.scatter.add.f32 [tilespmem:s15], [sflag:$0x5], $0x40, s8, s12, $0xb8;
	[tilespmem:$0x1FA40] =	vst v63  }
0x14f: {  	_ =	swait.ge [sflag:s30], $0x2000  }
0x150: {  	[sflag:s30] =	ssyncset.done $0x0  }
0x151: {  	s6 =	simm.s32 $0x400;
	s7 =	simm.s32 $0x13BC0;
	[sflag:s30] =	ssyncadd.s32 $0xFFFFE000  }
.LBB2_3:
0x152: {  	[tilespmem:s15], [sflag:$0x2] =	stream.indirect.gather [spmem:s2], $0x40, s7, s12, $0xb8;
	[tilespmem:$0x1FA40] =	vst v63  }
0x153: {  	s7 =	smov.u32 s6  }
0x154: {  	p1 =	sne.s32 s6, $0x3800;
	s6 =	sadd.s32 $0x400, s6;
	_ =	swait.ge [sflag:s16], $0x2000  }
0x155: {  	s7 =	sshra.s32 s7, $0x2;
	[sflag:s16] =	ssyncset.done $0x0  }
0x156: {  	s8 =	sadd.s32 $0x14A40, s7;
	[sflag:s16] =	ssyncadd.s32 $0xFFFFE000  }
0x157: {  	[spmem:s3] =	stream.indirect.scatter.add.f32 [tilespmem:s13], [sflag:$0x5], $0x40, s8, s12, $0xb8;
	[tilespmem:$0x1FA40] =	vst v63  }
0x158: {  	_ =	swait.ge [sflag:s30], $0x2000  }
0x159: {  	[sflag:s30] =	ssyncset.done $0x0  }
0x15a: {  	s8 =	sadd.s32 $0x13B40, s7;
	[sflag:s30] =	ssyncadd.s32 $0xFFFFE000  }
0x15b: {  	[tilespmem:s13], [sflag:$0x1] =	stream.indirect.gather [spmem:s2], $0x40, s8, s12, $0xb8;
	[tilespmem:$0x1FA40] =	vst v63  }
0x15c: {  	_ =	swait.ge [sflag:s17], $0x2000  }
0x15d: {  	[sflag:s17] =	ssyncset.done $0x0  }
.Ltmp7:
0x15e: {  	s8 =	sadd.s32 $0x14AC0, s7;
	[sflag:s17] =	ssyncadd.s32 $0xFFFFE000;
	(pc) =	sbr.rel @p1 .LBB2_3-.Ltmp7, $4  }
0x15f: {  	[spmem:s3] =	stream.indirect.scatter.add.f32 [tilespmem:s15], [sflag:$0x5], $0x40, s8, s12, $0xb8;
	[tilespmem:$0x1FA40] =	vst v63  }
0x160: {  	_ =	swait.ge [sflag:s30], $0x2000  }
0x161: {  	[sflag:s30] =	ssyncset.done $0x0  }
0x162: {  	s7 =	sadd.s32 $0x13BC0, s7;
	[sflag:s30] =	ssyncadd.s32 $0xFFFFE000  }
0x163: {  	[tilespmem:s15], [sflag:$0x2] =	stream.indirect.gather [spmem:s2], $0x40, s7, s12, $0xb8;
	[tilespmem:$0x1FA40] =	vst v63  }
0x164: {  	_ =	swait.ge [sflag:s16], $0x2000  }
0x165: {  	[sflag:s16] =	ssyncset.done $0x0  }
0x166: {  	[sflag:s16] =	ssyncadd.s32 $0xFFFFE000  }
0x167: {  	[spmem:s3] =	stream.indirect.scatter.add.f32 [tilespmem:s13], [sflag:$0x5], $0x40, s18, s12, $0xb8;
	[tilespmem:$0x1FA40] =	vst v63  }
0x168: {  	_ =	swait.ge [sflag:s30], $0x2000  }
0x169: {  	[sflag:s30] =	ssyncset.done $0x0  }
0x16a: {  	[sflag:s30] =	ssyncadd.s32 $0xFFFFE000  }
0x16b: {  	_ =	swait.ge [sflag:s17], $0x2000  }
0x16c: {  	[sflag:s17] =	ssyncset.done $0x0  }
0x16d: {  	[sflag:s17] =	ssyncadd.s32 $0xFFFFE000  }
0x16e: {  	[spmem:s3] =	stream.indirect.scatter.add.f32 [tilespmem:s15], [sflag:$0x5], $0x40, s19, s12, $0xb8;
	[tilespmem:$0x1FA40] =	vst v63  }
0x16f: {  	_ =	swait.ge [sflag:s30], $0x2000  }
0x170: {  	[sflag:s30] =	ssyncset.done $0x0  }
0x171: {  	[sflag:s30] =	ssyncadd.s32 $0xFFFFE000  }
0x172: {  	_ =	swait.ge [sflag:s20], $0x1000  }
0x173: {  	[sflag:s20] =	ssyncset.done $0x0  }
0x174: {  	[sflag:s20] =	ssyncadd.s32 $0xFFFFF000  }
0x175: {  	_ =	swait.ge [sflag:s20], $0x1000  }
0x176: {  	[sflag:s20] =	ssyncset.done $0x0  }
0x177: {  	s6 =	simm.s32 $0x0;
	s8 =	rddreg [dreg:$0xb];
	[sflag:s20] =	ssyncadd.s32 $0xFFFFF000  }
0x178: {  	[tilespmem:s31], [sflag:$0x3] =	stream.linear.gather [hbm4b:s8+s6], $0x1000, $0x38;
	[tilespmem:$0x1FA40] =	vst v63  }
0x179: {  	s8 =	rddreg [dreg:$0xc]  }
0x17a: {  	[tilespmem:s0], [sflag:$0x3] =	stream.linear.gather [hbm4b:s8+s6], $0x1000, $0x38;
	[tilespmem:$0x1FA40] =	vst v63  }
0x17b: {  	_ = 	snop  }
0x17c: {  	[tilespmem:s13], [sflag:$0x1] =	stream.indirect.gather [spmem:s2], $0x40, s10, s12, $0xb8;
	[tilespmem:$0x1FA40] =	vst v63  }
0x17d: {  	_ = 	snop  }
0x17e: {  	[tilespmem:s15], [sflag:$0x2] =	stream.indirect.gather [spmem:s2], $0x40, s21, s12, $0xb8;
	[tilespmem:$0x1FA40] =	vst v63  }
0x17f: {  	_ =	swait.ge [sflag:s16], $0x2000  }
0x180: {  	[sflag:s16] =	ssyncset.done $0x0  }
0x181: {  	s8 =	simm.s32 $0x16A40;
	[sflag:s16] =	ssyncadd.s32 $0xFFFFE000  }
0x182: {  	[spmem:s3] =	stream.indirect.scatter.add.f32 [tilespmem:s13], [sflag:$0x5], $0x40, s8, s12, $0xb8;
	[tilespmem:$0x1FA40] =	vst v63  }
0x183: {  	_ =	swait.ge [sflag:s30], $0x2000  }
0x184: {  	[sflag:s30] =	ssyncset.done $0x0  }
0x185: {  	s7 =	simm.s32 $0x15B40;
	[sflag:s30] =	ssyncadd.s32 $0xFFFFE000  }
0x186: {  	[tilespmem:s13], [sflag:$0x1] =	stream.indirect.gather [spmem:s2], $0x40, s7, s12, $0xb8;
	[tilespmem:$0x1FA40] =	vst v63  }
0x187: {  	_ =	swait.ge [sflag:s17], $0x2000  }
0x188: {  	[sflag:s17] =	ssyncset.done $0x0  }
0x189: {  	s8 =	simm.s32 $0x16AC0;
	[sflag:s17] =	ssyncadd.s32 $0xFFFFE000  }
0x18a: {  	[spmem:s3] =	stream.indirect.scatter.add.f32 [tilespmem:s15], [sflag:$0x5], $0x40, s8, s12, $0xb8;
	[tilespmem:$0x1FA40] =	vst v63  }
0x18b: {  	_ =	swait.ge [sflag:s30], $0x2000  }
0x18c: {  	[sflag:s30] =	ssyncset.done $0x0  }
0x18d: {  	s6 =	simm.s32 $0x400;
	s7 =	simm.s32 $0x15BC0;
	[sflag:s30] =	ssyncadd.s32 $0xFFFFE000  }
.LBB2_5:
0x18e: {  	[tilespmem:s15], [sflag:$0x2] =	stream.indirect.gather [spmem:s2], $0x40, s7, s12, $0xb8;
	[tilespmem:$0x1FA40] =	vst v63  }
0x18f: {  	s7 =	smov.u32 s6  }
0x190: {  	p1 =	sne.s32 s6, $0x3800;
	s6 =	sadd.s32 $0x400, s6;
	_ =	swait.ge [sflag:s16], $0x2000  }
0x191: {  	s7 =	sshra.s32 s7, $0x2;
	[sflag:s16] =	ssyncset.done $0x0  }
0x192: {  	s8 =	sadd.s32 $0x16A40, s7;
	[sflag:s16] =	ssyncadd.s32 $0xFFFFE000  }
0x193: {  	[spmem:s3] =	stream.indirect.scatter.add.f32 [tilespmem:s13], [sflag:$0x5], $0x40, s8, s12, $0xb8;
	[tilespmem:$0x1FA40] =	vst v63  }
0x194: {  	_ =	swait.ge [sflag:s30], $0x2000  }
0x195: {  	[sflag:s30] =	ssyncset.done $0x0  }
0x196: {  	s8 =	sadd.s32 $0x15B40, s7;
	[sflag:s30] =	ssyncadd.s32 $0xFFFFE000  }
0x197: {  	[tilespmem:s13], [sflag:$0x1] =	stream.indirect.gather [spmem:s2], $0x40, s8, s12, $0xb8;
	[tilespmem:$0x1FA40] =	vst v63  }
0x198: {  	_ =	swait.ge [sflag:s17], $0x2000  }
0x199: {  	[sflag:s17] =	ssyncset.done $0x0  }
.Ltmp8:
0x19a: {  	s8 =	sadd.s32 $0x16AC0, s7;
	[sflag:s17] =	ssyncadd.s32 $0xFFFFE000;
	(pc) =	sbr.rel @p1 .LBB2_5-.Ltmp8, $4  }
0x19b: {  	[spmem:s3] =	stream.indirect.scatter.add.f32 [tilespmem:s15], [sflag:$0x5], $0x40, s8, s12, $0xb8;
	[tilespmem:$0x1FA40] =	vst v63  }
0x19c: {  	_ =	swait.ge [sflag:s30], $0x2000  }
0x19d: {  	[sflag:s30] =	ssyncset.done $0x0  }
0x19e: {  	s7 =	sadd.s32 $0x15BC0, s7;
	[sflag:s30] =	ssyncadd.s32 $0xFFFFE000  }
0x19f: {  	[tilespmem:s15], [sflag:$0x2] =	stream.indirect.gather [spmem:s2], $0x40, s7, s12, $0xb8;
	[tilespmem:$0x1FA40] =	vst v63  }
0x1a0: {  	_ =	swait.ge [sflag:s16], $0x2000  }
0x1a1: {  	[sflag:s16] =	ssyncset.done $0x0  }
0x1a2: {  	s6 =	simm.s32 $0x17940;
	[sflag:s16] =	ssyncadd.s32 $0xFFFFE000  }
0x1a3: {  	[spmem:s3] =	stream.indirect.scatter.add.f32 [tilespmem:s13], [sflag:$0x5], $0x40, s6, s12, $0xb8;
	[tilespmem:$0x1FA40] =	vst v63  }
0x1a4: {  	_ =	swait.ge [sflag:s30], $0x2000  }
0x1a5: {  	[sflag:s30] =	ssyncset.done $0x0  }
0x1a6: {  	[sflag:s30] =	ssyncadd.s32 $0xFFFFE000  }
0x1a7: {  	_ =	swait.ge [sflag:s17], $0x2000  }
0x1a8: {  	[sflag:s17] =	ssyncset.done $0x0  }
0x1a9: {  	s7 =	simm.s32 $0x179C0;
	[sflag:s17] =	ssyncadd.s32 $0xFFFFE000  }
0x1aa: {  	[spmem:s3] =	stream.indirect.scatter.add.f32 [tilespmem:s15], [sflag:$0x5], $0x40, s7, s12, $0xb8;
	[tilespmem:$0x1FA40] =	vst v63  }
0x1ab: {  	_ =	swait.ge [sflag:s30], $0x2000  }
0x1ac: {  	[sflag:s30] =	ssyncset.done $0x0  }
0x1ad: {  	[sflag:s30] =	ssyncadd.s32 $0xFFFFE000  }
0x1ae: {  	_ =	swait.ge [sflag:s22], $0x1000  }
0x1af: {  	[sflag:s22] =	ssyncset.done $0x0  }
0x1b0: {  	[sflag:s22] =	ssyncadd.s32 $0xFFFFF000  }
0x1b1: {  	_ =	swait.ge [sflag:s22], $0x1000  }
0x1b2: {  	[sflag:s22] =	ssyncset.done $0x0  }
0x1b3: {  	s6 =	simm.s32 $0x0;
	s8 =	rddreg [dreg:$0xd];
	[sflag:s22] =	ssyncadd.s32 $0xFFFFF000  }
0x1b4: {  	[tilespmem:s10], [sflag:$0x4] =	stream.linear.gather [hbm4b:s8+s6], $0x1000, $0x38;
	[tilespmem:$0x1FA40] =	vst v63  }
0x1b5: {  	s8 =	rddreg [dreg:$0xe]  }
0x1b6: {  	[tilespmem:s11], [sflag:$0x4] =	stream.linear.gather [hbm4b:s8+s6], $0x1000, $0x38;
	[tilespmem:$0x1FA40] =	vst v63  }
0x1b7: {  	_ = 	snop  }
0x1b8: {  	[tilespmem:s13], [sflag:$0x1] =	stream.indirect.gather [spmem:s2], $0x40, s31, s12, $0xb8;
	[tilespmem:$0x1FA40] =	vst v63  }
0x1b9: {  	_ = 	snop  }
0x1ba: {  	[tilespmem:s15], [sflag:$0x2] =	stream.indirect.gather [spmem:s2], $0x40, s14, s12, $0xb8;
	[tilespmem:$0x1FA40] =	vst v63  }
0x1bb: {  	_ =	swait.ge [sflag:s16], $0x2000  }
0x1bc: {  	[sflag:s16] =	ssyncset.done $0x0  }
0x1bd: {  	s8 =	simm.s32 $0x14A40;
	[sflag:s16] =	ssyncadd.s32 $0xFFFFE000  }
0x1be: {  	[spmem:s3] =	stream.indirect.scatter.add.f32 [tilespmem:s13], [sflag:$0x5], $0x40, s8, s12, $0xb8;
	[tilespmem:$0x1FA40] =	vst v63  }
0x1bf: {  	_ =	swait.ge [sflag:s30], $0x2000  }
0x1c0: {  	[sflag:s30] =	ssyncset.done $0x0  }
0x1c1: {  	s7 =	simm.s32 $0x13B40;
	[sflag:s30] =	ssyncadd.s32 $0xFFFFE000  }
0x1c2: {  	[tilespmem:s13], [sflag:$0x1] =	stream.indirect.gather [spmem:s2], $0x40, s7, s12, $0xb8;
	[tilespmem:$0x1FA40] =	vst v63  }
0x1c3: {  	_ =	swait.ge [sflag:s17], $0x2000  }
0x1c4: {  	[sflag:s17] =	ssyncset.done $0x0  }
0x1c5: {  	s8 =	simm.s32 $0x14AC0;
	[sflag:s17] =	ssyncadd.s32 $0xFFFFE000  }
0x1c6: {  	[spmem:s3] =	stream.indirect.scatter.add.f32 [tilespmem:s15], [sflag:$0x5], $0x40, s8, s12, $0xb8;
	[tilespmem:$0x1FA40] =	vst v63  }
0x1c7: {  	_ =	swait.ge [sflag:s30], $0x2000  }
0x1c8: {  	[sflag:s30] =	ssyncset.done $0x0  }
0x1c9: {  	s6 =	simm.s32 $0x400;
	s7 =	simm.s32 $0x13BC0;
	[sflag:s30] =	ssyncadd.s32 $0xFFFFE000  }
.LBB2_7:
0x1ca: {  	[tilespmem:s15], [sflag:$0x2] =	stream.indirect.gather [spmem:s2], $0x40, s7, s12, $0xb8;
	[tilespmem:$0x1FA40] =	vst v63  }
0x1cb: {  	s7 =	smov.u32 s6  }
0x1cc: {  	p1 =	sne.s32 s6, $0x3800;
	s6 =	sadd.s32 $0x400, s6;
	_ =	swait.ge [sflag:s16], $0x2000  }
0x1cd: {  	s7 =	sshra.s32 s7, $0x2;
	[sflag:s16] =	ssyncset.done $0x0  }
0x1ce: {  	s8 =	sadd.s32 $0x14A40, s7;
	[sflag:s16] =	ssyncadd.s32 $0xFFFFE000  }
0x1cf: {  	[spmem:s3] =	stream.indirect.scatter.add.f32 [tilespmem:s13], [sflag:$0x5], $0x40, s8, s12, $0xb8;
	[tilespmem:$0x1FA40] =	vst v63  }
0x1d0: {  	_ =	swait.ge [sflag:s30], $0x2000  }
0x1d1: {  	[sflag:s30] =	ssyncset.done $0x0  }
0x1d2: {  	s8 =	sadd.s32 $0x13B40, s7;
	[sflag:s30] =	ssyncadd.s32 $0xFFFFE000  }
0x1d3: {  	[tilespmem:s13], [sflag:$0x1] =	stream.indirect.gather [spmem:s2], $0x40, s8, s12, $0xb8;
	[tilespmem:$0x1FA40] =	vst v63  }
0x1d4: {  	_ =	swait.ge [sflag:s17], $0x2000  }
0x1d5: {  	[sflag:s17] =	ssyncset.done $0x0  }
.Ltmp9:
0x1d6: {  	s8 =	sadd.s32 $0x14AC0, s7;
	[sflag:s17] =	ssyncadd.s32 $0xFFFFE000;
	(pc) =	sbr.rel @p1 .LBB2_7-.Ltmp9, $4  }
0x1d7: {  	[spmem:s3] =	stream.indirect.scatter.add.f32 [tilespmem:s15], [sflag:$0x5], $0x40, s8, s12, $0xb8;
	[tilespmem:$0x1FA40] =	vst v63  }
0x1d8: {  	_ =	swait.ge [sflag:s30], $0x2000  }
0x1d9: {  	[sflag:s30] =	ssyncset.done $0x0  }
0x1da: {  	s7 =	sadd.s32 $0x13BC0, s7;
	[sflag:s30] =	ssyncadd.s32 $0xFFFFE000  }
0x1db: {  	[tilespmem:s15], [sflag:$0x2] =	stream.indirect.gather [spmem:s2], $0x40, s7, s12, $0xb8;
	[tilespmem:$0x1FA40] =	vst v63  }
0x1dc: {  	_ =	swait.ge [sflag:s16], $0x2000  }
0x1dd: {  	[sflag:s16] =	ssyncset.done $0x0  }
0x1de: {  	[sflag:s16] =	ssyncadd.s32 $0xFFFFE000  }
0x1df: {  	[spmem:s3] =	stream.indirect.scatter.add.f32 [tilespmem:s13], [sflag:$0x5], $0x40, s18, s12, $0xb8;
	[tilespmem:$0x1FA40] =	vst v63  }
0x1e0: {  	_ =	swait.ge [sflag:s30], $0x2000  }
0x1e1: {  	[sflag:s30] =	ssyncset.done $0x0  }
0x1e2: {  	[sflag:s30] =	ssyncadd.s32 $0xFFFFE000  }
0x1e3: {  	_ =	swait.ge [sflag:s17], $0x2000  }
0x1e4: {  	[sflag:s17] =	ssyncset.done $0x0  }
0x1e5: {  	[sflag:s17] =	ssyncadd.s32 $0xFFFFE000  }
0x1e6: {  	[spmem:s3] =	stream.indirect.scatter.add.f32 [tilespmem:s15], [sflag:$0x5], $0x40, s19, s12, $0xb8;
	[tilespmem:$0x1FA40] =	vst v63  }
0x1e7: {  	_ =	swait.ge [sflag:s30], $0x2000  }
0x1e8: {  	[sflag:s30] =	ssyncset.done $0x0  }
0x1e9: {  	[sflag:s30] =	ssyncadd.s32 $0xFFFFE000  }
0x1ea: {  	_ =	swait.ge [sflag:s20], $0x1000  }
0x1eb: {  	[sflag:s20] =	ssyncset.done $0x0  }
0x1ec: {  	[sflag:s20] =	ssyncadd.s32 $0xFFFFF000  }
0x1ed: {  	_ =	swait.ge [sflag:s20], $0x1000  }
0x1ee: {  	[sflag:s20] =	ssyncset.done $0x0  }
0x1ef: {  	s6 =	simm.s32 $0x0;
	s8 =	rddreg [dreg:$0xf];
	[sflag:s20] =	ssyncadd.s32 $0xFFFFF000  }
0x1f0: {  	[tilespmem:s31], [sflag:$0x3] =	stream.linear.gather [hbm4b:s8+s6], $0x1000, $0x38;
	[tilespmem:$0x1FA40] =	vst v63  }
0x1f1: {  	s8 =	rddreg [dreg:$0x10]  }
0x1f2: {  	[tilespmem:s0], [sflag:$0x3] =	stream.linear.gather [hbm4b:s8+s6], $0x1000, $0x38;
	[tilespmem:$0x1FA40] =	vst v63  }
0x1f3: {  	_ = 	snop  }
0x1f4: {  	[tilespmem:s13], [sflag:$0x1] =	stream.indirect.gather [spmem:s2], $0x40, s10, s12, $0xb8;
	[tilespmem:$0x1FA40] =	vst v63  }
0x1f5: {  	_ = 	snop  }
0x1f6: {  	[tilespmem:s15], [sflag:$0x2] =	stream.indirect.gather [spmem:s2], $0x40, s21, s12, $0xb8;
	[tilespmem:$0x1FA40] =	vst v63  }
0x1f7: {  	_ =	swait.ge [sflag:s16], $0x2000  }
0x1f8: {  	[sflag:s16] =	ssyncset.done $0x0  }
0x1f9: {  	s8 =	simm.s32 $0x16A40;
	[sflag:s16] =	ssyncadd.s32 $0xFFFFE000  }
0x1fa: {  	[spmem:s3] =	stream.indirect.scatter.add.f32 [tilespmem:s13], [sflag:$0x5], $0x40, s8, s12, $0xb8;
	[tilespmem:$0x1FA40] =	vst v63  }
0x1fb: {  	_ =	swait.ge [sflag:s30], $0x2000  }
0x1fc: {  	[sflag:s30] =	ssyncset.done $0x0  }
0x1fd: {  	s7 =	simm.s32 $0x15B40;
	[sflag:s30] =	ssyncadd.s32 $0xFFFFE000  }
0x1fe: {  	[tilespmem:s13], [sflag:$0x1] =	stream.indirect.gather [spmem:s2], $0x40, s7, s12, $0xb8;
	[tilespmem:$0x1FA40] =	vst v63  }
0x1ff: {  	_ =	swait.ge [sflag:s17], $0x2000  }
0x200: {  	[sflag:s17] =	ssyncset.done $0x0  }
0x201: {  	s8 =	simm.s32 $0x16AC0;
	[sflag:s17] =	ssyncadd.s32 $0xFFFFE000  }
0x202: {  	[spmem:s3] =	stream.indirect.scatter.add.f32 [tilespmem:s15], [sflag:$0x5], $0x40, s8, s12, $0xb8;
	[tilespmem:$0x1FA40] =	vst v63  }
0x203: {  	_ =	swait.ge [sflag:s30], $0x2000  }
0x204: {  	[sflag:s30] =	ssyncset.done $0x0  }
0x205: {  	s6 =	simm.s32 $0x400;
	s7 =	simm.s32 $0x15BC0;
	[sflag:s30] =	ssyncadd.s32 $0xFFFFE000  }
.LBB2_9:
0x206: {  	[tilespmem:s15], [sflag:$0x2] =	stream.indirect.gather [spmem:s2], $0x40, s7, s12, $0xb8;
	[tilespmem:$0x1FA40] =	vst v63  }
0x207: {  	s7 =	smov.u32 s6  }
0x208: {  	p1 =	sne.s32 s6, $0x3800;
	s6 =	sadd.s32 $0x400, s6;
	_ =	swait.ge [sflag:s16], $0x2000  }
0x209: {  	s7 =	sshra.s32 s7, $0x2;
	[sflag:s16] =	ssyncset.done $0x0  }
0x20a: {  	s8 =	sadd.s32 $0x16A40, s7;
	[sflag:s16] =	ssyncadd.s32 $0xFFFFE000  }
0x20b: {  	[spmem:s3] =	stream.indirect.scatter.add.f32 [tilespmem:s13], [sflag:$0x5], $0x40, s8, s12, $0xb8;
	[tilespmem:$0x1FA40] =	vst v63  }
0x20c: {  	_ =	swait.ge [sflag:s30], $0x2000  }
0x20d: {  	[sflag:s30] =	ssyncset.done $0x0  }
0x20e: {  	s8 =	sadd.s32 $0x15B40, s7;
	[sflag:s30] =	ssyncadd.s32 $0xFFFFE000  }
0x20f: {  	[tilespmem:s13], [sflag:$0x1] =	stream.indirect.gather [spmem:s2], $0x40, s8, s12, $0xb8;
	[tilespmem:$0x1FA40] =	vst v63  }
0x210: {  	_ =	swait.ge [sflag:s17], $0x2000  }
0x211: {  	[sflag:s17] =	ssyncset.done $0x0  }
.Ltmp10:
0x212: {  	s8 =	sadd.s32 $0x16AC0, s7;
	[sflag:s17] =	ssyncadd.s32 $0xFFFFE000;
	(pc) =	sbr.rel @p1 .LBB2_9-.Ltmp10, $4  }
0x213: {  	[spmem:s3] =	stream.indirect.scatter.add.f32 [tilespmem:s15], [sflag:$0x5], $0x40, s8, s12, $0xb8;
	[tilespmem:$0x1FA40] =	vst v63  }
0x214: {  	_ =	swait.ge [sflag:s30], $0x2000  }
0x215: {  	[sflag:s30] =	ssyncset.done $0x0  }
0x216: {  	s7 =	sadd.s32 $0x15BC0, s7;
	[sflag:s30] =	ssyncadd.s32 $0xFFFFE000  }
0x217: {  	[tilespmem:s15], [sflag:$0x2] =	stream.indirect.gather [spmem:s2], $0x40, s7, s12, $0xb8;
	[tilespmem:$0x1FA40] =	vst v63  }
0x218: {  	_ =	swait.ge [sflag:s16], $0x2000  }
0x219: {  	[sflag:s16] =	ssyncset.done $0x0  }
0x21a: {  	s6 =	simm.s32 $0x17940;
	[sflag:s16] =	ssyncadd.s32 $0xFFFFE000  }
0x21b: {  	[spmem:s3] =	stream.indirect.scatter.add.f32 [tilespmem:s13], [sflag:$0x5], $0x40, s6, s12, $0xb8;
	[tilespmem:$0x1FA40] =	vst v63  }
0x21c: {  	_ =	swait.ge [sflag:s30], $0x2000  }
0x21d: {  	[sflag:s30] =	ssyncset.done $0x0  }
0x21e: {  	[sflag:s30] =	ssyncadd.s32 $0xFFFFE000  }
0x21f: {  	_ =	swait.ge [sflag:s17], $0x2000  }
0x220: {  	[sflag:s17] =	ssyncset.done $0x0  }
0x221: {  	s7 =	simm.s32 $0x179C0;
	[sflag:s17] =	ssyncadd.s32 $0xFFFFE000  }
0x222: {  	[spmem:s3] =	stream.indirect.scatter.add.f32 [tilespmem:s15], [sflag:$0x5], $0x40, s7, s12, $0xb8;
	[tilespmem:$0x1FA40] =	vst v63  }
0x223: {  	_ =	swait.ge [sflag:s30], $0x2000  }
0x224: {  	[sflag:s30] =	ssyncset.done $0x0  }
0x225: {  	[sflag:s30] =	ssyncadd.s32 $0xFFFFE000  }
0x226: {  	_ =	swait.ge [sflag:s22], $0x1000  }
0x227: {  	[sflag:s22] =	ssyncset.done $0x0  }
0x228: {  	[sflag:s22] =	ssyncadd.s32 $0xFFFFF000  }
0x229: {  	_ =	swait.ge [sflag:s22], $0x1000  }
0x22a: {  	[sflag:s22] =	ssyncset.done $0x0  }
0x22b: {  	[sflag:s22] =	ssyncadd.s32 $0xFFFFF000  }
0x22c: {  	[tilespmem:s13], [sflag:$0x1] =	stream.indirect.gather [spmem:s2], $0x40, s31, s12, $0xb8;
	[tilespmem:$0x1FA40] =	vst v63  }
0x22d: {  	_ = 	snop  }
0x22e: {  	[tilespmem:s15], [sflag:$0x2] =	stream.indirect.gather [spmem:s2], $0x40, s14, s12, $0xb8;
	[tilespmem:$0x1FA40] =	vst v63  }
0x22f: {  	_ =	swait.ge [sflag:s16], $0x2000  }
0x230: {  	[sflag:s16] =	ssyncset.done $0x0  }
0x231: {  	s8 =	simm.s32 $0x14A40;
	[sflag:s16] =	ssyncadd.s32 $0xFFFFE000  }
0x232: {  	[spmem:s3] =	stream.indirect.scatter.add.f32 [tilespmem:s13], [sflag:$0x5], $0x40, s8, s12, $0xb8;
	[tilespmem:$0x1FA40] =	vst v63  }
0x233: {  	_ =	swait.ge [sflag:s30], $0x2000  }
0x234: {  	[sflag:s30] =	ssyncset.done $0x0  }
0x235: {  	s7 =	simm.s32 $0x13B40;
	[sflag:s30] =	ssyncadd.s32 $0xFFFFE000  }
0x236: {  	[tilespmem:s13], [sflag:$0x1] =	stream.indirect.gather [spmem:s2], $0x40, s7, s12, $0xb8;
	[tilespmem:$0x1FA40] =	vst v63  }
0x237: {  	_ =	swait.ge [sflag:s17], $0x2000  }
0x238: {  	p1 =	por $0x0, $0x0;
	[sflag:s17] =	ssyncset.done $0x0  }
.Ltmp11:
0x239: {  	s8 =	simm.s32 $0x14AC0;
	[sflag:s17] =	ssyncadd.s32 $0xFFFFE000;
	(pc) =	sbr.rel @p1 .LBB2_12-.Ltmp11, $4  }
0x23a: {  	[spmem:s3] =	stream.indirect.scatter.add.f32 [tilespmem:s15], [sflag:$0x5], $0x40, s8, s12, $0xb8;
	[tilespmem:$0x1FA40] =	vst v63  }
0x23b: {  	_ =	swait.ge [sflag:s30], $0x2000  }
0x23c: {  	[sflag:s30] =	ssyncset.done $0x0  }
0x23d: {  	s6 =	simm.s32 $0x400;
	s7 =	simm.s32 $0x13BC0;
	[sflag:s30] =	ssyncadd.s32 $0xFFFFE000  }
.LBB2_11:
0x23e: {  	[tilespmem:s15], [sflag:$0x2] =	stream.indirect.gather [spmem:s2], $0x40, s7, s12, $0xb8;
	[tilespmem:$0x1FA40] =	vst v63  }
0x23f: {  	s7 =	smov.u32 s6  }
0x240: {  	p1 =	seq.s32 s6, $0x3800;
	s6 =	sadd.s32 $0x400, s6;
	_ =	swait.ge [sflag:s16], $0x2000  }
0x241: {  	s7 =	sshra.s32 s7, $0x2;
	[sflag:s16] =	ssyncset.done $0x0  }
0x242: {  	s8 =	sadd.s32 $0x14A40, s7;
	[sflag:s16] =	ssyncadd.s32 $0xFFFFE000  }
0x243: {  	[spmem:s3] =	stream.indirect.scatter.add.f32 [tilespmem:s13], [sflag:$0x5], $0x40, s8, s12, $0xb8;
	[tilespmem:$0x1FA40] =	vst v63  }
0x244: {  	_ =	swait.ge [sflag:s30], $0x2000  }
0x245: {  	[sflag:s30] =	ssyncset.done $0x0  }
0x246: {  	s8 =	sadd.s32 $0x13B40, s7;
	[sflag:s30] =	ssyncadd.s32 $0xFFFFE000  }
0x247: {  	[tilespmem:s13], [sflag:$0x1] =	stream.indirect.gather [spmem:s2], $0x40, s8, s12, $0xb8;
	[tilespmem:$0x1FA40] =	vst v63  }
0x248: {  	_ =	swait.ge [sflag:s17], $0x2000  }
0x249: {  	[sflag:s17] =	ssyncset.done $0x0  }
.Ltmp12:
0x24a: {  	s8 =	sadd.s32 $0x14AC0, s7;
	[sflag:s17] =	ssyncadd.s32 $0xFFFFE000;
	(pc) =	sbr.rel @!p1 .LBB2_11-.Ltmp12, $4  }
0x24b: {  	[spmem:s3] =	stream.indirect.scatter.add.f32 [tilespmem:s15], [sflag:$0x5], $0x40, s8, s12, $0xb8;
	[tilespmem:$0x1FA40] =	vst v63  }
0x24c: {  	_ =	swait.ge [sflag:s30], $0x2000  }
0x24d: {  	[sflag:s30] =	ssyncset.done $0x0  }
0x24e: {  	s7 =	sadd.s32 $0x13BC0, s7;
	[sflag:s30] =	ssyncadd.s32 $0xFFFFE000  }
.Ltmp13:
0x24f: {  	_ = 	snop;
	(pc) =	sbr.rel .LBB2_12-.Ltmp13, $1  }
0x250: {  	_ =	sdelay $0x3  }
.LBB2_21:
0x251: {  	_ =	sfence.sel $0x180000  }
0x252: {  	[bflag:$0x0] =	sbarrier.arrive $0xFFFF  }
0x253: {  	_ =	strace $0x90000047  }
0x254: {  	[bflag:$0x2] =	sbarrier.arrive $0xFFFF  }
0x255: {  	p0 =	sne.s32 s1, $0x0;
	s0 =	rddreg [dreg:$0x4]  }
0x256: {  	s0 =	sadd.s32 @!p0 $0x100000, s0  }
0x257: {  	[sflag:s0] =	ssyncadd.tile.s32 @!p0 $0x1;
	_ =	shalt  }
.Lfunc_end2:
_tile_overlayer_lowered:
.L_overlay_start_2:
0x258: {  	(tag) =	ssettag $0x2  }
0x259: {  	s0 =	rddreg [dreg:$0x0];
	s2 =	stileid.u32  }
0x25a: {  	s1 =	rddreg [dreg:$0x1];
	p0 =	sne.s32 s2, $0x0  }
0x25b: {  	s3 =	rddreg [dreg:$0x2];
	[bflag:$0x3] =	sbarrier.arrive $0xFFFF;
	s2 =	simm.s32 @!p0 $0x1C05  }
0x25c: {  	[timem:s3], [sflag:s2] =	dma.local @!p0 [hbm:s0], s1  }
0x25d: {  	s0 =	simm.s32 @!p0 $0x5  }
0x25e: {  	_ =	swait.ge @!p0 [sflag:s0], s1  }
0x25f: {  	s1 =	ssub.s32 @!p0 $0x0, s1;
	[sflag:s0] =	ssyncset.done @!p0 $0x0  }
0x260: {  	[sflag:s0] =	ssyncadd.s32 @!p0 s1  }
0x261: {  	[bflag:$0x3] =	sbarrier.arrive $0xFFFF  }
0x262: {  	_ =	shalt  }

</sc_bundles>
